<compile_context>
chip_gen: v7x
topology: tpu7x:2x2x1
jax: 0.10.2.dev20260603
libtpu: 0.0.44.dev20260713+nightly
codegen_flags: <defaults>
</compile_context>

<pallas_src>
import functools

import jax
import jax.numpy as jnp
from jax import lax
from jax.experimental import pallas as pl
from jax.experimental.pallas import tpu as pltpu
from jax.experimental.pallas import tpu_sc as plsc

B, S, D = 4, 8192, 1024
NC, NS = 2, 16
NW = NC * NS
S_PER_W = S // NW
CHUNK = 8
N_CHUNKS = S_PER_W // CHUNK
LANES = 16


def _sc_body(x_hbm, pe_hbm, out_hbm,
             peb0, peb1,
             xb00, xb01, xb02, xb03,
             xb10, xb11, xb12, xb13,
             pe_sem0, pe_sem1, in_sem0, in_sem1, out_sem):
    peb = (peb0, peb1)
    xb = ((xb00, xb01, xb02, xb03), (xb10, xb11, xb12, xb13))
    pe_sem = (pe_sem0, pe_sem1)
    in_sem = (in_sem0, in_sem1)

    wid = lax.axis_index("s") * NC + lax.axis_index("c")
    base = wid * S_PER_W

    def pe_row(c):
        return pl.multiple_of(base + c * CHUNK, 8)

    def x_row(c, b):
        return pl.multiple_of(b * S + base + c * CHUNK, 8)

    def issue_pe(c, p):
        pltpu.async_copy(pe_hbm.at[pl.ds(pe_row(c), CHUNK)], peb[p], pe_sem[p])

    def issue_in(c, p):
        for b in range(B):
            pltpu.async_copy(x_hbm.at[pl.ds(x_row(c, b), CHUNK)], xb[p][b],
                             in_sem[p])

    def wait_pe(p):
        pltpu.make_async_copy(pe_hbm.at[pl.ds(0, CHUNK)], peb[p],
                              pe_sem[p]).wait()

    def wait_in(p):
        for b in range(B):
            pltpu.make_async_copy(x_hbm.at[pl.ds(0, CHUNK)], xb[p][b],
                                  in_sem[p]).wait()

    def drain_outs():
        for b in range(B):
            pltpu.make_async_copy(x_hbm.at[pl.ds(0, CHUNK)], xb[0][b],
                                  out_sem).wait()

    def chunk_step(c, p):
        wait_pe(p)

        @pl.when(c + 1 < N_CHUNKS)
        def _():
            issue_pe(c + 1, 1 - p)

        wait_in(p)

        @pl.when(c > 0)
        def _():
            drain_outs()

        @pl.when(c + 1 < N_CHUNKS)
        def _():
            issue_in(c + 1, 1 - p)

        bufs = xb[p]
        pbuf = peb[p]

        for r in range(CHUNK):
            @plsc.parallel_loop(0, D, LANES, unroll=4)
            def _(i, r=r):
                j = pl.multiple_of(i, 8)
                pe_slice = pbuf[r, pl.ds(j, LANES)]
                for b in range(B):
                    bufs[b][r, pl.ds(j, LANES)] = (
                        bufs[b][r, pl.ds(j, LANES)] + pe_slice)

        for b in range(B):
            pltpu.async_copy(bufs[b], out_hbm.at[pl.ds(x_row(c, b), CHUNK)],
                             out_sem)

    issue_pe(0, 0)
    issue_in(0, 0)

    def loop_body(t, carry):
        chunk_step(2 * t, 0)
        chunk_step(2 * t + 1, 1)
        return carry

    lax.fori_loop(0, N_CHUNKS // 2, loop_body, 0)
    drain_outs()


@jax.jit
def kernel(x, pe_table):
    mesh = plsc.VectorSubcoreMesh(core_axis_name="c", subcore_axis_name="s")
    k = functools.partial(
        pl.kernel,
        mesh=mesh,
        out_type=jax.ShapeDtypeStruct((B * S, D), jnp.float32),
        scratch_types=(
            [pltpu.VMEM((CHUNK, D), jnp.float32)] * 2
            + [pltpu.VMEM((CHUNK, D), jnp.float32)] * 8
            + [pltpu.SemaphoreType.DMA] * 5
        ),
    )(_sc_body)
    out2d = k(x.reshape(B * S, D), pe_table)
    return out2d.reshape(B, S, D)

# --- scband reference (transcript-rebuilt; emitter-appended) ---
"""Pipeline reference for scband-trainable-position-encoding-58153857187840 (READ-ONLY COPY).

The authoritative reference and input builder live on the scoring server;
editing this copy changes nothing except your own understanding.
"""

import jax, jax.numpy as jnp
import numpy as np

MAX_SEQ = 8192
D_MODEL = 1024

def setup_inputs(seed: int = 0) -> dict:
    key = jax.random.key(seed)
    kx, = jax.random.split(key, 1)
    x = jax.random.normal(kx, (4, 8192, 1024), dtype=jnp.float32)
    # nn.Embedding weight initialized to constant 0.0 per the module's __init__
    pe_table = jnp.zeros((MAX_SEQ, D_MODEL), dtype=jnp.float32)
    return {"x": x, "pe_table": pe_table}

def reference(x, pe_table):
    batch_size, sequence_length, _ = x.shape
    positions = jnp.broadcast_to(jnp.arange(sequence_length)[None, :], (batch_size, sequence_length))
    pe = jnp.take(pe_table, positions, axis=0)  # [B, S, d_model] embedding gather
    return x + pe

if __name__ == "__main__":
    import jax
    _d = setup_inputs()
    print(jax.jit(kernel)(*tuple(_d.values())))

</pallas_src>

<mosaic_0001>
#map = affine_map<(d0, d1) -> (0, 0)>
module attributes {stable_mosaic.version = 14 : i64} {
  func.func @_sc_body(%arg0: i32, %arg1: i32, %arg2: memref<32768x1024xf32, #tpu.memory_space<hbm>>, %arg3: memref<8192x1024xf32, #tpu.memory_space<hbm>>, %arg4: memref<32768x1024xf32, #tpu.memory_space<hbm>>, %arg5: memref<8x1024xf32, #tpu.memory_space<vmem>>, %arg6: memref<8x1024xf32, #tpu.memory_space<vmem>>, %arg7: memref<8x1024xf32, #tpu.memory_space<vmem>>, %arg8: memref<8x1024xf32, #tpu.memory_space<vmem>>, %arg9: memref<8x1024xf32, #tpu.memory_space<vmem>>, %arg10: memref<8x1024xf32, #tpu.memory_space<vmem>>, %arg11: memref<8x1024xf32, #tpu.memory_space<vmem>>, %arg12: memref<8x1024xf32, #tpu.memory_space<vmem>>, %arg13: memref<8x1024xf32, #tpu.memory_space<vmem>>, %arg14: memref<8x1024xf32, #tpu.memory_space<vmem>>, %arg15: memref<!tpu.dma_semaphore, #tpu.memory_space<semaphore_mem>>, %arg16: memref<!tpu.dma_semaphore, #tpu.memory_space<semaphore_mem>>, %arg17: memref<!tpu.dma_semaphore, #tpu.memory_space<semaphore_mem>>, %arg18: memref<!tpu.dma_semaphore, #tpu.memory_space<semaphore_mem>>, %arg19: memref<!tpu.dma_semaphore, #tpu.memory_space<semaphore_mem>>) attributes {dimension_semantics = [#tpu.dimension_semantics<core_parallel>, #tpu.dimension_semantics<subcore_parallel>], iteration_bounds = array<i64: 2, 16>, scalar_prefetch = 0 : i64, scratch_operands = 15 : i64, tpu.core_type = #tpu.core_type<sc_vector_subcore>, window_params = [{transform_indices = #map}, {transform_indices = #map}, {transform_indices = #map}]} {
    %mul3A = arith.constant 2 : i32
    %mul3A_0 = arith.muli %arg1, %mul3A : i32
    %add3A = arith.addi %mul3A_0, %arg0 : i32
    %mul3A_1 = arith.constant 256 : i32
    %mul3A_2 = arith.muli %add3A, %mul3A_1 : i32
    %add3A_3 = arith.constant 0 : i32
    %add3A_4 = arith.addi %mul3A_2, %add3A_3 : i32
    %multiple_of3A = tpu.assume_multiple %add3A_4, 8 : i32
    %dma_start3A = arith.constant 0 : i32
    %dma_start3A_5 = tpu.memref_slice %arg3[%multiple_of3A, %dma_start3A] : memref<8192x1024xf32, #tpu.memory_space<hbm>> -> memref<8x1024xf32, #tpu.memory_space<hbm>>
    %dma_start3A_6 = arith.constant 0 : i32
    %dma_start3A_7 = tpu.memref_slice %arg3[%multiple_of3A, %dma_start3A_6] : memref<8192x1024xf32, #tpu.memory_space<hbm>> -> memref<8x1024xf32, #tpu.memory_space<hbm>>
    tpu.enqueue_dma source(%dma_start3A_7 : memref<8x1024xf32, #tpu.memory_space<hbm>>) target(%arg5 : memref<8x1024xf32, #tpu.memory_space<vmem>>) target_semaphore(%arg15 : memref<!tpu.dma_semaphore, #tpu.memory_space<semaphore_mem>>)
    %add3A_8 = arith.constant 0 : i32
    %add3A_9 = arith.addi %add3A_8, %mul3A_2 : i32
    %add3A_10 = arith.constant 0 : i32
    %add3A_11 = arith.addi %add3A_9, %add3A_10 : i32
    %multiple_of3A_12 = tpu.assume_multiple %add3A_11, 8 : i32
    %dma_start3A_13 = arith.constant 0 : i32
    %dma_start3A_14 = tpu.memref_slice %arg2[%multiple_of3A_12, %dma_start3A_13] : memref<32768x1024xf32, #tpu.memory_space<hbm>> -> memref<8x1024xf32, #tpu.memory_space<hbm>>
    %dma_start3A_15 = arith.constant 0 : i32
    %dma_start3A_16 = tpu.memref_slice %arg2[%multiple_of3A_12, %dma_start3A_15] : memref<32768x1024xf32, #tpu.memory_space<hbm>> -> memref<8x1024xf32, #tpu.memory_space<hbm>>
    tpu.enqueue_dma source(%dma_start3A_16 : memref<8x1024xf32, #tpu.memory_space<hbm>>) target(%arg7 : memref<8x1024xf32, #tpu.memory_space<vmem>>) target_semaphore(%arg17 : memref<!tpu.dma_semaphore, #tpu.memory_space<semaphore_mem>>)
    %add3A_17 = arith.constant 8192 : i32
    %add3A_18 = arith.addi %add3A_17, %mul3A_2 : i32
    %add3A_19 = arith.constant 0 : i32
    %add3A_20 = arith.addi %add3A_18, %add3A_19 : i32
    %multiple_of3A_21 = tpu.assume_multiple %add3A_20, 8 : i32
    %dma_start3A_22 = arith.constant 0 : i32
    %dma_start3A_23 = tpu.memref_slice %arg2[%multiple_of3A_21, %dma_start3A_22] : memref<32768x1024xf32, #tpu.memory_space<hbm>> -> memref<8x1024xf32, #tpu.memory_space<hbm>>
    %dma_start3A_24 = arith.constant 0 : i32
    %dma_start3A_25 = tpu.memref_slice %arg2[%multiple_of3A_21, %dma_start3A_24] : memref<32768x1024xf32, #tpu.memory_space<hbm>> -> memref<8x1024xf32, #tpu.memory_space<hbm>>
    tpu.enqueue_dma source(%dma_start3A_25 : memref<8x1024xf32, #tpu.memory_space<hbm>>) target(%arg8 : memref<8x1024xf32, #tpu.memory_space<vmem>>) target_semaphore(%arg17 : memref<!tpu.dma_semaphore, #tpu.memory_space<semaphore_mem>>)
    %add3A_26 = arith.constant 16384 : i32
    %add3A_27 = arith.addi %add3A_26, %mul3A_2 : i32
    %add3A_28 = arith.constant 0 : i32
    %add3A_29 = arith.addi %add3A_27, %add3A_28 : i32
    %multiple_of3A_30 = tpu.assume_multiple %add3A_29, 8 : i32
    %dma_start3A_31 = arith.constant 0 : i32
    %dma_start3A_32 = tpu.memref_slice %arg2[%multiple_of3A_30, %dma_start3A_31] : memref<32768x1024xf32, #tpu.memory_space<hbm>> -> memref<8x1024xf32, #tpu.memory_space<hbm>>
    %dma_start3A_33 = arith.constant 0 : i32
    %dma_start3A_34 = tpu.memref_slice %arg2[%multiple_of3A_30, %dma_start3A_33] : memref<32768x1024xf32, #tpu.memory_space<hbm>> -> memref<8x1024xf32, #tpu.memory_space<hbm>>
    tpu.enqueue_dma source(%dma_start3A_34 : memref<8x1024xf32, #tpu.memory_space<hbm>>) target(%arg9 : memref<8x1024xf32, #tpu.memory_space<vmem>>) target_semaphore(%arg17 : memref<!tpu.dma_semaphore, #tpu.memory_space<semaphore_mem>>)
    %add3A_35 = arith.constant 24576 : i32
    %add3A_36 = arith.addi %add3A_35, %mul3A_2 : i32
    %add3A_37 = arith.constant 0 : i32
    %add3A_38 = arith.addi %add3A_36, %add3A_37 : i32
    %multiple_of3A_39 = tpu.assume_multiple %add3A_38, 8 : i32
    %dma_start3A_40 = arith.constant 0 : i32
    %dma_start3A_41 = tpu.memref_slice %arg2[%multiple_of3A_39, %dma_start3A_40] : memref<32768x1024xf32, #tpu.memory_space<hbm>> -> memref<8x1024xf32, #tpu.memory_space<hbm>>
    %dma_start3A_42 = arith.constant 0 : i32
    %dma_start3A_43 = tpu.memref_slice %arg2[%multiple_of3A_39, %dma_start3A_42] : memref<32768x1024xf32, #tpu.memory_space<hbm>> -> memref<8x1024xf32, #tpu.memory_space<hbm>>
    tpu.enqueue_dma source(%dma_start3A_43 : memref<8x1024xf32, #tpu.memory_space<hbm>>) target(%arg10 : memref<8x1024xf32, #tpu.memory_space<vmem>>) target_semaphore(%arg17 : memref<!tpu.dma_semaphore, #tpu.memory_space<semaphore_mem>>)
    %scan3A = arith.constant 0 : i32
    %scan3A_44 = arith.constant 0 : i32
    %scan3A_45 = arith.constant 16 : i32
    %scan3A_46 = arith.addi %scan3A_44, %scan3A_45 : i32
    %scan3A_47 = arith.constant 1 : i32
    scf.for %scan3A_72 = %scan3A_44 to %scan3A_46 step %scan3A_47  : i32 {
      %mul3A_73 = arith.constant 2 : i32
      %mul3A_74 = arith.muli %mul3A_73, %scan3A_72 : i32
      %dma_wait3A_75 = arith.constant 0 : i32
      %dma_wait3A_76 = arith.constant 0 : i32
      %dma_wait3A_77 = tpu.memref_slice %arg3[%dma_wait3A_75, %dma_wait3A_76] : memref<8192x1024xf32, #tpu.memory_space<hbm>> -> memref<8x1024xf32, #tpu.memory_space<hbm>>
      %dma_wait3A_78 = arith.constant 0 : i32
      %dma_wait3A_79 = arith.constant 0 : i32
      %dma_wait3A_80 = tpu.memref_slice %arg3[%dma_wait3A_78, %dma_wait3A_79] : memref<8192x1024xf32, #tpu.memory_space<hbm>> -> memref<8x1024xf32, #tpu.memory_space<hbm>>
      tpu.wait_dma2 semaphore(%arg15 : memref<!tpu.dma_semaphore, #tpu.memory_space<semaphore_mem>>) src(%dma_wait3A_80 : memref<8x1024xf32, #tpu.memory_space<hbm>>) dst(%arg5 : memref<8x1024xf32, #tpu.memory_space<vmem>>)
      %add3A_81 = arith.constant 1 : i32
      %add3A_82 = arith.addi %mul3A_74, %add3A_81 : i32
      %lt3A = arith.constant 32 : i32
      %lt3A_83 = arith.cmpi slt, %add3A_82, %lt3A : i32
      %convert_element_type3A = arith.extui %lt3A_83 : i1 to i32
      %cond3A = arith.constant 0 : i32
      %cond3A_84 = arith.cmpi ne, %convert_element_type3A, %cond3A : i32
      scf.if %cond3A_84 {
        %add3A_300 = arith.constant 1 : i32
        %add3A_301 = arith.addi %mul3A_74, %add3A_300 : i32
        %mul3A_302 = arith.constant 8 : i32
        %mul3A_303 = arith.muli %add3A_301, %mul3A_302 : i32
        %add3A_304 = arith.addi %mul3A_2, %mul3A_303 : i32
        %multiple_of3A_305 = tpu.assume_multiple %add3A_304, 8 : i32
        %dma_start3A_306 = arith.constant 0 : i32
        %dma_start3A_307 = tpu.memref_slice %arg3[%multiple_of3A_305, %dma_start3A_306] : memref<8192x1024xf32, #tpu.memory_space<hbm>> -> memref<8x1024xf32, #tpu.memory_space<hbm>>
        %dma_start3A_308 = arith.constant 0 : i32
        %dma_start3A_309 = tpu.memref_slice %arg3[%multiple_of3A_305, %dma_start3A_308] : memref<8192x1024xf32, #tpu.memory_space<hbm>> -> memref<8x1024xf32, #tpu.memory_space<hbm>>
        tpu.enqueue_dma source(%dma_start3A_309 : memref<8x1024xf32, #tpu.memory_space<hbm>>) target(%arg6 : memref<8x1024xf32, #tpu.memory_space<vmem>>) target_semaphore(%arg16 : memref<!tpu.dma_semaphore, #tpu.memory_space<semaphore_mem>>)
      } else {
      }
      %dma_wait3A_85 = arith.constant 0 : i32
      %dma_wait3A_86 = arith.constant 0 : i32
      %dma_wait3A_87 = tpu.memref_slice %arg2[%dma_wait3A_85, %dma_wait3A_86] : memref<32768x1024xf32, #tpu.memory_space<hbm>> -> memref<8x1024xf32, #tpu.memory_space<hbm>>
      %dma_wait3A_88 = arith.constant 0 : i32
      %dma_wait3A_89 = arith.constant 0 : i32
      %dma_wait3A_90 = tpu.memref_slice %arg2[%dma_wait3A_88, %dma_wait3A_89] : memref<32768x1024xf32, #tpu.memory_space<hbm>> -> memref<8x1024xf32, #tpu.memory_space<hbm>>
      tpu.wait_dma2 semaphore(%arg17 : memref<!tpu.dma_semaphore, #tpu.memory_space<semaphore_mem>>) src(%dma_wait3A_90 : memref<8x1024xf32, #tpu.memory_space<hbm>>) dst(%arg7 : memref<8x1024xf32, #tpu.memory_space<vmem>>)
      %dma_wait3A_91 = arith.constant 0 : i32
      %dma_wait3A_92 = arith.constant 0 : i32
      %dma_wait3A_93 = tpu.memref_slice %arg2[%dma_wait3A_91, %dma_wait3A_92] : memref<32768x1024xf32, #tpu.memory_space<hbm>> -> memref<8x1024xf32, #tpu.memory_space<hbm>>
      %dma_wait3A_94 = arith.constant 0 : i32
      %dma_wait3A_95 = arith.constant 0 : i32
      %dma_wait3A_96 = tpu.memref_slice %arg2[%dma_wait3A_94, %dma_wait3A_95] : memref<32768x1024xf32, #tpu.memory_space<hbm>> -> memref<8x1024xf32, #tpu.memory_space<hbm>>
      tpu.wait_dma2 semaphore(%arg17 : memref<!tpu.dma_semaphore, #tpu.memory_space<semaphore_mem>>) src(%dma_wait3A_96 : memref<8x1024xf32, #tpu.memory_space<hbm>>) dst(%arg8 : memref<8x1024xf32, #tpu.memory_space<vmem>>)
      %dma_wait3A_97 = arith.constant 0 : i32
      %dma_wait3A_98 = arith.constant 0 : i32
      %dma_wait3A_99 = tpu.memref_slice %arg2[%dma_wait3A_97, %dma_wait3A_98] : memref<32768x1024xf32, #tpu.memory_space<hbm>> -> memref<8x1024xf32, #tpu.memory_space<hbm>>
      %dma_wait3A_100 = arith.constant 0 : i32
      %dma_wait3A_101 = arith.constant 0 : i32
      %dma_wait3A_102 = tpu.memref_slice %arg2[%dma_wait3A_100, %dma_wait3A_101] : memref<32768x1024xf32, #tpu.memory_space<hbm>> -> memref<8x1024xf32, #tpu.memory_space<hbm>>
      tpu.wait_dma2 semaphore(%arg17 : memref<!tpu.dma_semaphore, #tpu.memory_space<semaphore_mem>>) src(%dma_wait3A_102 : memref<8x1024xf32, #tpu.memory_space<hbm>>) dst(%arg9 : memref<8x1024xf32, #tpu.memory_space<vmem>>)
      %dma_wait3A_103 = arith.constant 0 : i32
      %dma_wait3A_104 = arith.constant 0 : i32
      %dma_wait3A_105 = tpu.memref_slice %arg2[%dma_wait3A_103, %dma_wait3A_104] : memref<32768x1024xf32, #tpu.memory_space<hbm>> -> memref<8x1024xf32, #tpu.memory_space<hbm>>
      %dma_wait3A_106 = arith.constant 0 : i32
      %dma_wait3A_107 = arith.constant 0 : i32
      %dma_wait3A_108 = tpu.memref_slice %arg2[%dma_wait3A_106, %dma_wait3A_107] : memref<32768x1024xf32, #tpu.memory_space<hbm>> -> memref<8x1024xf32, #tpu.memory_space<hbm>>
      tpu.wait_dma2 semaphore(%arg17 : memref<!tpu.dma_semaphore, #tpu.memory_space<semaphore_mem>>) src(%dma_wait3A_108 : memref<8x1024xf32, #tpu.memory_space<hbm>>) dst(%arg10 : memref<8x1024xf32, #tpu.memory_space<vmem>>)
      %gt3A = arith.constant 0 : i32
      %gt3A_109 = arith.cmpi sgt, %mul3A_74, %gt3A : i32
      %convert_element_type3A_110 = arith.extui %gt3A_109 : i1 to i32
      %cond3A_111 = arith.constant 0 : i32
      %cond3A_112 = arith.cmpi ne, %convert_element_type3A_110, %cond3A_111 : i32
      scf.if %cond3A_112 {
        %dma_wait3A_300 = arith.constant 0 : i32
        %dma_wait3A_301 = arith.constant 0 : i32
        %dma_wait3A_302 = tpu.memref_slice %arg2[%dma_wait3A_300, %dma_wait3A_301] : memref<32768x1024xf32, #tpu.memory_space<hbm>> -> memref<8x1024xf32, #tpu.memory_space<hbm>>
        %dma_wait3A_303 = arith.constant 0 : i32
        %dma_wait3A_304 = arith.constant 0 : i32
        %dma_wait3A_305 = tpu.memref_slice %arg2[%dma_wait3A_303, %dma_wait3A_304] : memref<32768x1024xf32, #tpu.memory_space<hbm>> -> memref<8x1024xf32, #tpu.memory_space<hbm>>
        tpu.wait_dma2 semaphore(%arg19 : memref<!tpu.dma_semaphore, #tpu.memory_space<semaphore_mem>>) src(%dma_wait3A_305 : memref<8x1024xf32, #tpu.memory_space<hbm>>) dst(%arg7 : memref<8x1024xf32, #tpu.memory_space<vmem>>)
        %dma_wait3A_306 = arith.constant 0 : i32
        %dma_wait3A_307 = arith.constant 0 : i32
        %dma_wait3A_308 = tpu.memref_slice %arg2[%dma_wait3A_306, %dma_wait3A_307] : memref<32768x1024xf32, #tpu.memory_space<hbm>> -> memref<8x1024xf32, #tpu.memory_space<hbm>>
        %dma_wait3A_309 = arith.constant 0 : i32
        %dma_wait3A_310 = arith.constant 0 : i32
        %dma_wait3A_311 = tpu.memref_slice %arg2[%dma_wait3A_309, %dma_wait3A_310] : memref<32768x1024xf32, #tpu.memory_space<hbm>> -> memref<8x1024xf32, #tpu.memory_space<hbm>>
        tpu.wait_dma2 semaphore(%arg19 : memref<!tpu.dma_semaphore, #tpu.memory_space<semaphore_mem>>) src(%dma_wait3A_311 : memref<8x1024xf32, #tpu.memory_space<hbm>>) dst(%arg8 : memref<8x1024xf32, #tpu.memory_space<vmem>>)
        %dma_wait3A_312 = arith.constant 0 : i32
        %dma_wait3A_313 = arith.constant 0 : i32
        %dma_wait3A_314 = tpu.memref_slice %arg2[%dma_wait3A_312, %dma_wait3A_313] : memref<32768x1024xf32, #tpu.memory_space<hbm>> -> memref<8x1024xf32, #tpu.memory_space<hbm>>
        %dma_wait3A_315 = arith.constant 0 : i32
        %dma_wait3A_316 = arith.constant 0 : i32
        %dma_wait3A_317 = tpu.memref_slice %arg2[%dma_wait3A_315, %dma_wait3A_316] : memref<32768x1024xf32, #tpu.memory_space<hbm>> -> memref<8x1024xf32, #tpu.memory_space<hbm>>
        tpu.wait_dma2 semaphore(%arg19 : memref<!tpu.dma_semaphore, #tpu.memory_space<semaphore_mem>>) src(%dma_wait3A_317 : memref<8x1024xf32, #tpu.memory_space<hbm>>) dst(%arg9 : memref<8x1024xf32, #tpu.memory_space<vmem>>)
        %dma_wait3A_318 = arith.constant 0 : i32
        %dma_wait3A_319 = arith.constant 0 : i32
        %dma_wait3A_320 = tpu.memref_slice %arg2[%dma_wait3A_318, %dma_wait3A_319] : memref<32768x1024xf32, #tpu.memory_space<hbm>> -> memref<8x1024xf32, #tpu.memory_space<hbm>>
        %dma_wait3A_321 = arith.constant 0 : i32
        %dma_wait3A_322 = arith.constant 0 : i32
        %dma_wait3A_323 = tpu.memref_slice %arg2[%dma_wait3A_321, %dma_wait3A_322] : memref<32768x1024xf32, #tpu.memory_space<hbm>> -> memref<8x1024xf32, #tpu.memory_space<hbm>>
        tpu.wait_dma2 semaphore(%arg19 : memref<!tpu.dma_semaphore, #tpu.memory_space<semaphore_mem>>) src(%dma_wait3A_323 : memref<8x1024xf32, #tpu.memory_space<hbm>>) dst(%arg10 : memref<8x1024xf32, #tpu.memory_space<vmem>>)
      } else {
      }
      %add3A_113 = arith.constant 1 : i32
      %add3A_114 = arith.addi %mul3A_74, %add3A_113 : i32
      %lt3A_115 = arith.constant 32 : i32
      %lt3A_116 = arith.cmpi slt, %add3A_114, %lt3A_115 : i32
      %convert_element_type3A_117 = arith.extui %lt3A_116 : i1 to i32
      %cond3A_118 = arith.constant 0 : i32
      %cond3A_119 = arith.cmpi ne, %convert_element_type3A_117, %cond3A_118 : i32
      scf.if %cond3A_119 {
        %add3A_300 = arith.constant 1 : i32
        %add3A_301 = arith.addi %mul3A_74, %add3A_300 : i32
        %add3A_302 = arith.constant 0 : i32
        %add3A_303 = arith.addi %add3A_302, %mul3A_2 : i32
        %mul3A_304 = arith.constant 8 : i32
        %mul3A_305 = arith.muli %add3A_301, %mul3A_304 : i32
        %add3A_306 = arith.addi %add3A_303, %mul3A_305 : i32
        %multiple_of3A_307 = tpu.assume_multiple %add3A_306, 8 : i32
        %dma_start3A_308 = arith.constant 0 : i32
        %dma_start3A_309 = tpu.memref_slice %arg2[%multiple_of3A_307, %dma_start3A_308] : memref<32768x1024xf32, #tpu.memory_space<hbm>> -> memref<8x1024xf32, #tpu.memory_space<hbm>>
        %dma_start3A_310 = arith.constant 0 : i32
        %dma_start3A_311 = tpu.memref_slice %arg2[%multiple_of3A_307, %dma_start3A_310] : memref<32768x1024xf32, #tpu.memory_space<hbm>> -> memref<8x1024xf32, #tpu.memory_space<hbm>>
        tpu.enqueue_dma source(%dma_start3A_311 : memref<8x1024xf32, #tpu.memory_space<hbm>>) target(%arg11 : memref<8x1024xf32, #tpu.memory_space<vmem>>) target_semaphore(%arg18 : memref<!tpu.dma_semaphore, #tpu.memory_space<semaphore_mem>>)
        %add3A_312 = arith.constant 8192 : i32
        %add3A_313 = arith.addi %add3A_312, %mul3A_2 : i32
        %mul3A_314 = arith.constant 8 : i32
        %mul3A_315 = arith.muli %add3A_301, %mul3A_314 : i32
        %add3A_316 = arith.addi %add3A_313, %mul3A_315 : i32
        %multiple_of3A_317 = tpu.assume_multiple %add3A_316, 8 : i32
        %dma_start3A_318 = arith.constant 0 : i32
        %dma_start3A_319 = tpu.memref_slice %arg2[%multiple_of3A_317, %dma_start3A_318] : memref<32768x1024xf32, #tpu.memory_space<hbm>> -> memref<8x1024xf32, #tpu.memory_space<hbm>>
        %dma_start3A_320 = arith.constant 0 : i32
        %dma_start3A_321 = tpu.memref_slice %arg2[%multiple_of3A_317, %dma_start3A_320] : memref<32768x1024xf32, #tpu.memory_space<hbm>> -> memref<8x1024xf32, #tpu.memory_space<hbm>>
        tpu.enqueue_dma source(%dma_start3A_321 : memref<8x1024xf32, #tpu.memory_space<hbm>>) target(%arg12 : memref<8x1024xf32, #tpu.memory_space<vmem>>) target_semaphore(%arg18 : memref<!tpu.dma_semaphore, #tpu.memory_space<semaphore_mem>>)
        %add3A_322 = arith.constant 16384 : i32
        %add3A_323 = arith.addi %add3A_322, %mul3A_2 : i32
        %mul3A_324 = arith.constant 8 : i32
        %mul3A_325 = arith.muli %add3A_301, %mul3A_324 : i32
        %add3A_326 = arith.addi %add3A_323, %mul3A_325 : i32
        %multiple_of3A_327 = tpu.assume_multiple %add3A_326, 8 : i32
        %dma_start3A_328 = arith.constant 0 : i32
        %dma_start3A_329 = tpu.memref_slice %arg2[%multiple_of3A_327, %dma_start3A_328] : memref<32768x1024xf32, #tpu.memory_space<hbm>> -> memref<8x1024xf32, #tpu.memory_space<hbm>>
        %dma_start3A_330 = arith.constant 0 : i32
        %dma_start3A_331 = tpu.memref_slice %arg2[%multiple_of3A_327, %dma_start3A_330] : memref<32768x1024xf32, #tpu.memory_space<hbm>> -> memref<8x1024xf32, #tpu.memory_space<hbm>>
        tpu.enqueue_dma source(%dma_start3A_331 : memref<8x1024xf32, #tpu.memory_space<hbm>>) target(%arg13 : memref<8x1024xf32, #tpu.memory_space<vmem>>) target_semaphore(%arg18 : memref<!tpu.dma_semaphore, #tpu.memory_space<semaphore_mem>>)
        %add3A_332 = arith.constant 24576 : i32
        %add3A_333 = arith.addi %add3A_332, %mul3A_2 : i32
        %mul3A_334 = arith.constant 8 : i32
        %mul3A_335 = arith.muli %add3A_301, %mul3A_334 : i32
        %add3A_336 = arith.addi %add3A_333, %mul3A_335 : i32
        %multiple_of3A_337 = tpu.assume_multiple %add3A_336, 8 : i32
        %dma_start3A_338 = arith.constant 0 : i32
        %dma_start3A_339 = tpu.memref_slice %arg2[%multiple_of3A_337, %dma_start3A_338] : memref<32768x1024xf32, #tpu.memory_space<hbm>> -> memref<8x1024xf32, #tpu.memory_space<hbm>>
        %dma_start3A_340 = arith.constant 0 : i32
        %dma_start3A_341 = tpu.memref_slice %arg2[%multiple_of3A_337, %dma_start3A_340] : memref<32768x1024xf32, #tpu.memory_space<hbm>> -> memref<8x1024xf32, #tpu.memory_space<hbm>>
        tpu.enqueue_dma source(%dma_start3A_341 : memref<8x1024xf32, #tpu.memory_space<hbm>>) target(%arg14 : memref<8x1024xf32, #tpu.memory_space<vmem>>) target_semaphore(%arg18 : memref<!tpu.dma_semaphore, #tpu.memory_space<semaphore_mem>>)
      } else {
      }
      %parallel_loop3A = arith.constant 0 : i32
      %parallel_loop3A_120 = arith.constant 1024 : i32
      %parallel_loop3A_121 = arith.constant 16 : i32
      scf.for %parallel_loop3A_300 = %parallel_loop3A to %parallel_loop3A_120 step %parallel_loop3A_121  : i32 {
        %parallel_loop3A_301 = tpu.assume_multiple %parallel_loop3A_300, 8 : i32
        %parallel_loop3A_302 = arith.constant 0 : i32
        %parallel_loop3A_303 = arith.index_cast %parallel_loop3A_302 : i32 to index
        %parallel_loop3A_304 = arith.index_cast %parallel_loop3A_301 : i32 to index
        %parallel_loop3A_305 = tpu.vector_load %arg5[%parallel_loop3A_303, %parallel_loop3A_304] {strides = array<i32>} : memref<8x1024xf32, #tpu.memory_space<vmem>>, vector<1x16xf32>,
        %parallel_loop3A_306 = vector.shape_cast %parallel_loop3A_305 : vector<1x16xf32> to vector<16xf32>
        %parallel_loop3A_307 = arith.constant 0 : i32
        %parallel_loop3A_308 = arith.index_cast %parallel_loop3A_307 : i32 to index
        %parallel_loop3A_309 = arith.index_cast %parallel_loop3A_301 : i32 to index
        %parallel_loop3A_310 = tpu.vector_load %arg7[%parallel_loop3A_308, %parallel_loop3A_309] {strides = array<i32>} : memref<8x1024xf32, #tpu.memory_space<vmem>>, vector<1x16xf32>,
        %parallel_loop3A_311 = vector.shape_cast %parallel_loop3A_310 : vector<1x16xf32> to vector<16xf32>
        %parallel_loop3A_312 = arith.addf %parallel_loop3A_311, %parallel_loop3A_306 : vector<16xf32>
        %parallel_loop3A_313 = arith.constant 0 : i32
        %parallel_loop3A_314 = arith.index_cast %parallel_loop3A_313 : i32 to index
        %parallel_loop3A_315 = arith.index_cast %parallel_loop3A_301 : i32 to index
        %parallel_loop3A_316 = tpu.vector_load %arg7[%parallel_loop3A_314, %parallel_loop3A_315] {strides = array<i32>} : memref<8x1024xf32, #tpu.memory_space<vmem>>, vector<1x16xf32>,
        %parallel_loop3A_317 = vector.shape_cast %parallel_loop3A_316 : vector<1x16xf32> to vector<16xf32>
        %parallel_loop3A_318 = vector.shape_cast %parallel_loop3A_312 : vector<16xf32> to vector<1x16xf32>
        tpu.vector_store %arg7[%parallel_loop3A_314, %parallel_loop3A_315], %parallel_loop3A_318 {strides = array<i32>} : memref<8x1024xf32, #tpu.memory_space<vmem>>, vector<1x16xf32>,
        %parallel_loop3A_319 = arith.constant 0 : i32
        %parallel_loop3A_320 = arith.index_cast %parallel_loop3A_319 : i32 to index
        %parallel_loop3A_321 = arith.index_cast %parallel_loop3A_301 : i32 to index
        %parallel_loop3A_322 = tpu.vector_load %arg8[%parallel_loop3A_320, %parallel_loop3A_321] {strides = array<i32>} : memref<8x1024xf32, #tpu.memory_space<vmem>>, vector<1x16xf32>,
        %parallel_loop3A_323 = vector.shape_cast %parallel_loop3A_322 : vector<1x16xf32> to vector<16xf32>
        %parallel_loop3A_324 = arith.addf %parallel_loop3A_323, %parallel_loop3A_306 : vector<16xf32>
        %parallel_loop3A_325 = arith.constant 0 : i32
        %parallel_loop3A_326 = arith.index_cast %parallel_loop3A_325 : i32 to index
        %parallel_loop3A_327 = arith.index_cast %parallel_loop3A_301 : i32 to index
        %parallel_loop3A_328 = tpu.vector_load %arg8[%parallel_loop3A_326, %parallel_loop3A_327] {strides = array<i32>} : memref<8x1024xf32, #tpu.memory_space<vmem>>, vector<1x16xf32>,
        %parallel_loop3A_329 = vector.shape_cast %parallel_loop3A_328 : vector<1x16xf32> to vector<16xf32>
        %parallel_loop3A_330 = vector.shape_cast %parallel_loop3A_324 : vector<16xf32> to vector<1x16xf32>
        tpu.vector_store %arg8[%parallel_loop3A_326, %parallel_loop3A_327], %parallel_loop3A_330 {strides = array<i32>} : memref<8x1024xf32, #tpu.memory_space<vmem>>, vector<1x16xf32>,
        %parallel_loop3A_331 = arith.constant 0 : i32
        %parallel_loop3A_332 = arith.index_cast %parallel_loop3A_331 : i32 to index
        %parallel_loop3A_333 = arith.index_cast %parallel_loop3A_301 : i32 to index
        %parallel_loop3A_334 = tpu.vector_load %arg9[%parallel_loop3A_332, %parallel_loop3A_333] {strides = array<i32>} : memref<8x1024xf32, #tpu.memory_space<vmem>>, vector<1x16xf32>,
        %parallel_loop3A_335 = vector.shape_cast %parallel_loop3A_334 : vector<1x16xf32> to vector<16xf32>
        %parallel_loop3A_336 = arith.addf %parallel_loop3A_335, %parallel_loop3A_306 : vector<16xf32>
        %parallel_loop3A_337 = arith.constant 0 : i32
        %parallel_loop3A_338 = arith.index_cast %parallel_loop3A_337 : i32 to index
        %parallel_loop3A_339 = arith.index_cast %parallel_loop3A_301 : i32 to index
        %parallel_loop3A_340 = tpu.vector_load %arg9[%parallel_loop3A_338, %parallel_loop3A_339] {strides = array<i32>} : memref<8x1024xf32, #tpu.memory_space<vmem>>, vector<1x16xf32>,
        %parallel_loop3A_341 = vector.shape_cast %parallel_loop3A_340 : vector<1x16xf32> to vector<16xf32>
        %parallel_loop3A_342 = vector.shape_cast %parallel_loop3A_336 : vector<16xf32> to vector<1x16xf32>
        tpu.vector_store %arg9[%parallel_loop3A_338, %parallel_loop3A_339], %parallel_loop3A_342 {strides = array<i32>} : memref<8x1024xf32, #tpu.memory_space<vmem>>, vector<1x16xf32>,
        %parallel_loop3A_343 = arith.constant 0 : i32
        %parallel_loop3A_344 = arith.index_cast %parallel_loop3A_343 : i32 to index
        %parallel_loop3A_345 = arith.index_cast %parallel_loop3A_301 : i32 to index
        %parallel_loop3A_346 = tpu.vector_load %arg10[%parallel_loop3A_344, %parallel_loop3A_345] {strides = array<i32>} : memref<8x1024xf32, #tpu.memory_space<vmem>>, vector<1x16xf32>,
        %parallel_loop3A_347 = vector.shape_cast %parallel_loop3A_346 : vector<1x16xf32> to vector<16xf32>
        %parallel_loop3A_348 = arith.addf %parallel_loop3A_347, %parallel_loop3A_306 : vector<16xf32>
        %parallel_loop3A_349 = arith.constant 0 : i32
        %parallel_loop3A_350 = arith.index_cast %parallel_loop3A_349 : i32 to index
        %parallel_loop3A_351 = arith.index_cast %parallel_loop3A_301 : i32 to index
        %parallel_loop3A_352 = tpu.vector_load %arg10[%parallel_loop3A_350, %parallel_loop3A_351] {strides = array<i32>} : memref<8x1024xf32, #tpu.memory_space<vmem>>, vector<1x16xf32>,
        %parallel_loop3A_353 = vector.shape_cast %parallel_loop3A_352 : vector<1x16xf32> to vector<16xf32>
        %parallel_loop3A_354 = vector.shape_cast %parallel_loop3A_348 : vector<16xf32> to vector<1x16xf32>
        tpu.vector_store %arg10[%parallel_loop3A_350, %parallel_loop3A_351], %parallel_loop3A_354 {strides = array<i32>} : memref<8x1024xf32, #tpu.memory_space<vmem>>, vector<1x16xf32>,
      } {sc.loop_unroll_factor = 4 : i64, sc.parallel_access}
      %parallel_loop3A_122 = arith.constant 0 : i32
      %parallel_loop3A_123 = arith.constant 1024 : i32
      %parallel_loop3A_124 = arith.constant 16 : i32
      scf.for %parallel_loop3A_300 = %parallel_loop3A_122 to %parallel_loop3A_123 step %parallel_loop3A_124  : i32 {
        %parallel_loop3A_301 = tpu.assume_multiple %parallel_loop3A_300, 8 : i32
        %parallel_loop3A_302 = arith.constant 1 : i32
        %parallel_loop3A_303 = arith.index_cast %parallel_loop3A_302 : i32 to index
        %parallel_loop3A_304 = arith.index_cast %parallel_loop3A_301 : i32 to index
        %parallel_loop3A_305 = tpu.vector_load %arg5[%parallel_loop3A_303, %parallel_loop3A_304] {strides = array<i32>} : memref<8x1024xf32, #tpu.memory_space<vmem>>, vector<1x16xf32>,
        %parallel_loop3A_306 = vector.shape_cast %parallel_loop3A_305 : vector<1x16xf32> to vector<16xf32>
        %parallel_loop3A_307 = arith.constant 1 : i32
        %parallel_loop3A_308 = arith.index_cast %parallel_loop3A_307 : i32 to index
        %parallel_loop3A_309 = arith.index_cast %parallel_loop3A_301 : i32 to index
        %parallel_loop3A_310 = tpu.vector_load %arg7[%parallel_loop3A_308, %parallel_loop3A_309] {strides = array<i32>} : memref<8x1024xf32, #tpu.memory_space<vmem>>, vector<1x16xf32>,
        %parallel_loop3A_311 = vector.shape_cast %parallel_loop3A_310 : vector<1x16xf32> to vector<16xf32>
        %parallel_loop3A_312 = arith.addf %parallel_loop3A_311, %parallel_loop3A_306 : vector<16xf32>
        %parallel_loop3A_313 = arith.constant 1 : i32
        %parallel_loop3A_314 = arith.index_cast %parallel_loop3A_313 : i32 to index
        %parallel_loop3A_315 = arith.index_cast %parallel_loop3A_301 : i32 to index
        %parallel_loop3A_316 = tpu.vector_load %arg7[%parallel_loop3A_314, %parallel_loop3A_315] {strides = array<i32>} : memref<8x1024xf32, #tpu.memory_space<vmem>>, vector<1x16xf32>,
        %parallel_loop3A_317 = vector.shape_cast %parallel_loop3A_316 : vector<1x16xf32> to vector<16xf32>
        %parallel_loop3A_318 = vector.shape_cast %parallel_loop3A_312 : vector<16xf32> to vector<1x16xf32>
        tpu.vector_store %arg7[%parallel_loop3A_314, %parallel_loop3A_315], %parallel_loop3A_318 {strides = array<i32>} : memref<8x1024xf32, #tpu.memory_space<vmem>>, vector<1x16xf32>,
        %parallel_loop3A_319 = arith.constant 1 : i32
        %parallel_loop3A_320 = arith.index_cast %parallel_loop3A_319 : i32 to index
        %parallel_loop3A_321 = arith.index_cast %parallel_loop3A_301 : i32 to index
        %parallel_loop3A_322 = tpu.vector_load %arg8[%parallel_loop3A_320, %parallel_loop3A_321] {strides = array<i32>} : memref<8x1024xf32, #tpu.memory_space<vmem>>, vector<1x16xf32>,
        %parallel_loop3A_323 = vector.shape_cast %parallel_loop3A_322 : vector<1x16xf32> to vector<16xf32>
        %parallel_loop3A_324 = arith.addf %parallel_loop3A_323, %parallel_loop3A_306 : vector<16xf32>
        %parallel_loop3A_325 = arith.constant 1 : i32
        %parallel_loop3A_326 = arith.index_cast %parallel_loop3A_325 : i32 to index
        %parallel_loop3A_327 = arith.index_cast %parallel_loop3A_301 : i32 to index
        %parallel_loop3A_328 = tpu.vector_load %arg8[%parallel_loop3A_326, %parallel_loop3A_327] {strides = array<i32>} : memref<8x1024xf32, #tpu.memory_space<vmem>>, vector<1x16xf32>,
        %parallel_loop3A_329 = vector.shape_cast %parallel_loop3A_328 : vector<1x16xf32> to vector<16xf32>
        %parallel_loop3A_330 = vector.shape_cast %parallel_loop3A_324 : vector<16xf32> to vector<1x16xf32>
        tpu.vector_store %arg8[%parallel_loop3A_326, %parallel_loop3A_327], %parallel_loop3A_330 {strides = array<i32>} : memref<8x1024xf32, #tpu.memory_space<vmem>>, vector<1x16xf32>,
        %parallel_loop3A_331 = arith.constant 1 : i32
        %parallel_loop3A_332 = arith.index_cast %parallel_loop3A_331 : i32 to index
        %parallel_loop3A_333 = arith.index_cast %parallel_loop3A_301 : i32 to index
        %parallel_loop3A_334 = tpu.vector_load %arg9[%parallel_loop3A_332, %parallel_loop3A_333] {strides = array<i32>} : memref<8x1024xf32, #tpu.memory_space<vmem>>, vector<1x16xf32>,
        %parallel_loop3A_335 = vector.shape_cast %parallel_loop3A_334 : vector<1x16xf32> to vector<16xf32>
        %parallel_loop3A_336 = arith.addf %parallel_loop3A_335, %parallel_loop3A_306 : vector<16xf32>
        %parallel_loop3A_337 = arith.constant 1 : i32
        %parallel_loop3A_338 = arith.index_cast %parallel_loop3A_337 : i32 to index
        %parallel_loop3A_339 = arith.index_cast %parallel_loop3A_301 : i32 to index
        %parallel_loop3A_340 = tpu.vector_load %arg9[%parallel_loop3A_338, %parallel_loop3A_339] {strides = array<i32>} : memref<8x1024xf32, #tpu.memory_space<vmem>>, vector<1x16xf32>,
        %parallel_loop3A_341 = vector.shape_cast %parallel_loop3A_340 : vector<1x16xf32> to vector<16xf32>
        %parallel_loop3A_342 = vector.shape_cast %parallel_loop3A_336 : vector<16xf32> to vector<1x16xf32>
        tpu.vector_store %arg9[%parallel_loop3A_338, %parallel_loop3A_339], %parallel_loop3A_342 {strides = array<i32>} : memref<8x1024xf32, #tpu.memory_space<vmem>>, vector<1x16xf32>,
        %parallel_loop3A_343 = arith.constant 1 : i32
        %parallel_loop3A_344 = arith.index_cast %parallel_loop3A_343 : i32 to index
        %parallel_loop3A_345 = arith.index_cast %parallel_loop3A_301 : i32 to index
        %parallel_loop3A_346 = tpu.vector_load %arg10[%parallel_loop3A_344, %parallel_loop3A_345] {strides = array<i32>} : memref<8x1024xf32, #tpu.memory_space<vmem>>, vector<1x16xf32>,
        %parallel_loop3A_347 = vector.shape_cast %parallel_loop3A_346 : vector<1x16xf32> to vector<16xf32>
        %parallel_loop3A_348 = arith.addf %parallel_loop3A_347, %parallel_loop3A_306 : vector<16xf32>
        %parallel_loop3A_349 = arith.constant 1 : i32
        %parallel_loop3A_350 = arith.index_cast %parallel_loop3A_349 : i32 to index
        %parallel_loop3A_351 = arith.index_cast %parallel_loop3A_301 : i32 to index
        %parallel_loop3A_352 = tpu.vector_load %arg10[%parallel_loop3A_350, %parallel_loop3A_351] {strides = array<i32>} : memref<8x1024xf32, #tpu.memory_space<vmem>>, vector<1x16xf32>,
        %parallel_loop3A_353 = vector.shape_cast %parallel_loop3A_352 : vector<1x16xf32> to vector<16xf32>
        %parallel_loop3A_354 = vector.shape_cast %parallel_loop3A_348 : vector<16xf32> to vector<1x16xf32>
        tpu.vector_store %arg10[%parallel_loop3A_350, %parallel_loop3A_351], %parallel_loop3A_354 {strides = array<i32>} : memref<8x1024xf32, #tpu.memory_space<vmem>>, vector<1x16xf32>,
      } {sc.loop_unroll_factor = 4 : i64, sc.parallel_access}
      %parallel_loop3A_125 = arith.constant 0 : i32
      %parallel_loop3A_126 = arith.constant 1024 : i32
      %parallel_loop3A_127 = arith.constant 16 : i32
      scf.for %parallel_loop3A_300 = %parallel_loop3A_125 to %parallel_loop3A_126 step %parallel_loop3A_127  : i32 {
        %parallel_loop3A_301 = tpu.assume_multiple %parallel_loop3A_300, 8 : i32
        %parallel_loop3A_302 = arith.constant 2 : i32
        %parallel_loop3A_303 = arith.index_cast %parallel_loop3A_302 : i32 to index
        %parallel_loop3A_304 = arith.index_cast %parallel_loop3A_301 : i32 to index
        %parallel_loop3A_305 = tpu.vector_load %arg5[%parallel_loop3A_303, %parallel_loop3A_304] {strides = array<i32>} : memref<8x1024xf32, #tpu.memory_space<vmem>>, vector<1x16xf32>,
        %parallel_loop3A_306 = vector.shape_cast %parallel_loop3A_305 : vector<1x16xf32> to vector<16xf32>
        %parallel_loop3A_307 = arith.constant 2 : i32
        %parallel_loop3A_308 = arith.index_cast %parallel_loop3A_307 : i32 to index
        %parallel_loop3A_309 = arith.index_cast %parallel_loop3A_301 : i32 to index
        %parallel_loop3A_310 = tpu.vector_load %arg7[%parallel_loop3A_308, %parallel_loop3A_309] {strides = array<i32>} : memref<8x1024xf32, #tpu.memory_space<vmem>>, vector<1x16xf32>,
        %parallel_loop3A_311 = vector.shape_cast %parallel_loop3A_310 : vector<1x16xf32> to vector<16xf32>
        %parallel_loop3A_312 = arith.addf %parallel_loop3A_311, %parallel_loop3A_306 : vector<16xf32>
        %parallel_loop3A_313 = arith.constant 2 : i32
        %parallel_loop3A_314 = arith.index_cast %parallel_loop3A_313 : i32 to index
        %parallel_loop3A_315 = arith.index_cast %parallel_loop3A_301 : i32 to index
        %parallel_loop3A_316 = tpu.vector_load %arg7[%parallel_loop3A_314, %parallel_loop3A_315] {strides = array<i32>} : memref<8x1024xf32, #tpu.memory_space<vmem>>, vector<1x16xf32>,
        %parallel_loop3A_317 = vector.shape_cast %parallel_loop3A_316 : vector<1x16xf32> to vector<16xf32>
        %parallel_loop3A_318 = vector.shape_cast %parallel_loop3A_312 : vector<16xf32> to vector<1x16xf32>
        tpu.vector_store %arg7[%parallel_loop3A_314, %parallel_loop3A_315], %parallel_loop3A_318 {strides = array<i32>} : memref<8x1024xf32, #tpu.memory_space<vmem>>, vector<1x16xf32>,
        %parallel_loop3A_319 = arith.constant 2 : i32
        %parallel_loop3A_320 = arith.index_cast %parallel_loop3A_319 : i32 to index
        %parallel_loop3A_321 = arith.index_cast %parallel_loop3A_301 : i32 to index
        %parallel_loop3A_322 = tpu.vector_load %arg8[%parallel_loop3A_320, %parallel_loop3A_321] {strides = array<i32>} : memref<8x1024xf32, #tpu.memory_space<vmem>>, vector<1x16xf32>,
        %parallel_loop3A_323 = vector.shape_cast %parallel_loop3A_322 : vector<1x16xf32> to vector<16xf32>
        %parallel_loop3A_324 = arith.addf %parallel_loop3A_323, %parallel_loop3A_306 : vector<16xf32>
        %parallel_loop3A_325 = arith.constant 2 : i32
        %parallel_loop3A_326 = arith.index_cast %parallel_loop3A_325 : i32 to index
        %parallel_loop3A_327 = arith.index_cast %parallel_loop3A_301 : i32 to index
        %parallel_loop3A_328 = tpu.vector_load %arg8[%parallel_loop3A_326, %parallel_loop3A_327] {strides = array<i32>} : memref<8x1024xf32, #tpu.memory_space<vmem>>, vector<1x16xf32>,
        %parallel_loop3A_329 = vector.shape_cast %parallel_loop3A_328 : vector<1x16xf32> to vector<16xf32>
        %parallel_loop3A_330 = vector.shape_cast %parallel_loop3A_324 : vector<16xf32> to vector<1x16xf32>
        tpu.vector_store %arg8[%parallel_loop3A_326, %parallel_loop3A_327], %parallel_loop3A_330 {strides = array<i32>} : memref<8x1024xf32, #tpu.memory_space<vmem>>, vector<1x16xf32>,
        %parallel_loop3A_331 = arith.constant 2 : i32
        %parallel_loop3A_332 = arith.index_cast %parallel_loop3A_331 : i32 to index
        %parallel_loop3A_333 = arith.index_cast %parallel_loop3A_301 : i32 to index
        %parallel_loop3A_334 = tpu.vector_load %arg9[%parallel_loop3A_332, %parallel_loop3A_333] {strides = array<i32>} : memref<8x1024xf32, #tpu.memory_space<vmem>>, vector<1x16xf32>,
        %parallel_loop3A_335 = vector.shape_cast %parallel_loop3A_334 : vector<1x16xf32> to vector<16xf32>
        %parallel_loop3A_336 = arith.addf %parallel_loop3A_335, %parallel_loop3A_306 : vector<16xf32>
        %parallel_loop3A_337 = arith.constant 2 : i32
        %parallel_loop3A_338 = arith.index_cast %parallel_loop3A_337 : i32 to index
        %parallel_loop3A_339 = arith.index_cast %parallel_loop3A_301 : i32 to index
        %parallel_loop3A_340 = tpu.vector_load %arg9[%parallel_loop3A_338, %parallel_loop3A_339] {strides = array<i32>} : memref<8x1024xf32, #tpu.memory_space<vmem>>, vector<1x16xf32>,
        %parallel_loop3A_341 = vector.shape_cast %parallel_loop3A_340 : vector<1x16xf32> to vector<16xf32>
        %parallel_loop3A_342 = vector.shape_cast %parallel_loop3A_336 : vector<16xf32> to vector<1x16xf32>
        tpu.vector_store %arg9[%parallel_loop3A_338, %parallel_loop3A_339], %parallel_loop3A_342 {strides = array<i32>} : memref<8x1024xf32, #tpu.memory_space<vmem>>, vector<1x16xf32>,
        %parallel_loop3A_343 = arith.constant 2 : i32
        %parallel_loop3A_344 = arith.index_cast %parallel_loop3A_343 : i32 to index
        %parallel_loop3A_345 = arith.index_cast %parallel_loop3A_301 : i32 to index
        %parallel_loop3A_346 = tpu.vector_load %arg10[%parallel_loop3A_344, %parallel_loop3A_345] {strides = array<i32>} : memref<8x1024xf32, #tpu.memory_space<vmem>>, vector<1x16xf32>,
        %parallel_loop3A_347 = vector.shape_cast %parallel_loop3A_346 : vector<1x16xf32> to vector<16xf32>
        %parallel_loop3A_348 = arith.addf %parallel_loop3A_347, %parallel_loop3A_306 : vector<16xf32>
        %parallel_loop3A_349 = arith.constant 2 : i32
        %parallel_loop3A_350 = arith.index_cast %parallel_loop3A_349 : i32 to index
        %parallel_loop3A_351 = arith.index_cast %parallel_loop3A_301 : i32 to index
        %parallel_loop3A_352 = tpu.vector_load %arg10[%parallel_loop3A_350, %parallel_loop3A_351] {strides = array<i32>} : memref<8x1024xf32, #tpu.memory_space<vmem>>, vector<1x16xf32>,
        %parallel_loop3A_353 = vector.shape_cast %parallel_loop3A_352 : vector<1x16xf32> to vector<16xf32>
        %parallel_loop3A_354 = vector.shape_cast %parallel_loop3A_348 : vector<16xf32> to vector<1x16xf32>
        tpu.vector_store %arg10[%parallel_loop3A_350, %parallel_loop3A_351], %parallel_loop3A_354 {strides = array<i32>} : memref<8x1024xf32, #tpu.memory_space<vmem>>, vector<1x16xf32>,
      } {sc.loop_unroll_factor = 4 : i64, sc.parallel_access}
      %parallel_loop3A_128 = arith.constant 0 : i32
      %parallel_loop3A_129 = arith.constant 1024 : i32
      %parallel_loop3A_130 = arith.constant 16 : i32
      scf.for %parallel_loop3A_300 = %parallel_loop3A_128 to %parallel_loop3A_129 step %parallel_loop3A_130  : i32 {
        %parallel_loop3A_301 = tpu.assume_multiple %parallel_loop3A_300, 8 : i32
        %parallel_loop3A_302 = arith.constant 3 : i32
        %parallel_loop3A_303 = arith.index_cast %parallel_loop3A_302 : i32 to index
        %parallel_loop3A_304 = arith.index_cast %parallel_loop3A_301 : i32 to index
        %parallel_loop3A_305 = tpu.vector_load %arg5[%parallel_loop3A_303, %parallel_loop3A_304] {strides = array<i32>} : memref<8x1024xf32, #tpu.memory_space<vmem>>, vector<1x16xf32>,
        %parallel_loop3A_306 = vector.shape_cast %parallel_loop3A_305 : vector<1x16xf32> to vector<16xf32>
        %parallel_loop3A_307 = arith.constant 3 : i32
        %parallel_loop3A_308 = arith.index_cast %parallel_loop3A_307 : i32 to index
        %parallel_loop3A_309 = arith.index_cast %parallel_loop3A_301 : i32 to index
        %parallel_loop3A_310 = tpu.vector_load %arg7[%parallel_loop3A_308, %parallel_loop3A_309] {strides = array<i32>} : memref<8x1024xf32, #tpu.memory_space<vmem>>, vector<1x16xf32>,
        %parallel_loop3A_311 = vector.shape_cast %parallel_loop3A_310 : vector<1x16xf32> to vector<16xf32>
        %parallel_loop3A_312 = arith.addf %parallel_loop3A_311, %parallel_loop3A_306 : vector<16xf32>
        %parallel_loop3A_313 = arith.constant 3 : i32
        %parallel_loop3A_314 = arith.index_cast %parallel_loop3A_313 : i32 to index
        %parallel_loop3A_315 = arith.index_cast %parallel_loop3A_301 : i32 to index
        %parallel_loop3A_316 = tpu.vector_load %arg7[%parallel_loop3A_314, %parallel_loop3A_315] {strides = array<i32>} : memref<8x1024xf32, #tpu.memory_space<vmem>>, vector<1x16xf32>,
        %parallel_loop3A_317 = vector.shape_cast %parallel_loop3A_316 : vector<1x16xf32> to vector<16xf32>
        %parallel_loop3A_318 = vector.shape_cast %parallel_loop3A_312 : vector<16xf32> to vector<1x16xf32>
        tpu.vector_store %arg7[%parallel_loop3A_314, %parallel_loop3A_315], %parallel_loop3A_318 {strides = array<i32>} : memref<8x1024xf32, #tpu.memory_space<vmem>>, vector<1x16xf32>,
        %parallel_loop3A_319 = arith.constant 3 : i32
        %parallel_loop3A_320 = arith.index_cast %parallel_loop3A_319 : i32 to index
        %parallel_loop3A_321 = arith.index_cast %parallel_loop3A_301 : i32 to index
        %parallel_loop3A_322 = tpu.vector_load %arg8[%parallel_loop3A_320, %parallel_loop3A_321] {strides = array<i32>} : memref<8x1024xf32, #tpu.memory_space<vmem>>, vector<1x16xf32>,
        %parallel_loop3A_323 = vector.shape_cast %parallel_loop3A_322 : vector<1x16xf32> to vector<16xf32>
        %parallel_loop3A_324 = arith.addf %parallel_loop3A_323, %parallel_loop3A_306 : vector<16xf32>
        %parallel_loop3A_325 = arith.constant 3 : i32
        %parallel_loop3A_326 = arith.index_cast %parallel_loop3A_325 : i32 to index
        %parallel_loop3A_327 = arith.index_cast %parallel_loop3A_301 : i32 to index
        %parallel_loop3A_328 = tpu.vector_load %arg8[%parallel_loop3A_326, %parallel_loop3A_327] {strides = array<i32>} : memref<8x1024xf32, #tpu.memory_space<vmem>>, vector<1x16xf32>,
        %parallel_loop3A_329 = vector.shape_cast %parallel_loop3A_328 : vector<1x16xf32> to vector<16xf32>
        %parallel_loop3A_330 = vector.shape_cast %parallel_loop3A_324 : vector<16xf32> to vector<1x16xf32>
        tpu.vector_store %arg8[%parallel_loop3A_326, %parallel_loop3A_327], %parallel_loop3A_330 {strides = array<i32>} : memref<8x1024xf32, #tpu.memory_space<vmem>>, vector<1x16xf32>,
        %parallel_loop3A_331 = arith.constant 3 : i32
        %parallel_loop3A_332 = arith.index_cast %parallel_loop3A_331 : i32 to index
        %parallel_loop3A_333 = arith.index_cast %parallel_loop3A_301 : i32 to index
        %parallel_loop3A_334 = tpu.vector_load %arg9[%parallel_loop3A_332, %parallel_loop3A_333] {strides = array<i32>} : memref<8x1024xf32, #tpu.memory_space<vmem>>, vector<1x16xf32>,
        %parallel_loop3A_335 = vector.shape_cast %parallel_loop3A_334 : vector<1x16xf32> to vector<16xf32>
        %parallel_loop3A_336 = arith.addf %parallel_loop3A_335, %parallel_loop3A_306 : vector<16xf32>
        %parallel_loop3A_337 = arith.constant 3 : i32
        %parallel_loop3A_338 = arith.index_cast %parallel_loop3A_337 : i32 to index
        %parallel_loop3A_339 = arith.index_cast %parallel_loop3A_301 : i32 to index
        %parallel_loop3A_340 = tpu.vector_load %arg9[%parallel_loop3A_338, %parallel_loop3A_339] {strides = array<i32>} : memref<8x1024xf32, #tpu.memory_space<vmem>>, vector<1x16xf32>,
        %parallel_loop3A_341 = vector.shape_cast %parallel_loop3A_340 : vector<1x16xf32> to vector<16xf32>
        %parallel_loop3A_342 = vector.shape_cast %parallel_loop3A_336 : vector<16xf32> to vector<1x16xf32>
        tpu.vector_store %arg9[%parallel_loop3A_338, %parallel_loop3A_339], %parallel_loop3A_342 {strides = array<i32>} : memref<8x1024xf32, #tpu.memory_space<vmem>>, vector<1x16xf32>,
        %parallel_loop3A_343 = arith.constant 3 : i32
        %parallel_loop3A_344 = arith.index_cast %parallel_loop3A_343 : i32 to index
        %parallel_loop3A_345 = arith.index_cast %parallel_loop3A_301 : i32 to index
        %parallel_loop3A_346 = tpu.vector_load %arg10[%parallel_loop3A_344, %parallel_loop3A_345] {strides = array<i32>} : memref<8x1024xf32, #tpu.memory_space<vmem>>, vector<1x16xf32>,
        %parallel_loop3A_347 = vector.shape_cast %parallel_loop3A_346 : vector<1x16xf32> to vector<16xf32>
        %parallel_loop3A_348 = arith.addf %parallel_loop3A_347, %parallel_loop3A_306 : vector<16xf32>
        %parallel_loop3A_349 = arith.constant 3 : i32
        %parallel_loop3A_350 = arith.index_cast %parallel_loop3A_349 : i32 to index
        %parallel_loop3A_351 = arith.index_cast %parallel_loop3A_301 : i32 to index
        %parallel_loop3A_352 = tpu.vector_load %arg10[%parallel_loop3A_350, %parallel_loop3A_351] {strides = array<i32>} : memref<8x1024xf32, #tpu.memory_space<vmem>>, vector<1x16xf32>,
        %parallel_loop3A_353 = vector.shape_cast %parallel_loop3A_352 : vector<1x16xf32> to vector<16xf32>
        %parallel_loop3A_354 = vector.shape_cast %parallel_loop3A_348 : vector<16xf32> to vector<1x16xf32>
        tpu.vector_store %arg10[%parallel_loop3A_350, %parallel_loop3A_351], %parallel_loop3A_354 {strides = array<i32>} : memref<8x1024xf32, #tpu.memory_space<vmem>>, vector<1x16xf32>,
      } {sc.loop_unroll_factor = 4 : i64, sc.parallel_access}
      %parallel_loop3A_131 = arith.constant 0 : i32
      %parallel_loop3A_132 = arith.constant 1024 : i32
      %parallel_loop3A_133 = arith.constant 16 : i32
      scf.for %parallel_loop3A_300 = %parallel_loop3A_131 to %parallel_loop3A_132 step %parallel_loop3A_133  : i32 {
        %parallel_loop3A_301 = tpu.assume_multiple %parallel_loop3A_300, 8 : i32
        %parallel_loop3A_302 = arith.constant 4 : i32
        %parallel_loop3A_303 = arith.index_cast %parallel_loop3A_302 : i32 to index
        %parallel_loop3A_304 = arith.index_cast %parallel_loop3A_301 : i32 to index
        %parallel_loop3A_305 = tpu.vector_load %arg5[%parallel_loop3A_303, %parallel_loop3A_304] {strides = array<i32>} : memref<8x1024xf32, #tpu.memory_space<vmem>>, vector<1x16xf32>,
        %parallel_loop3A_306 = vector.shape_cast %parallel_loop3A_305 : vector<1x16xf32> to vector<16xf32>
        %parallel_loop3A_307 = arith.constant 4 : i32
        %parallel_loop3A_308 = arith.index_cast %parallel_loop3A_307 : i32 to index
        %parallel_loop3A_309 = arith.index_cast %parallel_loop3A_301 : i32 to index
        %parallel_loop3A_310 = tpu.vector_load %arg7[%parallel_loop3A_308, %parallel_loop3A_309] {strides = array<i32>} : memref<8x1024xf32, #tpu.memory_space<vmem>>, vector<1x16xf32>,
        %parallel_loop3A_311 = vector.shape_cast %parallel_loop3A_310 : vector<1x16xf32> to vector<16xf32>
        %parallel_loop3A_312 = arith.addf %parallel_loop3A_311, %parallel_loop3A_306 : vector<16xf32>
        %parallel_loop3A_313 = arith.constant 4 : i32
        %parallel_loop3A_314 = arith.index_cast %parallel_loop3A_313 : i32 to index
        %parallel_loop3A_315 = arith.index_cast %parallel_loop3A_301 : i32 to index
        %parallel_loop3A_316 = tpu.vector_load %arg7[%parallel_loop3A_314, %parallel_loop3A_315] {strides = array<i32>} : memref<8x1024xf32, #tpu.memory_space<vmem>>, vector<1x16xf32>,
        %parallel_loop3A_317 = vector.shape_cast %parallel_loop3A_316 : vector<1x16xf32> to vector<16xf32>
        %parallel_loop3A_318 = vector.shape_cast %parallel_loop3A_312 : vector<16xf32> to vector<1x16xf32>
        tpu.vector_store %arg7[%parallel_loop3A_314, %parallel_loop3A_315], %parallel_loop3A_318 {strides = array<i32>} : memref<8x1024xf32, #tpu.memory_space<vmem>>, vector<1x16xf32>,
        %parallel_loop3A_319 = arith.constant 4 : i32
        %parallel_loop3A_320 = arith.index_cast %parallel_loop3A_319 : i32 to index
        %parallel_loop3A_321 = arith.index_cast %parallel_loop3A_301 : i32 to index
        %parallel_loop3A_322 = tpu.vector_load %arg8[%parallel_loop3A_320, %parallel_loop3A_321] {strides = array<i32>} : memref<8x1024xf32, #tpu.memory_space<vmem>>, vector<1x16xf32>,
        %parallel_loop3A_323 = vector.shape_cast %parallel_loop3A_322 : vector<1x16xf32> to vector<16xf32>
        %parallel_loop3A_324 = arith.addf %parallel_loop3A_323, %parallel_loop3A_306 : vector<16xf32>
        %parallel_loop3A_325 = arith.constant 4 : i32
        %parallel_loop3A_326 = arith.index_cast %parallel_loop3A_325 : i32 to index
        %parallel_loop3A_327 = arith.index_cast %parallel_loop3A_301 : i32 to index
        %parallel_loop3A_328 = tpu.vector_load %arg8[%parallel_loop3A_326, %parallel_loop3A_327] {strides = array<i32>} : memref<8x1024xf32, #tpu.memory_space<vmem>>, vector<1x16xf32>,
        %parallel_loop3A_329 = vector.shape_cast %parallel_loop3A_328 : vector<1x16xf32> to vector<16xf32>
        %parallel_loop3A_330 = vector.shape_cast %parallel_loop3A_324 : vector<16xf32> to vector<1x16xf32>
        tpu.vector_store %arg8[%parallel_loop3A_326, %parallel_loop3A_327], %parallel_loop3A_330 {strides = array<i32>} : memref<8x1024xf32, #tpu.memory_space<vmem>>, vector<1x16xf32>,
        %parallel_loop3A_331 = arith.constant 4 : i32
        %parallel_loop3A_332 = arith.index_cast %parallel_loop3A_331 : i32 to index
        %parallel_loop3A_333 = arith.index_cast %parallel_loop3A_301 : i32 to index
        %parallel_loop3A_334 = tpu.vector_load %arg9[%parallel_loop3A_332, %parallel_loop3A_333] {strides = array<i32>} : memref<8x1024xf32, #tpu.memory_space<vmem>>, vector<1x16xf32>,
        %parallel_loop3A_335 = vector.shape_cast %parallel_loop3A_334 : vector<1x16xf32> to vector<16xf32>
        %parallel_loop3A_336 = arith.addf %parallel_loop3A_335, %parallel_loop3A_306 : vector<16xf32>
        %parallel_loop3A_337 = arith.constant 4 : i32
        %parallel_loop3A_338 = arith.index_cast %parallel_loop3A_337 : i32 to index
        %parallel_loop3A_339 = arith.index_cast %parallel_loop3A_301 : i32 to index
        %parallel_loop3A_340 = tpu.vector_load %arg9[%parallel_loop3A_338, %parallel_loop3A_339] {strides = array<i32>} : memref<8x1024xf32, #tpu.memory_space<vmem>>, vector<1x16xf32>,
        %parallel_loop3A_341 = vector.shape_cast %parallel_loop3A_340 : vector<1x16xf32> to vector<16xf32>
        %parallel_loop3A_342 = vector.shape_cast %parallel_loop3A_336 : vector<16xf32> to vector<1x16xf32>
        tpu.vector_store %arg9[%parallel_loop3A_338, %parallel_loop3A_339], %parallel_loop3A_342 {strides = array<i32>} : memref<8x1024xf32, #tpu.memory_space<vmem>>, vector<1x16xf32>,
        %parallel_loop3A_343 = arith.constant 4 : i32
        %parallel_loop3A_344 = arith.index_cast %parallel_loop3A_343 : i32 to index
        %parallel_loop3A_345 = arith.index_cast %parallel_loop3A_301 : i32 to index
        %parallel_loop3A_346 = tpu.vector_load %arg10[%parallel_loop3A_344, %parallel_loop3A_345] {strides = array<i32>} : memref<8x1024xf32, #tpu.memory_space<vmem>>, vector<1x16xf32>,
        %parallel_loop3A_347 = vector.shape_cast %parallel_loop3A_346 : vector<1x16xf32> to vector<16xf32>
        %parallel_loop3A_348 = arith.addf %parallel_loop3A_347, %parallel_loop3A_306 : vector<16xf32>
        %parallel_loop3A_349 = arith.constant 4 : i32
        %parallel_loop3A_350 = arith.index_cast %parallel_loop3A_349 : i32 to index
        %parallel_loop3A_351 = arith.index_cast %parallel_loop3A_301 : i32 to index
        %parallel_loop3A_352 = tpu.vector_load %arg10[%parallel_loop3A_350, %parallel_loop3A_351] {strides = array<i32>} : memref<8x1024xf32, #tpu.memory_space<vmem>>, vector<1x16xf32>,
        %parallel_loop3A_353 = vector.shape_cast %parallel_loop3A_352 : vector<1x16xf32> to vector<16xf32>
        %parallel_loop3A_354 = vector.shape_cast %parallel_loop3A_348 : vector<16xf32> to vector<1x16xf32>
        tpu.vector_store %arg10[%parallel_loop3A_350, %parallel_loop3A_351], %parallel_loop3A_354 {strides = array<i32>} : memref<8x1024xf32, #tpu.memory_space<vmem>>, vector<1x16xf32>,
      } {sc.loop_unroll_factor = 4 : i64, sc.parallel_access}
      %parallel_loop3A_134 = arith.constant 0 : i32
      %parallel_loop3A_135 = arith.constant 1024 : i32
      %parallel_loop3A_136 = arith.constant 16 : i32
      scf.for %parallel_loop3A_300 = %parallel_loop3A_134 to %parallel_loop3A_135 step %parallel_loop3A_136  : i32 {
        %parallel_loop3A_301 = tpu.assume_multiple %parallel_loop3A_300, 8 : i32
        %parallel_loop3A_302 = arith.constant 5 : i32
        %parallel_loop3A_303 = arith.index_cast %parallel_loop3A_302 : i32 to index
        %parallel_loop3A_304 = arith.index_cast %parallel_loop3A_301 : i32 to index
        %parallel_loop3A_305 = tpu.vector_load %arg5[%parallel_loop3A_303, %parallel_loop3A_304] {strides = array<i32>} : memref<8x1024xf32, #tpu.memory_space<vmem>>, vector<1x16xf32>,
        %parallel_loop3A_306 = vector.shape_cast %parallel_loop3A_305 : vector<1x16xf32> to vector<16xf32>
        %parallel_loop3A_307 = arith.constant 5 : i32
        %parallel_loop3A_308 = arith.index_cast %parallel_loop3A_307 : i32 to index
        %parallel_loop3A_309 = arith.index_cast %parallel_loop3A_301 : i32 to index
        %parallel_loop3A_310 = tpu.vector_load %arg7[%parallel_loop3A_308, %parallel_loop3A_309] {strides = array<i32>} : memref<8x1024xf32, #tpu.memory_space<vmem>>, vector<1x16xf32>,
        %parallel_loop3A_311 = vector.shape_cast %parallel_loop3A_310 : vector<1x16xf32> to vector<16xf32>
        %parallel_loop3A_312 = arith.addf %parallel_loop3A_311, %parallel_loop3A_306 : vector<16xf32>
        %parallel_loop3A_313 = arith.constant 5 : i32
        %parallel_loop3A_314 = arith.index_cast %parallel_loop3A_313 : i32 to index
        %parallel_loop3A_315 = arith.index_cast %parallel_loop3A_301 : i32 to index
        %parallel_loop3A_316 = tpu.vector_load %arg7[%parallel_loop3A_314, %parallel_loop3A_315] {strides = array<i32>} : memref<8x1024xf32, #tpu.memory_space<vmem>>, vector<1x16xf32>,
        %parallel_loop3A_317 = vector.shape_cast %parallel_loop3A_316 : vector<1x16xf32> to vector<16xf32>
        %parallel_loop3A_318 = vector.shape_cast %parallel_loop3A_312 : vector<16xf32> to vector<1x16xf32>
        tpu.vector_store %arg7[%parallel_loop3A_314, %parallel_loop3A_315], %parallel_loop3A_318 {strides = array<i32>} : memref<8x1024xf32, #tpu.memory_space<vmem>>, vector<1x16xf32>,
        %parallel_loop3A_319 = arith.constant 5 : i32
        %parallel_loop3A_320 = arith.index_cast %parallel_loop3A_319 : i32 to index
        %parallel_loop3A_321 = arith.index_cast %parallel_loop3A_301 : i32 to index
        %parallel_loop3A_322 = tpu.vector_load %arg8[%parallel_loop3A_320, %parallel_loop3A_321] {strides = array<i32>} : memref<8x1024xf32, #tpu.memory_space<vmem>>, vector<1x16xf32>,
        %parallel_loop3A_323 = vector.shape_cast %parallel_loop3A_322 : vector<1x16xf32> to vector<16xf32>
        %parallel_loop3A_324 = arith.addf %parallel_loop3A_323, %parallel_loop3A_306 : vector<16xf32>
        %parallel_loop3A_325 = arith.constant 5 : i32
        %parallel_loop3A_326 = arith.index_cast %parallel_loop3A_325 : i32 to index
        %parallel_loop3A_327 = arith.index_cast %parallel_loop3A_301 : i32 to index
        %parallel_loop3A_328 = tpu.vector_load %arg8[%parallel_loop3A_326, %parallel_loop3A_327] {strides = array<i32>} : memref<8x1024xf32, #tpu.memory_space<vmem>>, vector<1x16xf32>,
        %parallel_loop3A_329 = vector.shape_cast %parallel_loop3A_328 : vector<1x16xf32> to vector<16xf32>
        %parallel_loop3A_330 = vector.shape_cast %parallel_loop3A_324 : vector<16xf32> to vector<1x16xf32>
        tpu.vector_store %arg8[%parallel_loop3A_326, %parallel_loop3A_327], %parallel_loop3A_330 {strides = array<i32>} : memref<8x1024xf32, #tpu.memory_space<vmem>>, vector<1x16xf32>,
        %parallel_loop3A_331 = arith.constant 5 : i32
        %parallel_loop3A_332 = arith.index_cast %parallel_loop3A_331 : i32 to index
        %parallel_loop3A_333 = arith.index_cast %parallel_loop3A_301 : i32 to index
        %parallel_loop3A_334 = tpu.vector_load %arg9[%parallel_loop3A_332, %parallel_loop3A_333] {strides = array<i32>} : memref<8x1024xf32, #tpu.memory_space<vmem>>, vector<1x16xf32>,
        %parallel_loop3A_335 = vector.shape_cast %parallel_loop3A_334 : vector<1x16xf32> to vector<16xf32>
        %parallel_loop3A_336 = arith.addf %parallel_loop3A_335, %parallel_loop3A_306 : vector<16xf32>
        %parallel_loop3A_337 = arith.constant 5 : i32
        %parallel_loop3A_338 = arith.index_cast %parallel_loop3A_337 : i32 to index
        %parallel_loop3A_339 = arith.index_cast %parallel_loop3A_301 : i32 to index
        %parallel_loop3A_340 = tpu.vector_load %arg9[%parallel_loop3A_338, %parallel_loop3A_339] {strides = array<i32>} : memref<8x1024xf32, #tpu.memory_space<vmem>>, vector<1x16xf32>,
        %parallel_loop3A_341 = vector.shape_cast %parallel_loop3A_340 : vector<1x16xf32> to vector<16xf32>
        %parallel_loop3A_342 = vector.shape_cast %parallel_loop3A_336 : vector<16xf32> to vector<1x16xf32>
        tpu.vector_store %arg9[%parallel_loop3A_338, %parallel_loop3A_339], %parallel_loop3A_342 {strides = array<i32>} : memref<8x1024xf32, #tpu.memory_space<vmem>>, vector<1x16xf32>,
        %parallel_loop3A_343 = arith.constant 5 : i32
        %parallel_loop3A_344 = arith.index_cast %parallel_loop3A_343 : i32 to index
        %parallel_loop3A_345 = arith.index_cast %parallel_loop3A_301 : i32 to index
        %parallel_loop3A_346 = tpu.vector_load %arg10[%parallel_loop3A_344, %parallel_loop3A_345] {strides = array<i32>} : memref<8x1024xf32, #tpu.memory_space<vmem>>, vector<1x16xf32>,
        %parallel_loop3A_347 = vector.shape_cast %parallel_loop3A_346 : vector<1x16xf32> to vector<16xf32>
        %parallel_loop3A_348 = arith.addf %parallel_loop3A_347, %parallel_loop3A_306 : vector<16xf32>
        %parallel_loop3A_349 = arith.constant 5 : i32
        %parallel_loop3A_350 = arith.index_cast %parallel_loop3A_349 : i32 to index
        %parallel_loop3A_351 = arith.index_cast %parallel_loop3A_301 : i32 to index
        %parallel_loop3A_352 = tpu.vector_load %arg10[%parallel_loop3A_350, %parallel_loop3A_351] {strides = array<i32>} : memref<8x1024xf32, #tpu.memory_space<vmem>>, vector<1x16xf32>,
        %parallel_loop3A_353 = vector.shape_cast %parallel_loop3A_352 : vector<1x16xf32> to vector<16xf32>
        %parallel_loop3A_354 = vector.shape_cast %parallel_loop3A_348 : vector<16xf32> to vector<1x16xf32>
        tpu.vector_store %arg10[%parallel_loop3A_350, %parallel_loop3A_351], %parallel_loop3A_354 {strides = array<i32>} : memref<8x1024xf32, #tpu.memory_space<vmem>>, vector<1x16xf32>,
      } {sc.loop_unroll_factor = 4 : i64, sc.parallel_access}
      %parallel_loop3A_137 = arith.constant 0 : i32
      %parallel_loop3A_138 = arith.constant 1024 : i32
      %parallel_loop3A_139 = arith.constant 16 : i32
      scf.for %parallel_loop3A_300 = %parallel_loop3A_137 to %parallel_loop3A_138 step %parallel_loop3A_139  : i32 {
        %parallel_loop3A_301 = tpu.assume_multiple %parallel_loop3A_300, 8 : i32
        %parallel_loop3A_302 = arith.constant 6 : i32
        %parallel_loop3A_303 = arith.index_cast %parallel_loop3A_302 : i32 to index
        %parallel_loop3A_304 = arith.index_cast %parallel_loop3A_301 : i32 to index
        %parallel_loop3A_305 = tpu.vector_load %arg5[%parallel_loop3A_303, %parallel_loop3A_304] {strides = array<i32>} : memref<8x1024xf32, #tpu.memory_space<vmem>>, vector<1x16xf32>,
        %parallel_loop3A_306 = vector.shape_cast %parallel_loop3A_305 : vector<1x16xf32> to vector<16xf32>
        %parallel_loop3A_307 = arith.constant 6 : i32
        %parallel_loop3A_308 = arith.index_cast %parallel_loop3A_307 : i32 to index
        %parallel_loop3A_309 = arith.index_cast %parallel_loop3A_301 : i32 to index
        %parallel_loop3A_310 = tpu.vector_load %arg7[%parallel_loop3A_308, %parallel_loop3A_309] {strides = array<i32>} : memref<8x1024xf32, #tpu.memory_space<vmem>>, vector<1x16xf32>,
        %parallel_loop3A_311 = vector.shape_cast %parallel_loop3A_310 : vector<1x16xf32> to vector<16xf32>
        %parallel_loop3A_312 = arith.addf %parallel_loop3A_311, %parallel_loop3A_306 : vector<16xf32>
        %parallel_loop3A_313 = arith.constant 6 : i32
        %parallel_loop3A_314 = arith.index_cast %parallel_loop3A_313 : i32 to index
        %parallel_loop3A_315 = arith.index_cast %parallel_loop3A_301 : i32 to index
        %parallel_loop3A_316 = tpu.vector_load %arg7[%parallel_loop3A_314, %parallel_loop3A_315] {strides = array<i32>} : memref<8x1024xf32, #tpu.memory_space<vmem>>, vector<1x16xf32>,
        %parallel_loop3A_317 = vector.shape_cast %parallel_loop3A_316 : vector<1x16xf32> to vector<16xf32>
        %parallel_loop3A_318 = vector.shape_cast %parallel_loop3A_312 : vector<16xf32> to vector<1x16xf32>
        tpu.vector_store %arg7[%parallel_loop3A_314, %parallel_loop3A_315], %parallel_loop3A_318 {strides = array<i32>} : memref<8x1024xf32, #tpu.memory_space<vmem>>, vector<1x16xf32>,
        %parallel_loop3A_319 = arith.constant 6 : i32
        %parallel_loop3A_320 = arith.index_cast %parallel_loop3A_319 : i32 to index
        %parallel_loop3A_321 = arith.index_cast %parallel_loop3A_301 : i32 to index
        %parallel_loop3A_322 = tpu.vector_load %arg8[%parallel_loop3A_320, %parallel_loop3A_321] {strides = array<i32>} : memref<8x1024xf32, #tpu.memory_space<vmem>>, vector<1x16xf32>,
        %parallel_loop3A_323 = vector.shape_cast %parallel_loop3A_322 : vector<1x16xf32> to vector<16xf32>
        %parallel_loop3A_324 = arith.addf %parallel_loop3A_323, %parallel_loop3A_306 : vector<16xf32>
        %parallel_loop3A_325 = arith.constant 6 : i32
        %parallel_loop3A_326 = arith.index_cast %parallel_loop3A_325 : i32 to index
        %parallel_loop3A_327 = arith.index_cast %parallel_loop3A_301 : i32 to index
        %parallel_loop3A_328 = tpu.vector_load %arg8[%parallel_loop3A_326, %parallel_loop3A_327] {strides = array<i32>} : memref<8x1024xf32, #tpu.memory_space<vmem>>, vector<1x16xf32>,
        %parallel_loop3A_329 = vector.shape_cast %parallel_loop3A_328 : vector<1x16xf32> to vector<16xf32>
        %parallel_loop3A_330 = vector.shape_cast %parallel_loop3A_324 : vector<16xf32> to vector<1x16xf32>
        tpu.vector_store %arg8[%parallel_loop3A_326, %parallel_loop3A_327], %parallel_loop3A_330 {strides = array<i32>} : memref<8x1024xf32, #tpu.memory_space<vmem>>, vector<1x16xf32>,
        %parallel_loop3A_331 = arith.constant 6 : i32
        %parallel_loop3A_332 = arith.index_cast %parallel_loop3A_331 : i32 to index
        %parallel_loop3A_333 = arith.index_cast %parallel_loop3A_301 : i32 to index
        %parallel_loop3A_334 = tpu.vector_load %arg9[%parallel_loop3A_332, %parallel_loop3A_333] {strides = array<i32>} : memref<8x1024xf32, #tpu.memory_space<vmem>>, vector<1x16xf32>,
        %parallel_loop3A_335 = vector.shape_cast %parallel_loop3A_334 : vector<1x16xf32> to vector<16xf32>
        %parallel_loop3A_336 = arith.addf %parallel_loop3A_335, %parallel_loop3A_306 : vector<16xf32>
        %parallel_loop3A_337 = arith.constant 6 : i32
        %parallel_loop3A_338 = arith.index_cast %parallel_loop3A_337 : i32 to index
        %parallel_loop3A_339 = arith.index_cast %parallel_loop3A_301 : i32 to index
        %parallel_loop3A_340 = tpu.vector_load %arg9[%parallel_loop3A_338, %parallel_loop3A_339] {strides = array<i32>} : memref<8x1024xf32, #tpu.memory_space<vmem>>, vector<1x16xf32>,
        %parallel_loop3A_341 = vector.shape_cast %parallel_loop3A_340 : vector<1x16xf32> to vector<16xf32>
        %parallel_loop3A_342 = vector.shape_cast %parallel_loop3A_336 : vector<16xf32> to vector<1x16xf32>
        tpu.vector_store %arg9[%parallel_loop3A_338, %parallel_loop3A_339], %parallel_loop3A_342 {strides = array<i32>} : memref<8x1024xf32, #tpu.memory_space<vmem>>, vector<1x16xf32>,
        %parallel_loop3A_343 = arith.constant 6 : i32
        %parallel_loop3A_344 = arith.index_cast %parallel_loop3A_343 : i32 to index
        %parallel_loop3A_345 = arith.index_cast %parallel_loop3A_301 : i32 to index
        %parallel_loop3A_346 = tpu.vector_load %arg10[%parallel_loop3A_344, %parallel_loop3A_345] {strides = array<i32>} : memref<8x1024xf32, #tpu.memory_space<vmem>>, vector<1x16xf32>,
        %parallel_loop3A_347 = vector.shape_cast %parallel_loop3A_346 : vector<1x16xf32> to vector<16xf32>
        %parallel_loop3A_348 = arith.addf %parallel_loop3A_347, %parallel_loop3A_306 : vector<16xf32>
        %parallel_loop3A_349 = arith.constant 6 : i32
        %parallel_loop3A_350 = arith.index_cast %parallel_loop3A_349 : i32 to index
        %parallel_loop3A_351 = arith.index_cast %parallel_loop3A_301 : i32 to index
        %parallel_loop3A_352 = tpu.vector_load %arg10[%parallel_loop3A_350, %parallel_loop3A_351] {strides = array<i32>} : memref<8x1024xf32, #tpu.memory_space<vmem>>, vector<1x16xf32>,
        %parallel_loop3A_353 = vector.shape_cast %parallel_loop3A_352 : vector<1x16xf32> to vector<16xf32>
        %parallel_loop3A_354 = vector.shape_cast %parallel_loop3A_348 : vector<16xf32> to vector<1x16xf32>
        tpu.vector_store %arg10[%parallel_loop3A_350, %parallel_loop3A_351], %parallel_loop3A_354 {strides = array<i32>} : memref<8x1024xf32, #tpu.memory_space<vmem>>, vector<1x16xf32>,
      } {sc.loop_unroll_factor = 4 : i64, sc.parallel_access}
      %parallel_loop3A_140 = arith.constant 0 : i32
      %parallel_loop3A_141 = arith.constant 1024 : i32
      %parallel_loop3A_142 = arith.constant 16 : i32
      scf.for %parallel_loop3A_300 = %parallel_loop3A_140 to %parallel_loop3A_141 step %parallel_loop3A_142  : i32 {
        %parallel_loop3A_301 = tpu.assume_multiple %parallel_loop3A_300, 8 : i32
        %parallel_loop3A_302 = arith.constant 7 : i32
        %parallel_loop3A_303 = arith.index_cast %parallel_loop3A_302 : i32 to index
        %parallel_loop3A_304 = arith.index_cast %parallel_loop3A_301 : i32 to index
        %parallel_loop3A_305 = tpu.vector_load %arg5[%parallel_loop3A_303, %parallel_loop3A_304] {strides = array<i32>} : memref<8x1024xf32, #tpu.memory_space<vmem>>, vector<1x16xf32>,
        %parallel_loop3A_306 = vector.shape_cast %parallel_loop3A_305 : vector<1x16xf32> to vector<16xf32>
        %parallel_loop3A_307 = arith.constant 7 : i32
        %parallel_loop3A_308 = arith.index_cast %parallel_loop3A_307 : i32 to index
        %parallel_loop3A_309 = arith.index_cast %parallel_loop3A_301 : i32 to index
        %parallel_loop3A_310 = tpu.vector_load %arg7[%parallel_loop3A_308, %parallel_loop3A_309] {strides = array<i32>} : memref<8x1024xf32, #tpu.memory_space<vmem>>, vector<1x16xf32>,
        %parallel_loop3A_311 = vector.shape_cast %parallel_loop3A_310 : vector<1x16xf32> to vector<16xf32>
        %parallel_loop3A_312 = arith.addf %parallel_loop3A_311, %parallel_loop3A_306 : vector<16xf32>
        %parallel_loop3A_313 = arith.constant 7 : i32
        %parallel_loop3A_314 = arith.index_cast %parallel_loop3A_313 : i32 to index
        %parallel_loop3A_315 = arith.index_cast %parallel_loop3A_301 : i32 to index
        %parallel_loop3A_316 = tpu.vector_load %arg7[%parallel_loop3A_314, %parallel_loop3A_315] {strides = array<i32>} : memref<8x1024xf32, #tpu.memory_space<vmem>>, vector<1x16xf32>,
        %parallel_loop3A_317 = vector.shape_cast %parallel_loop3A_316 : vector<1x16xf32> to vector<16xf32>
        %parallel_loop3A_318 = vector.shape_cast %parallel_loop3A_312 : vector<16xf32> to vector<1x16xf32>
        tpu.vector_store %arg7[%parallel_loop3A_314, %parallel_loop3A_315], %parallel_loop3A_318 {strides = array<i32>} : memref<8x1024xf32, #tpu.memory_space<vmem>>, vector<1x16xf32>,
        %parallel_loop3A_319 = arith.constant 7 : i32
        %parallel_loop3A_320 = arith.index_cast %parallel_loop3A_319 : i32 to index
        %parallel_loop3A_321 = arith.index_cast %parallel_loop3A_301 : i32 to index
        %parallel_loop3A_322 = tpu.vector_load %arg8[%parallel_loop3A_320, %parallel_loop3A_321] {strides = array<i32>} : memref<8x1024xf32, #tpu.memory_space<vmem>>, vector<1x16xf32>,
        %parallel_loop3A_323 = vector.shape_cast %parallel_loop3A_322 : vector<1x16xf32> to vector<16xf32>
        %parallel_loop3A_324 = arith.addf %parallel_loop3A_323, %parallel_loop3A_306 : vector<16xf32>
        %parallel_loop3A_325 = arith.constant 7 : i32
        %parallel_loop3A_326 = arith.index_cast %parallel_loop3A_325 : i32 to index
        %parallel_loop3A_327 = arith.index_cast %parallel_loop3A_301 : i32 to index
        %parallel_loop3A_328 = tpu.vector_load %arg8[%parallel_loop3A_326, %parallel_loop3A_327] {strides = array<i32>} : memref<8x1024xf32, #tpu.memory_space<vmem>>, vector<1x16xf32>,
        %parallel_loop3A_329 = vector.shape_cast %parallel_loop3A_328 : vector<1x16xf32> to vector<16xf32>
        %parallel_loop3A_330 = vector.shape_cast %parallel_loop3A_324 : vector<16xf32> to vector<1x16xf32>
        tpu.vector_store %arg8[%parallel_loop3A_326, %parallel_loop3A_327], %parallel_loop3A_330 {strides = array<i32>} : memref<8x1024xf32, #tpu.memory_space<vmem>>, vector<1x16xf32>,
        %parallel_loop3A_331 = arith.constant 7 : i32
        %parallel_loop3A_332 = arith.index_cast %parallel_loop3A_331 : i32 to index
        %parallel_loop3A_333 = arith.index_cast %parallel_loop3A_301 : i32 to index
        %parallel_loop3A_334 = tpu.vector_load %arg9[%parallel_loop3A_332, %parallel_loop3A_333] {strides = array<i32>} : memref<8x1024xf32, #tpu.memory_space<vmem>>, vector<1x16xf32>,
        %parallel_loop3A_335 = vector.shape_cast %parallel_loop3A_334 : vector<1x16xf32> to vector<16xf32>
        %parallel_loop3A_336 = arith.addf %parallel_loop3A_335, %parallel_loop3A_306 : vector<16xf32>
        %parallel_loop3A_337 = arith.constant 7 : i32
        %parallel_loop3A_338 = arith.index_cast %parallel_loop3A_337 : i32 to index
        %parallel_loop3A_339 = arith.index_cast %parallel_loop3A_301 : i32 to index
        %parallel_loop3A_340 = tpu.vector_load %arg9[%parallel_loop3A_338, %parallel_loop3A_339] {strides = array<i32>} : memref<8x1024xf32, #tpu.memory_space<vmem>>, vector<1x16xf32>,
        %parallel_loop3A_341 = vector.shape_cast %parallel_loop3A_340 : vector<1x16xf32> to vector<16xf32>
        %parallel_loop3A_342 = vector.shape_cast %parallel_loop3A_336 : vector<16xf32> to vector<1x16xf32>
        tpu.vector_store %arg9[%parallel_loop3A_338, %parallel_loop3A_339], %parallel_loop3A_342 {strides = array<i32>} : memref<8x1024xf32, #tpu.memory_space<vmem>>, vector<1x16xf32>,
        %parallel_loop3A_343 = arith.constant 7 : i32
        %parallel_loop3A_344 = arith.index_cast %parallel_loop3A_343 : i32 to index
        %parallel_loop3A_345 = arith.index_cast %parallel_loop3A_301 : i32 to index
        %parallel_loop3A_346 = tpu.vector_load %arg10[%parallel_loop3A_344, %parallel_loop3A_345] {strides = array<i32>} : memref<8x1024xf32, #tpu.memory_space<vmem>>, vector<1x16xf32>,
        %parallel_loop3A_347 = vector.shape_cast %parallel_loop3A_346 : vector<1x16xf32> to vector<16xf32>
        %parallel_loop3A_348 = arith.addf %parallel_loop3A_347, %parallel_loop3A_306 : vector<16xf32>
        %parallel_loop3A_349 = arith.constant 7 : i32
        %parallel_loop3A_350 = arith.index_cast %parallel_loop3A_349 : i32 to index
        %parallel_loop3A_351 = arith.index_cast %parallel_loop3A_301 : i32 to index
        %parallel_loop3A_352 = tpu.vector_load %arg10[%parallel_loop3A_350, %parallel_loop3A_351] {strides = array<i32>} : memref<8x1024xf32, #tpu.memory_space<vmem>>, vector<1x16xf32>,
        %parallel_loop3A_353 = vector.shape_cast %parallel_loop3A_352 : vector<1x16xf32> to vector<16xf32>
        %parallel_loop3A_354 = vector.shape_cast %parallel_loop3A_348 : vector<16xf32> to vector<1x16xf32>
        tpu.vector_store %arg10[%parallel_loop3A_350, %parallel_loop3A_351], %parallel_loop3A_354 {strides = array<i32>} : memref<8x1024xf32, #tpu.memory_space<vmem>>, vector<1x16xf32>,
      } {sc.loop_unroll_factor = 4 : i64, sc.parallel_access}
      %add3A_143 = arith.constant 0 : i32
      %add3A_144 = arith.addi %add3A_143, %mul3A_2 : i32
      %mul3A_145 = arith.constant 8 : i32
      %mul3A_146 = arith.muli %mul3A_74, %mul3A_145 : i32
      %add3A_147 = arith.addi %add3A_144, %mul3A_146 : i32
      %multiple_of3A_148 = tpu.assume_multiple %add3A_147, 8 : i32
      %dma_start3A_149 = arith.constant 0 : i32
      %dma_start3A_150 = tpu.memref_slice %arg4[%multiple_of3A_148, %dma_start3A_149] : memref<32768x1024xf32, #tpu.memory_space<hbm>> -> memref<8x1024xf32, #tpu.memory_space<hbm>>
      %dma_start3A_151 = arith.constant 0 : i32
      %dma_start3A_152 = tpu.memref_slice %arg4[%multiple_of3A_148, %dma_start3A_151] : memref<32768x1024xf32, #tpu.memory_space<hbm>> -> memref<8x1024xf32, #tpu.memory_space<hbm>>
      tpu.enqueue_dma source(%arg7 : memref<8x1024xf32, #tpu.memory_space<vmem>>) target(%dma_start3A_152 : memref<8x1024xf32, #tpu.memory_space<hbm>>) target_semaphore(%arg19 : memref<!tpu.dma_semaphore, #tpu.memory_space<semaphore_mem>>)
      %add3A_153 = arith.constant 8192 : i32
      %add3A_154 = arith.addi %add3A_153, %mul3A_2 : i32
      %mul3A_155 = arith.constant 8 : i32
      %mul3A_156 = arith.muli %mul3A_74, %mul3A_155 : i32
      %add3A_157 = arith.addi %add3A_154, %mul3A_156 : i32
      %multiple_of3A_158 = tpu.assume_multiple %add3A_157, 8 : i32
      %dma_start3A_159 = arith.constant 0 : i32
      %dma_start3A_160 = tpu.memref_slice %arg4[%multiple_of3A_158, %dma_start3A_159] : memref<32768x1024xf32, #tpu.memory_space<hbm>> -> memref<8x1024xf32, #tpu.memory_space<hbm>>
      %dma_start3A_161 = arith.constant 0 : i32
      %dma_start3A_162 = tpu.memref_slice %arg4[%multiple_of3A_158, %dma_start3A_161] : memref<32768x1024xf32, #tpu.memory_space<hbm>> -> memref<8x1024xf32, #tpu.memory_space<hbm>>
      tpu.enqueue_dma source(%arg8 : memref<8x1024xf32, #tpu.memory_space<vmem>>) target(%dma_start3A_162 : memref<8x1024xf32, #tpu.memory_space<hbm>>) target_semaphore(%arg19 : memref<!tpu.dma_semaphore, #tpu.memory_space<semaphore_mem>>)
      %add3A_163 = arith.constant 16384 : i32
      %add3A_164 = arith.addi %add3A_163, %mul3A_2 : i32
      %mul3A_165 = arith.constant 8 : i32
      %mul3A_166 = arith.muli %mul3A_74, %mul3A_165 : i32
      %add3A_167 = arith.addi %add3A_164, %mul3A_166 : i32
      %multiple_of3A_168 = tpu.assume_multiple %add3A_167, 8 : i32
      %dma_start3A_169 = arith.constant 0 : i32
      %dma_start3A_170 = tpu.memref_slice %arg4[%multiple_of3A_168, %dma_start3A_169] : memref<32768x1024xf32, #tpu.memory_space<hbm>> -> memref<8x1024xf32, #tpu.memory_space<hbm>>
      %dma_start3A_171 = arith.constant 0 : i32
      %dma_start3A_172 = tpu.memref_slice %arg4[%multiple_of3A_168, %dma_start3A_171] : memref<32768x1024xf32, #tpu.memory_space<hbm>> -> memref<8x1024xf32, #tpu.memory_space<hbm>>
      tpu.enqueue_dma source(%arg9 : memref<8x1024xf32, #tpu.memory_space<vmem>>) target(%dma_start3A_172 : memref<8x1024xf32, #tpu.memory_space<hbm>>) target_semaphore(%arg19 : memref<!tpu.dma_semaphore, #tpu.memory_space<semaphore_mem>>)
      %add3A_173 = arith.constant 24576 : i32
      %add3A_174 = arith.addi %add3A_173, %mul3A_2 : i32
      %mul3A_175 = arith.constant 8 : i32
      %mul3A_176 = arith.muli %mul3A_74, %mul3A_175 : i32
      %add3A_177 = arith.addi %add3A_174, %mul3A_176 : i32
      %multiple_of3A_178 = tpu.assume_multiple %add3A_177, 8 : i32
      %dma_start3A_179 = arith.constant 0 : i32
      %dma_start3A_180 = tpu.memref_slice %arg4[%multiple_of3A_178, %dma_start3A_179] : memref<32768x1024xf32, #tpu.memory_space<hbm>> -> memref<8x1024xf32, #tpu.memory_space<hbm>>
      %dma_start3A_181 = arith.constant 0 : i32
      %dma_start3A_182 = tpu.memref_slice %arg4[%multiple_of3A_178, %dma_start3A_181] : memref<32768x1024xf32, #tpu.memory_space<hbm>> -> memref<8x1024xf32, #tpu.memory_space<hbm>>
      tpu.enqueue_dma source(%arg10 : memref<8x1024xf32, #tpu.memory_space<vmem>>) target(%dma_start3A_182 : memref<8x1024xf32, #tpu.memory_space<hbm>>) target_semaphore(%arg19 : memref<!tpu.dma_semaphore, #tpu.memory_space<semaphore_mem>>)
      %mul3A_183 = arith.constant 2 : i32
      %mul3A_184 = arith.muli %mul3A_183, %scan3A_72 : i32
      %add3A_185 = arith.constant 1 : i32
      %add3A_186 = arith.addi %mul3A_184, %add3A_185 : i32
      %dma_wait3A_187 = arith.constant 0 : i32
      %dma_wait3A_188 = arith.constant 0 : i32
      %dma_wait3A_189 = tpu.memref_slice %arg3[%dma_wait3A_187, %dma_wait3A_188] : memref<8192x1024xf32, #tpu.memory_space<hbm>> -> memref<8x1024xf32, #tpu.memory_space<hbm>>
      %dma_wait3A_190 = arith.constant 0 : i32
      %dma_wait3A_191 = arith.constant 0 : i32
      %dma_wait3A_192 = tpu.memref_slice %arg3[%dma_wait3A_190, %dma_wait3A_191] : memref<8192x1024xf32, #tpu.memory_space<hbm>> -> memref<8x1024xf32, #tpu.memory_space<hbm>>
      tpu.wait_dma2 semaphore(%arg16 : memref<!tpu.dma_semaphore, #tpu.memory_space<semaphore_mem>>) src(%dma_wait3A_192 : memref<8x1024xf32, #tpu.memory_space<hbm>>) dst(%arg6 : memref<8x1024xf32, #tpu.memory_space<vmem>>)
      %add3A_193 = arith.constant 1 : i32
      %add3A_194 = arith.addi %add3A_186, %add3A_193 : i32
      %lt3A_195 = arith.constant 32 : i32
      %lt3A_196 = arith.cmpi slt, %add3A_194, %lt3A_195 : i32
      %convert_element_type3A_197 = arith.extui %lt3A_196 : i1 to i32
      %cond3A_198 = arith.constant 0 : i32
      %cond3A_199 = arith.cmpi ne, %convert_element_type3A_197, %cond3A_198 : i32
      scf.if %cond3A_199 {
        %add3A_300 = arith.constant 1 : i32
        %add3A_301 = arith.addi %add3A_186, %add3A_300 : i32
        %mul3A_302 = arith.constant 8 : i32
        %mul3A_303 = arith.muli %add3A_301, %mul3A_302 : i32
        %add3A_304 = arith.addi %mul3A_2, %mul3A_303 : i32
        %multiple_of3A_305 = tpu.assume_multiple %add3A_304, 8 : i32
        %dma_start3A_306 = arith.constant 0 : i32
        %dma_start3A_307 = tpu.memref_slice %arg3[%multiple_of3A_305, %dma_start3A_306] : memref<8192x1024xf32, #tpu.memory_space<hbm>> -> memref<8x1024xf32, #tpu.memory_space<hbm>>
        %dma_start3A_308 = arith.constant 0 : i32
        %dma_start3A_309 = tpu.memref_slice %arg3[%multiple_of3A_305, %dma_start3A_308] : memref<8192x1024xf32, #tpu.memory_space<hbm>> -> memref<8x1024xf32, #tpu.memory_space<hbm>>
        tpu.enqueue_dma source(%dma_start3A_309 : memref<8x1024xf32, #tpu.memory_space<hbm>>) target(%arg5 : memref<8x1024xf32, #tpu.memory_space<vmem>>) target_semaphore(%arg15 : memref<!tpu.dma_semaphore, #tpu.memory_space<semaphore_mem>>)
      } else {
      }
      %dma_wait3A_200 = arith.constant 0 : i32
      %dma_wait3A_201 = arith.constant 0 : i32
      %dma_wait3A_202 = tpu.memref_slice %arg2[%dma_wait3A_200, %dma_wait3A_201] : memref<32768x1024xf32, #tpu.memory_space<hbm>> -> memref<8x1024xf32, #tpu.memory_space<hbm>>
      %dma_wait3A_203 = arith.constant 0 : i32
      %dma_wait3A_204 = arith.constant 0 : i32
      %dma_wait3A_205 = tpu.memref_slice %arg2[%dma_wait3A_203, %dma_wait3A_204] : memref<32768x1024xf32, #tpu.memory_space<hbm>> -> memref<8x1024xf32, #tpu.memory_space<hbm>>
      tpu.wait_dma2 semaphore(%arg18 : memref<!tpu.dma_semaphore, #tpu.memory_space<semaphore_mem>>) src(%dma_wait3A_205 : memref<8x1024xf32, #tpu.memory_space<hbm>>) dst(%arg11 : memref<8x1024xf32, #tpu.memory_space<vmem>>)
      %dma_wait3A_206 = arith.constant 0 : i32
      %dma_wait3A_207 = arith.constant 0 : i32
      %dma_wait3A_208 = tpu.memref_slice %arg2[%dma_wait3A_206, %dma_wait3A_207] : memref<32768x1024xf32, #tpu.memory_space<hbm>> -> memref<8x1024xf32, #tpu.memory_space<hbm>>
      %dma_wait3A_209 = arith.constant 0 : i32
      %dma_wait3A_210 = arith.constant 0 : i32
      %dma_wait3A_211 = tpu.memref_slice %arg2[%dma_wait3A_209, %dma_wait3A_210] : memref<32768x1024xf32, #tpu.memory_space<hbm>> -> memref<8x1024xf32, #tpu.memory_space<hbm>>
      tpu.wait_dma2 semaphore(%arg18 : memref<!tpu.dma_semaphore, #tpu.memory_space<semaphore_mem>>) src(%dma_wait3A_211 : memref<8x1024xf32, #tpu.memory_space<hbm>>) dst(%arg12 : memref<8x1024xf32, #tpu.memory_space<vmem>>)
      %dma_wait3A_212 = arith.constant 0 : i32
      %dma_wait3A_213 = arith.constant 0 : i32
      %dma_wait3A_214 = tpu.memref_slice %arg2[%dma_wait3A_212, %dma_wait3A_213] : memref<32768x1024xf32, #tpu.memory_space<hbm>> -> memref<8x1024xf32, #tpu.memory_space<hbm>>
      %dma_wait3A_215 = arith.constant 0 : i32
      %dma_wait3A_216 = arith.constant 0 : i32
      %dma_wait3A_217 = tpu.memref_slice %arg2[%dma_wait3A_215, %dma_wait3A_216] : memref<32768x1024xf32, #tpu.memory_space<hbm>> -> memref<8x1024xf32, #tpu.memory_space<hbm>>
      tpu.wait_dma2 semaphore(%arg18 : memref<!tpu.dma_semaphore, #tpu.memory_space<semaphore_mem>>) src(%dma_wait3A_217 : memref<8x1024xf32, #tpu.memory_space<hbm>>) dst(%arg13 : memref<8x1024xf32, #tpu.memory_space<vmem>>)
      %dma_wait3A_218 = arith.constant 0 : i32
      %dma_wait3A_219 = arith.constant 0 : i32
      %dma_wait3A_220 = tpu.memref_slice %arg2[%dma_wait3A_218, %dma_wait3A_219] : memref<32768x1024xf32, #tpu.memory_space<hbm>> -> memref<8x1024xf32, #tpu.memory_space<hbm>>
      %dma_wait3A_221 = arith.constant 0 : i32
      %dma_wait3A_222 = arith.constant 0 : i32
      %dma_wait3A_223 = tpu.memref_slice %arg2[%dma_wait3A_221, %dma_wait3A_222] : memref<32768x1024xf32, #tpu.memory_space<hbm>> -> memref<8x1024xf32, #tpu.memory_space<hbm>>
      tpu.wait_dma2 semaphore(%arg18 : memref<!tpu.dma_semaphore, #tpu.memory_space<semaphore_mem>>) src(%dma_wait3A_223 : memref<8x1024xf32, #tpu.memory_space<hbm>>) dst(%arg14 : memref<8x1024xf32, #tpu.memory_space<vmem>>)
      %gt3A_224 = arith.constant 0 : i32
      %gt3A_225 = arith.cmpi sgt, %add3A_186, %gt3A_224 : i32
      %convert_element_type3A_226 = arith.extui %gt3A_225 : i1 to i32
      %cond3A_227 = arith.constant 0 : i32
      %cond3A_228 = arith.cmpi ne, %convert_element_type3A_226, %cond3A_227 : i32
      scf.if %cond3A_228 {
        %dma_wait3A_300 = arith.constant 0 : i32
        %dma_wait3A_301 = arith.constant 0 : i32
        %dma_wait3A_302 = tpu.memref_slice %arg2[%dma_wait3A_300, %dma_wait3A_301] : memref<32768x1024xf32, #tpu.memory_space<hbm>> -> memref<8x1024xf32, #tpu.memory_space<hbm>>
        %dma_wait3A_303 = arith.constant 0 : i32
        %dma_wait3A_304 = arith.constant 0 : i32
        %dma_wait3A_305 = tpu.memref_slice %arg2[%dma_wait3A_303, %dma_wait3A_304] : memref<32768x1024xf32, #tpu.memory_space<hbm>> -> memref<8x1024xf32, #tpu.memory_space<hbm>>
        tpu.wait_dma2 semaphore(%arg19 : memref<!tpu.dma_semaphore, #tpu.memory_space<semaphore_mem>>) src(%dma_wait3A_305 : memref<8x1024xf32, #tpu.memory_space<hbm>>) dst(%arg7 : memref<8x1024xf32, #tpu.memory_space<vmem>>)
        %dma_wait3A_306 = arith.constant 0 : i32
        %dma_wait3A_307 = arith.constant 0 : i32
        %dma_wait3A_308 = tpu.memref_slice %arg2[%dma_wait3A_306, %dma_wait3A_307] : memref<32768x1024xf32, #tpu.memory_space<hbm>> -> memref<8x1024xf32, #tpu.memory_space<hbm>>
        %dma_wait3A_309 = arith.constant 0 : i32
        %dma_wait3A_310 = arith.constant 0 : i32
        %dma_wait3A_311 = tpu.memref_slice %arg2[%dma_wait3A_309, %dma_wait3A_310] : memref<32768x1024xf32, #tpu.memory_space<hbm>> -> memref<8x1024xf32, #tpu.memory_space<hbm>>
        tpu.wait_dma2 semaphore(%arg19 : memref<!tpu.dma_semaphore, #tpu.memory_space<semaphore_mem>>) src(%dma_wait3A_311 : memref<8x1024xf32, #tpu.memory_space<hbm>>) dst(%arg8 : memref<8x1024xf32, #tpu.memory_space<vmem>>)
        %dma_wait3A_312 = arith.constant 0 : i32
        %dma_wait3A_313 = arith.constant 0 : i32
        %dma_wait3A_314 = tpu.memref_slice %arg2[%dma_wait3A_312, %dma_wait3A_313] : memref<32768x1024xf32, #tpu.memory_space<hbm>> -> memref<8x1024xf32, #tpu.memory_space<hbm>>
        %dma_wait3A_315 = arith.constant 0 : i32
        %dma_wait3A_316 = arith.constant 0 : i32
        %dma_wait3A_317 = tpu.memref_slice %arg2[%dma_wait3A_315, %dma_wait3A_316] : memref<32768x1024xf32, #tpu.memory_space<hbm>> -> memref<8x1024xf32, #tpu.memory_space<hbm>>
        tpu.wait_dma2 semaphore(%arg19 : memref<!tpu.dma_semaphore, #tpu.memory_space<semaphore_mem>>) src(%dma_wait3A_317 : memref<8x1024xf32, #tpu.memory_space<hbm>>) dst(%arg9 : memref<8x1024xf32, #tpu.memory_space<vmem>>)
        %dma_wait3A_318 = arith.constant 0 : i32
        %dma_wait3A_319 = arith.constant 0 : i32
        %dma_wait3A_320 = tpu.memref_slice %arg2[%dma_wait3A_318, %dma_wait3A_319] : memref<32768x1024xf32, #tpu.memory_space<hbm>> -> memref<8x1024xf32, #tpu.memory_space<hbm>>
        %dma_wait3A_321 = arith.constant 0 : i32
        %dma_wait3A_322 = arith.constant 0 : i32
        %dma_wait3A_323 = tpu.memref_slice %arg2[%dma_wait3A_321, %dma_wait3A_322] : memref<32768x1024xf32, #tpu.memory_space<hbm>> -> memref<8x1024xf32, #tpu.memory_space<hbm>>
        tpu.wait_dma2 semaphore(%arg19 : memref<!tpu.dma_semaphore, #tpu.memory_space<semaphore_mem>>) src(%dma_wait3A_323 : memref<8x1024xf32, #tpu.memory_space<hbm>>) dst(%arg10 : memref<8x1024xf32, #tpu.memory_space<vmem>>)
      } else {
      }
      %add3A_229 = arith.constant 1 : i32
      %add3A_230 = arith.addi %add3A_186, %add3A_229 : i32
      %lt3A_231 = arith.constant 32 : i32
      %lt3A_232 = arith.cmpi slt, %add3A_230, %lt3A_231 : i32
      %convert_element_type3A_233 = arith.extui %lt3A_232 : i1 to i32
      %cond3A_234 = arith.constant 0 : i32
      %cond3A_235 = arith.cmpi ne, %convert_element_type3A_233, %cond3A_234 : i32
      scf.if %cond3A_235 {
        %add3A_300 = arith.constant 1 : i32
        %add3A_301 = arith.addi %add3A_186, %add3A_300 : i32
        %add3A_302 = arith.constant 0 : i32
        %add3A_303 = arith.addi %add3A_302, %mul3A_2 : i32
        %mul3A_304 = arith.constant 8 : i32
        %mul3A_305 = arith.muli %add3A_301, %mul3A_304 : i32
        %add3A_306 = arith.addi %add3A_303, %mul3A_305 : i32
        %multiple_of3A_307 = tpu.assume_multiple %add3A_306, 8 : i32
        %dma_start3A_308 = arith.constant 0 : i32
        %dma_start3A_309 = tpu.memref_slice %arg2[%multiple_of3A_307, %dma_start3A_308] : memref<32768x1024xf32, #tpu.memory_space<hbm>> -> memref<8x1024xf32, #tpu.memory_space<hbm>>
        %dma_start3A_310 = arith.constant 0 : i32
        %dma_start3A_311 = tpu.memref_slice %arg2[%multiple_of3A_307, %dma_start3A_310] : memref<32768x1024xf32, #tpu.memory_space<hbm>> -> memref<8x1024xf32, #tpu.memory_space<hbm>>
        tpu.enqueue_dma source(%dma_start3A_311 : memref<8x1024xf32, #tpu.memory_space<hbm>>) target(%arg7 : memref<8x1024xf32, #tpu.memory_space<vmem>>) target_semaphore(%arg17 : memref<!tpu.dma_semaphore, #tpu.memory_space<semaphore_mem>>)
        %add3A_312 = arith.constant 8192 : i32
        %add3A_313 = arith.addi %add3A_312, %mul3A_2 : i32
        %mul3A_314 = arith.constant 8 : i32
        %mul3A_315 = arith.muli %add3A_301, %mul3A_314 : i32
        %add3A_316 = arith.addi %add3A_313, %mul3A_315 : i32
        %multiple_of3A_317 = tpu.assume_multiple %add3A_316, 8 : i32
        %dma_start3A_318 = arith.constant 0 : i32
        %dma_start3A_319 = tpu.memref_slice %arg2[%multiple_of3A_317, %dma_start3A_318] : memref<32768x1024xf32, #tpu.memory_space<hbm>> -> memref<8x1024xf32, #tpu.memory_space<hbm>>
        %dma_start3A_320 = arith.constant 0 : i32
        %dma_start3A_321 = tpu.memref_slice %arg2[%multiple_of3A_317, %dma_start3A_320] : memref<32768x1024xf32, #tpu.memory_space<hbm>> -> memref<8x1024xf32, #tpu.memory_space<hbm>>
        tpu.enqueue_dma source(%dma_start3A_321 : memref<8x1024xf32, #tpu.memory_space<hbm>>) target(%arg8 : memref<8x1024xf32, #tpu.memory_space<vmem>>) target_semaphore(%arg17 : memref<!tpu.dma_semaphore, #tpu.memory_space<semaphore_mem>>)
        %add3A_322 = arith.constant 16384 : i32
        %add3A_323 = arith.addi %add3A_322, %mul3A_2 : i32
        %mul3A_324 = arith.constant 8 : i32
        %mul3A_325 = arith.muli %add3A_301, %mul3A_324 : i32
        %add3A_326 = arith.addi %add3A_323, %mul3A_325 : i32
        %multiple_of3A_327 = tpu.assume_multiple %add3A_326, 8 : i32
        %dma_start3A_328 = arith.constant 0 : i32
        %dma_start3A_329 = tpu.memref_slice %arg2[%multiple_of3A_327, %dma_start3A_328] : memref<32768x1024xf32, #tpu.memory_space<hbm>> -> memref<8x1024xf32, #tpu.memory_space<hbm>>
        %dma_start3A_330 = arith.constant 0 : i32
        %dma_start3A_331 = tpu.memref_slice %arg2[%multiple_of3A_327, %dma_start3A_330] : memref<32768x1024xf32, #tpu.memory_space<hbm>> -> memref<8x1024xf32, #tpu.memory_space<hbm>>
        tpu.enqueue_dma source(%dma_start3A_331 : memref<8x1024xf32, #tpu.memory_space<hbm>>) target(%arg9 : memref<8x1024xf32, #tpu.memory_space<vmem>>) target_semaphore(%arg17 : memref<!tpu.dma_semaphore, #tpu.memory_space<semaphore_mem>>)
        %add3A_332 = arith.constant 24576 : i32
        %add3A_333 = arith.addi %add3A_332, %mul3A_2 : i32
        %mul3A_334 = arith.constant 8 : i32
        %mul3A_335 = arith.muli %add3A_301, %mul3A_334 : i32
        %add3A_336 = arith.addi %add3A_333, %mul3A_335 : i32
        %multiple_of3A_337 = tpu.assume_multiple %add3A_336, 8 : i32
        %dma_start3A_338 = arith.constant 0 : i32
        %dma_start3A_339 = tpu.memref_slice %arg2[%multiple_of3A_337, %dma_start3A_338] : memref<32768x1024xf32, #tpu.memory_space<hbm>> -> memref<8x1024xf32, #tpu.memory_space<hbm>>
        %dma_start3A_340 = arith.constant 0 : i32
        %dma_start3A_341 = tpu.memref_slice %arg2[%multiple_of3A_337, %dma_start3A_340] : memref<32768x1024xf32, #tpu.memory_space<hbm>> -> memref<8x1024xf32, #tpu.memory_space<hbm>>
        tpu.enqueue_dma source(%dma_start3A_341 : memref<8x1024xf32, #tpu.memory_space<hbm>>) target(%arg10 : memref<8x1024xf32, #tpu.memory_space<vmem>>) target_semaphore(%arg17 : memref<!tpu.dma_semaphore, #tpu.memory_space<semaphore_mem>>)
      } else {
      }
      %parallel_loop3A_236 = arith.constant 0 : i32
      %parallel_loop3A_237 = arith.constant 1024 : i32
      %parallel_loop3A_238 = arith.constant 16 : i32
      scf.for %parallel_loop3A_300 = %parallel_loop3A_236 to %parallel_loop3A_237 step %parallel_loop3A_238  : i32 {
        %parallel_loop3A_301 = tpu.assume_multiple %parallel_loop3A_300, 8 : i32
        %parallel_loop3A_302 = arith.constant 0 : i32
        %parallel_loop3A_303 = arith.index_cast %parallel_loop3A_302 : i32 to index
        %parallel_loop3A_304 = arith.index_cast %parallel_loop3A_301 : i32 to index
        %parallel_loop3A_305 = tpu.vector_load %arg6[%parallel_loop3A_303, %parallel_loop3A_304] {strides = array<i32>} : memref<8x1024xf32, #tpu.memory_space<vmem>>, vector<1x16xf32>,
        %parallel_loop3A_306 = vector.shape_cast %parallel_loop3A_305 : vector<1x16xf32> to vector<16xf32>
        %parallel_loop3A_307 = arith.constant 0 : i32
        %parallel_loop3A_308 = arith.index_cast %parallel_loop3A_307 : i32 to index
        %parallel_loop3A_309 = arith.index_cast %parallel_loop3A_301 : i32 to index
        %parallel_loop3A_310 = tpu.vector_load %arg11[%parallel_loop3A_308, %parallel_loop3A_309] {strides = array<i32>} : memref<8x1024xf32, #tpu.memory_space<vmem>>, vector<1x16xf32>,
        %parallel_loop3A_311 = vector.shape_cast %parallel_loop3A_310 : vector<1x16xf32> to vector<16xf32>
        %parallel_loop3A_312 = arith.addf %parallel_loop3A_311, %parallel_loop3A_306 : vector<16xf32>
        %parallel_loop3A_313 = arith.constant 0 : i32
        %parallel_loop3A_314 = arith.index_cast %parallel_loop3A_313 : i32 to index
        %parallel_loop3A_315 = arith.index_cast %parallel_loop3A_301 : i32 to index
        %parallel_loop3A_316 = tpu.vector_load %arg11[%parallel_loop3A_314, %parallel_loop3A_315] {strides = array<i32>} : memref<8x1024xf32, #tpu.memory_space<vmem>>, vector<1x16xf32>,
        %parallel_loop3A_317 = vector.shape_cast %parallel_loop3A_316 : vector<1x16xf32> to vector<16xf32>
        %parallel_loop3A_318 = vector.shape_cast %parallel_loop3A_312 : vector<16xf32> to vector<1x16xf32>
        tpu.vector_store %arg11[%parallel_loop3A_314, %parallel_loop3A_315], %parallel_loop3A_318 {strides = array<i32>} : memref<8x1024xf32, #tpu.memory_space<vmem>>, vector<1x16xf32>,
        %parallel_loop3A_319 = arith.constant 0 : i32
        %parallel_loop3A_320 = arith.index_cast %parallel_loop3A_319 : i32 to index
        %parallel_loop3A_321 = arith.index_cast %parallel_loop3A_301 : i32 to index
        %parallel_loop3A_322 = tpu.vector_load %arg12[%parallel_loop3A_320, %parallel_loop3A_321] {strides = array<i32>} : memref<8x1024xf32, #tpu.memory_space<vmem>>, vector<1x16xf32>,
        %parallel_loop3A_323 = vector.shape_cast %parallel_loop3A_322 : vector<1x16xf32> to vector<16xf32>
        %parallel_loop3A_324 = arith.addf %parallel_loop3A_323, %parallel_loop3A_306 : vector<16xf32>
        %parallel_loop3A_325 = arith.constant 0 : i32
        %parallel_loop3A_326 = arith.index_cast %parallel_loop3A_325 : i32 to index
        %parallel_loop3A_327 = arith.index_cast %parallel_loop3A_301 : i32 to index
        %parallel_loop3A_328 = tpu.vector_load %arg12[%parallel_loop3A_326, %parallel_loop3A_327] {strides = array<i32>} : memref<8x1024xf32, #tpu.memory_space<vmem>>, vector<1x16xf32>,
        %parallel_loop3A_329 = vector.shape_cast %parallel_loop3A_328 : vector<1x16xf32> to vector<16xf32>
        %parallel_loop3A_330 = vector.shape_cast %parallel_loop3A_324 : vector<16xf32> to vector<1x16xf32>
        tpu.vector_store %arg12[%parallel_loop3A_326, %parallel_loop3A_327], %parallel_loop3A_330 {strides = array<i32>} : memref<8x1024xf32, #tpu.memory_space<vmem>>, vector<1x16xf32>,
        %parallel_loop3A_331 = arith.constant 0 : i32
        %parallel_loop3A_332 = arith.index_cast %parallel_loop3A_331 : i32 to index
        %parallel_loop3A_333 = arith.index_cast %parallel_loop3A_301 : i32 to index
        %parallel_loop3A_334 = tpu.vector_load %arg13[%parallel_loop3A_332, %parallel_loop3A_333] {strides = array<i32>} : memref<8x1024xf32, #tpu.memory_space<vmem>>, vector<1x16xf32>,
        %parallel_loop3A_335 = vector.shape_cast %parallel_loop3A_334 : vector<1x16xf32> to vector<16xf32>
        %parallel_loop3A_336 = arith.addf %parallel_loop3A_335, %parallel_loop3A_306 : vector<16xf32>
        %parallel_loop3A_337 = arith.constant 0 : i32
        %parallel_loop3A_338 = arith.index_cast %parallel_loop3A_337 : i32 to index
        %parallel_loop3A_339 = arith.index_cast %parallel_loop3A_301 : i32 to index
        %parallel_loop3A_340 = tpu.vector_load %arg13[%parallel_loop3A_338, %parallel_loop3A_339] {strides = array<i32>} : memref<8x1024xf32, #tpu.memory_space<vmem>>, vector<1x16xf32>,
        %parallel_loop3A_341 = vector.shape_cast %parallel_loop3A_340 : vector<1x16xf32> to vector<16xf32>
        %parallel_loop3A_342 = vector.shape_cast %parallel_loop3A_336 : vector<16xf32> to vector<1x16xf32>
        tpu.vector_store %arg13[%parallel_loop3A_338, %parallel_loop3A_339], %parallel_loop3A_342 {strides = array<i32>} : memref<8x1024xf32, #tpu.memory_space<vmem>>, vector<1x16xf32>,
        %parallel_loop3A_343 = arith.constant 0 : i32
        %parallel_loop3A_344 = arith.index_cast %parallel_loop3A_343 : i32 to index
        %parallel_loop3A_345 = arith.index_cast %parallel_loop3A_301 : i32 to index
        %parallel_loop3A_346 = tpu.vector_load %arg14[%parallel_loop3A_344, %parallel_loop3A_345] {strides = array<i32>} : memref<8x1024xf32, #tpu.memory_space<vmem>>, vector<1x16xf32>,
        %parallel_loop3A_347 = vector.shape_cast %parallel_loop3A_346 : vector<1x16xf32> to vector<16xf32>
        %parallel_loop3A_348 = arith.addf %parallel_loop3A_347, %parallel_loop3A_306 : vector<16xf32>
        %parallel_loop3A_349 = arith.constant 0 : i32
        %parallel_loop3A_350 = arith.index_cast %parallel_loop3A_349 : i32 to index
        %parallel_loop3A_351 = arith.index_cast %parallel_loop3A_301 : i32 to index
        %parallel_loop3A_352 = tpu.vector_load %arg14[%parallel_loop3A_350, %parallel_loop3A_351] {strides = array<i32>} : memref<8x1024xf32, #tpu.memory_space<vmem>>, vector<1x16xf32>,
        %parallel_loop3A_353 = vector.shape_cast %parallel_loop3A_352 : vector<1x16xf32> to vector<16xf32>
        %parallel_loop3A_354 = vector.shape_cast %parallel_loop3A_348 : vector<16xf32> to vector<1x16xf32>
        tpu.vector_store %arg14[%parallel_loop3A_350, %parallel_loop3A_351], %parallel_loop3A_354 {strides = array<i32>} : memref<8x1024xf32, #tpu.memory_space<vmem>>, vector<1x16xf32>,
      } {sc.loop_unroll_factor = 4 : i64, sc.parallel_access}
      %parallel_loop3A_239 = arith.constant 0 : i32
      %parallel_loop3A_240 = arith.constant 1024 : i32
      %parallel_loop3A_241 = arith.constant 16 : i32
      scf.for %parallel_loop3A_300 = %parallel_loop3A_239 to %parallel_loop3A_240 step %parallel_loop3A_241  : i32 {
        %parallel_loop3A_301 = tpu.assume_multiple %parallel_loop3A_300, 8 : i32
        %parallel_loop3A_302 = arith.constant 1 : i32
        %parallel_loop3A_303 = arith.index_cast %parallel_loop3A_302 : i32 to index
        %parallel_loop3A_304 = arith.index_cast %parallel_loop3A_301 : i32 to index
        %parallel_loop3A_305 = tpu.vector_load %arg6[%parallel_loop3A_303, %parallel_loop3A_304] {strides = array<i32>} : memref<8x1024xf32, #tpu.memory_space<vmem>>, vector<1x16xf32>,
        %parallel_loop3A_306 = vector.shape_cast %parallel_loop3A_305 : vector<1x16xf32> to vector<16xf32>
        %parallel_loop3A_307 = arith.constant 1 : i32
        %parallel_loop3A_308 = arith.index_cast %parallel_loop3A_307 : i32 to index
        %parallel_loop3A_309 = arith.index_cast %parallel_loop3A_301 : i32 to index
        %parallel_loop3A_310 = tpu.vector_load %arg11[%parallel_loop3A_308, %parallel_loop3A_309] {strides = array<i32>} : memref<8x1024xf32, #tpu.memory_space<vmem>>, vector<1x16xf32>,
        %parallel_loop3A_311 = vector.shape_cast %parallel_loop3A_310 : vector<1x16xf32> to vector<16xf32>
        %parallel_loop3A_312 = arith.addf %parallel_loop3A_311, %parallel_loop3A_306 : vector<16xf32>
        %parallel_loop3A_313 = arith.constant 1 : i32
        %parallel_loop3A_314 = arith.index_cast %parallel_loop3A_313 : i32 to index
        %parallel_loop3A_315 = arith.index_cast %parallel_loop3A_301 : i32 to index
        %parallel_loop3A_316 = tpu.vector_load %arg11[%parallel_loop3A_314, %parallel_loop3A_315] {strides = array<i32>} : memref<8x1024xf32, #tpu.memory_space<vmem>>, vector<1x16xf32>,
        %parallel_loop3A_317 = vector.shape_cast %parallel_loop3A_316 : vector<1x16xf32> to vector<16xf32>
        %parallel_loop3A_318 = vector.shape_cast %parallel_loop3A_312 : vector<16xf32> to vector<1x16xf32>
        tpu.vector_store %arg11[%parallel_loop3A_314, %parallel_loop3A_315], %parallel_loop3A_318 {strides = array<i32>} : memref<8x1024xf32, #tpu.memory_space<vmem>>, vector<1x16xf32>,
        %parallel_loop3A_319 = arith.constant 1 : i32
        %parallel_loop3A_320 = arith.index_cast %parallel_loop3A_319 : i32 to index
        %parallel_loop3A_321 = arith.index_cast %parallel_loop3A_301 : i32 to index
        %parallel_loop3A_322 = tpu.vector_load %arg12[%parallel_loop3A_320, %parallel_loop3A_321] {strides = array<i32>} : memref<8x1024xf32, #tpu.memory_space<vmem>>, vector<1x16xf32>,
        %parallel_loop3A_323 = vector.shape_cast %parallel_loop3A_322 : vector<1x16xf32> to vector<16xf32>
        %parallel_loop3A_324 = arith.addf %parallel_loop3A_323, %parallel_loop3A_306 : vector<16xf32>
        %parallel_loop3A_325 = arith.constant 1 : i32
        %parallel_loop3A_326 = arith.index_cast %parallel_loop3A_325 : i32 to index
        %parallel_loop3A_327 = arith.index_cast %parallel_loop3A_301 : i32 to index
        %parallel_loop3A_328 = tpu.vector_load %arg12[%parallel_loop3A_326, %parallel_loop3A_327] {strides = array<i32>} : memref<8x1024xf32, #tpu.memory_space<vmem>>, vector<1x16xf32>,
        %parallel_loop3A_329 = vector.shape_cast %parallel_loop3A_328 : vector<1x16xf32> to vector<16xf32>
        %parallel_loop3A_330 = vector.shape_cast %parallel_loop3A_324 : vector<16xf32> to vector<1x16xf32>
        tpu.vector_store %arg12[%parallel_loop3A_326, %parallel_loop3A_327], %parallel_loop3A_330 {strides = array<i32>} : memref<8x1024xf32, #tpu.memory_space<vmem>>, vector<1x16xf32>,
        %parallel_loop3A_331 = arith.constant 1 : i32
        %parallel_loop3A_332 = arith.index_cast %parallel_loop3A_331 : i32 to index
        %parallel_loop3A_333 = arith.index_cast %parallel_loop3A_301 : i32 to index
        %parallel_loop3A_334 = tpu.vector_load %arg13[%parallel_loop3A_332, %parallel_loop3A_333] {strides = array<i32>} : memref<8x1024xf32, #tpu.memory_space<vmem>>, vector<1x16xf32>,
        %parallel_loop3A_335 = vector.shape_cast %parallel_loop3A_334 : vector<1x16xf32> to vector<16xf32>
        %parallel_loop3A_336 = arith.addf %parallel_loop3A_335, %parallel_loop3A_306 : vector<16xf32>
        %parallel_loop3A_337 = arith.constant 1 : i32
        %parallel_loop3A_338 = arith.index_cast %parallel_loop3A_337 : i32 to index
        %parallel_loop3A_339 = arith.index_cast %parallel_loop3A_301 : i32 to index
        %parallel_loop3A_340 = tpu.vector_load %arg13[%parallel_loop3A_338, %parallel_loop3A_339] {strides = array<i32>} : memref<8x1024xf32, #tpu.memory_space<vmem>>, vector<1x16xf32>,
        %parallel_loop3A_341 = vector.shape_cast %parallel_loop3A_340 : vector<1x16xf32> to vector<16xf32>
        %parallel_loop3A_342 = vector.shape_cast %parallel_loop3A_336 : vector<16xf32> to vector<1x16xf32>
        tpu.vector_store %arg13[%parallel_loop3A_338, %parallel_loop3A_339], %parallel_loop3A_342 {strides = array<i32>} : memref<8x1024xf32, #tpu.memory_space<vmem>>, vector<1x16xf32>,
        %parallel_loop3A_343 = arith.constant 1 : i32
        %parallel_loop3A_344 = arith.index_cast %parallel_loop3A_343 : i32 to index
        %parallel_loop3A_345 = arith.index_cast %parallel_loop3A_301 : i32 to index
        %parallel_loop3A_346 = tpu.vector_load %arg14[%parallel_loop3A_344, %parallel_loop3A_345] {strides = array<i32>} : memref<8x1024xf32, #tpu.memory_space<vmem>>, vector<1x16xf32>,
        %parallel_loop3A_347 = vector.shape_cast %parallel_loop3A_346 : vector<1x16xf32> to vector<16xf32>
        %parallel_loop3A_348 = arith.addf %parallel_loop3A_347, %parallel_loop3A_306 : vector<16xf32>
        %parallel_loop3A_349 = arith.constant 1 : i32
        %parallel_loop3A_350 = arith.index_cast %parallel_loop3A_349 : i32 to index
        %parallel_loop3A_351 = arith.index_cast %parallel_loop3A_301 : i32 to index
        %parallel_loop3A_352 = tpu.vector_load %arg14[%parallel_loop3A_350, %parallel_loop3A_351] {strides = array<i32>} : memref<8x1024xf32, #tpu.memory_space<vmem>>, vector<1x16xf32>,
        %parallel_loop3A_353 = vector.shape_cast %parallel_loop3A_352 : vector<1x16xf32> to vector<16xf32>
        %parallel_loop3A_354 = vector.shape_cast %parallel_loop3A_348 : vector<16xf32> to vector<1x16xf32>
        tpu.vector_store %arg14[%parallel_loop3A_350, %parallel_loop3A_351], %parallel_loop3A_354 {strides = array<i32>} : memref<8x1024xf32, #tpu.memory_space<vmem>>, vector<1x16xf32>,
      } {sc.loop_unroll_factor = 4 : i64, sc.parallel_access}
      %parallel_loop3A_242 = arith.constant 0 : i32
      %parallel_loop3A_243 = arith.constant 1024 : i32
      %parallel_loop3A_244 = arith.constant 16 : i32
      scf.for %parallel_loop3A_300 = %parallel_loop3A_242 to %parallel_loop3A_243 step %parallel_loop3A_244  : i32 {
        %parallel_loop3A_301 = tpu.assume_multiple %parallel_loop3A_300, 8 : i32
        %parallel_loop3A_302 = arith.constant 2 : i32
        %parallel_loop3A_303 = arith.index_cast %parallel_loop3A_302 : i32 to index
        %parallel_loop3A_304 = arith.index_cast %parallel_loop3A_301 : i32 to index
        %parallel_loop3A_305 = tpu.vector_load %arg6[%parallel_loop3A_303, %parallel_loop3A_304] {strides = array<i32>} : memref<8x1024xf32, #tpu.memory_space<vmem>>, vector<1x16xf32>,
        %parallel_loop3A_306 = vector.shape_cast %parallel_loop3A_305 : vector<1x16xf32> to vector<16xf32>
        %parallel_loop3A_307 = arith.constant 2 : i32
        %parallel_loop3A_308 = arith.index_cast %parallel_loop3A_307 : i32 to index
        %parallel_loop3A_309 = arith.index_cast %parallel_loop3A_301 : i32 to index
        %parallel_loop3A_310 = tpu.vector_load %arg11[%parallel_loop3A_308, %parallel_loop3A_309] {strides = array<i32>} : memref<8x1024xf32, #tpu.memory_space<vmem>>, vector<1x16xf32>,
        %parallel_loop3A_311 = vector.shape_cast %parallel_loop3A_310 : vector<1x16xf32> to vector<16xf32>
        %parallel_loop3A_312 = arith.addf %parallel_loop3A_311, %parallel_loop3A_306 : vector<16xf32>
        %parallel_loop3A_313 = arith.constant 2 : i32
        %parallel_loop3A_314 = arith.index_cast %parallel_loop3A_313 : i32 to index
        %parallel_loop3A_315 = arith.index_cast %parallel_loop3A_301 : i32 to index
        %parallel_loop3A_316 = tpu.vector_load %arg11[%parallel_loop3A_314, %parallel_loop3A_315] {strides = array<i32>} : memref<8x1024xf32, #tpu.memory_space<vmem>>, vector<1x16xf32>,
        %parallel_loop3A_317 = vector.shape_cast %parallel_loop3A_316 : vector<1x16xf32> to vector<16xf32>
        %parallel_loop3A_318 = vector.shape_cast %parallel_loop3A_312 : vector<16xf32> to vector<1x16xf32>
        tpu.vector_store %arg11[%parallel_loop3A_314, %parallel_loop3A_315], %parallel_loop3A_318 {strides = array<i32>} : memref<8x1024xf32, #tpu.memory_space<vmem>>, vector<1x16xf32>,
        %parallel_loop3A_319 = arith.constant 2 : i32
        %parallel_loop3A_320 = arith.index_cast %parallel_loop3A_319 : i32 to index
        %parallel_loop3A_321 = arith.index_cast %parallel_loop3A_301 : i32 to index
        %parallel_loop3A_322 = tpu.vector_load %arg12[%parallel_loop3A_320, %parallel_loop3A_321] {strides = array<i32>} : memref<8x1024xf32, #tpu.memory_space<vmem>>, vector<1x16xf32>,
        %parallel_loop3A_323 = vector.shape_cast %parallel_loop3A_322 : vector<1x16xf32> to vector<16xf32>
        %parallel_loop3A_324 = arith.addf %parallel_loop3A_323, %parallel_loop3A_306 : vector<16xf32>
        %parallel_loop3A_325 = arith.constant 2 : i32
        %parallel_loop3A_326 = arith.index_cast %parallel_loop3A_325 : i32 to index
        %parallel_loop3A_327 = arith.index_cast %parallel_loop3A_301 : i32 to index
        %parallel_loop3A_328 = tpu.vector_load %arg12[%parallel_loop3A_326, %parallel_loop3A_327] {strides = array<i32>} : memref<8x1024xf32, #tpu.memory_space<vmem>>, vector<1x16xf32>,
        %parallel_loop3A_329 = vector.shape_cast %parallel_loop3A_328 : vector<1x16xf32> to vector<16xf32>
        %parallel_loop3A_330 = vector.shape_cast %parallel_loop3A_324 : vector<16xf32> to vector<1x16xf32>
        tpu.vector_store %arg12[%parallel_loop3A_326, %parallel_loop3A_327], %parallel_loop3A_330 {strides = array<i32>} : memref<8x1024xf32, #tpu.memory_space<vmem>>, vector<1x16xf32>,
        %parallel_loop3A_331 = arith.constant 2 : i32
        %parallel_loop3A_332 = arith.index_cast %parallel_loop3A_331 : i32 to index
        %parallel_loop3A_333 = arith.index_cast %parallel_loop3A_301 : i32 to index
        %parallel_loop3A_334 = tpu.vector_load %arg13[%parallel_loop3A_332, %parallel_loop3A_333] {strides = array<i32>} : memref<8x1024xf32, #tpu.memory_space<vmem>>, vector<1x16xf32>,
        %parallel_loop3A_335 = vector.shape_cast %parallel_loop3A_334 : vector<1x16xf32> to vector<16xf32>
        %parallel_loop3A_336 = arith.addf %parallel_loop3A_335, %parallel_loop3A_306 : vector<16xf32>
        %parallel_loop3A_337 = arith.constant 2 : i32
        %parallel_loop3A_338 = arith.index_cast %parallel_loop3A_337 : i32 to index
        %parallel_loop3A_339 = arith.index_cast %parallel_loop3A_301 : i32 to index
        %parallel_loop3A_340 = tpu.vector_load %arg13[%parallel_loop3A_338, %parallel_loop3A_339] {strides = array<i32>} : memref<8x1024xf32, #tpu.memory_space<vmem>>, vector<1x16xf32>,
        %parallel_loop3A_341 = vector.shape_cast %parallel_loop3A_340 : vector<1x16xf32> to vector<16xf32>
        %parallel_loop3A_342 = vector.shape_cast %parallel_loop3A_336 : vector<16xf32> to vector<1x16xf32>
        tpu.vector_store %arg13[%parallel_loop3A_338, %parallel_loop3A_339], %parallel_loop3A_342 {strides = array<i32>} : memref<8x1024xf32, #tpu.memory_space<vmem>>, vector<1x16xf32>,
        %parallel_loop3A_343 = arith.constant 2 : i32
        %parallel_loop3A_344 = arith.index_cast %parallel_loop3A_343 : i32 to index
        %parallel_loop3A_345 = arith.index_cast %parallel_loop3A_301 : i32 to index
        %parallel_loop3A_346 = tpu.vector_load %arg14[%parallel_loop3A_344, %parallel_loop3A_345] {strides = array<i32>} : memref<8x1024xf32, #tpu.memory_space<vmem>>, vector<1x16xf32>,
        %parallel_loop3A_347 = vector.shape_cast %parallel_loop3A_346 : vector<1x16xf32> to vector<16xf32>
        %parallel_loop3A_348 = arith.addf %parallel_loop3A_347, %parallel_loop3A_306 : vector<16xf32>
        %parallel_loop3A_349 = arith.constant 2 : i32
        %parallel_loop3A_350 = arith.index_cast %parallel_loop3A_349 : i32 to index
        %parallel_loop3A_351 = arith.index_cast %parallel_loop3A_301 : i32 to index
        %parallel_loop3A_352 = tpu.vector_load %arg14[%parallel_loop3A_350, %parallel_loop3A_351] {strides = array<i32>} : memref<8x1024xf32, #tpu.memory_space<vmem>>, vector<1x16xf32>,
        %parallel_loop3A_353 = vector.shape_cast %parallel_loop3A_352 : vector<1x16xf32> to vector<16xf32>
        %parallel_loop3A_354 = vector.shape_cast %parallel_loop3A_348 : vector<16xf32> to vector<1x16xf32>
        tpu.vector_store %arg14[%parallel_loop3A_350, %parallel_loop3A_351], %parallel_loop3A_354 {strides = array<i32>} : memref<8x1024xf32, #tpu.memory_space<vmem>>, vector<1x16xf32>,
      } {sc.loop_unroll_factor = 4 : i64, sc.parallel_access}
      %parallel_loop3A_245 = arith.constant 0 : i32
      %parallel_loop3A_246 = arith.constant 1024 : i32
      %parallel_loop3A_247 = arith.constant 16 : i32
      scf.for %parallel_loop3A_300 = %parallel_loop3A_245 to %parallel_loop3A_246 step %parallel_loop3A_247  : i32 {
        %parallel_loop3A_301 = tpu.assume_multiple %parallel_loop3A_300, 8 : i32
        %parallel_loop3A_302 = arith.constant 3 : i32
        %parallel_loop3A_303 = arith.index_cast %parallel_loop3A_302 : i32 to index
        %parallel_loop3A_304 = arith.index_cast %parallel_loop3A_301 : i32 to index
        %parallel_loop3A_305 = tpu.vector_load %arg6[%parallel_loop3A_303, %parallel_loop3A_304] {strides = array<i32>} : memref<8x1024xf32, #tpu.memory_space<vmem>>, vector<1x16xf32>,
        %parallel_loop3A_306 = vector.shape_cast %parallel_loop3A_305 : vector<1x16xf32> to vector<16xf32>
        %parallel_loop3A_307 = arith.constant 3 : i32
        %parallel_loop3A_308 = arith.index_cast %parallel_loop3A_307 : i32 to index
        %parallel_loop3A_309 = arith.index_cast %parallel_loop3A_301 : i32 to index
        %parallel_loop3A_310 = tpu.vector_load %arg11[%parallel_loop3A_308, %parallel_loop3A_309] {strides = array<i32>} : memref<8x1024xf32, #tpu.memory_space<vmem>>, vector<1x16xf32>,
        %parallel_loop3A_311 = vector.shape_cast %parallel_loop3A_310 : vector<1x16xf32> to vector<16xf32>
        %parallel_loop3A_312 = arith.addf %parallel_loop3A_311, %parallel_loop3A_306 : vector<16xf32>
        %parallel_loop3A_313 = arith.constant 3 : i32
        %parallel_loop3A_314 = arith.index_cast %parallel_loop3A_313 : i32 to index
        %parallel_loop3A_315 = arith.index_cast %parallel_loop3A_301 : i32 to index
        %parallel_loop3A_316 = tpu.vector_load %arg11[%parallel_loop3A_314, %parallel_loop3A_315] {strides = array<i32>} : memref<8x1024xf32, #tpu.memory_space<vmem>>, vector<1x16xf32>,
        %parallel_loop3A_317 = vector.shape_cast %parallel_loop3A_316 : vector<1x16xf32> to vector<16xf32>
        %parallel_loop3A_318 = vector.shape_cast %parallel_loop3A_312 : vector<16xf32> to vector<1x16xf32>
        tpu.vector_store %arg11[%parallel_loop3A_314, %parallel_loop3A_315], %parallel_loop3A_318 {strides = array<i32>} : memref<8x1024xf32, #tpu.memory_space<vmem>>, vector<1x16xf32>,
        %parallel_loop3A_319 = arith.constant 3 : i32
        %parallel_loop3A_320 = arith.index_cast %parallel_loop3A_319 : i32 to index
        %parallel_loop3A_321 = arith.index_cast %parallel_loop3A_301 : i32 to index
        %parallel_loop3A_322 = tpu.vector_load %arg12[%parallel_loop3A_320, %parallel_loop3A_321] {strides = array<i32>} : memref<8x1024xf32, #tpu.memory_space<vmem>>, vector<1x16xf32>,
        %parallel_loop3A_323 = vector.shape_cast %parallel_loop3A_322 : vector<1x16xf32> to vector<16xf32>
        %parallel_loop3A_324 = arith.addf %parallel_loop3A_323, %parallel_loop3A_306 : vector<16xf32>
        %parallel_loop3A_325 = arith.constant 3 : i32
        %parallel_loop3A_326 = arith.index_cast %parallel_loop3A_325 : i32 to index
        %parallel_loop3A_327 = arith.index_cast %parallel_loop3A_301 : i32 to index
        %parallel_loop3A_328 = tpu.vector_load %arg12[%parallel_loop3A_326, %parallel_loop3A_327] {strides = array<i32>} : memref<8x1024xf32, #tpu.memory_space<vmem>>, vector<1x16xf32>,
        %parallel_loop3A_329 = vector.shape_cast %parallel_loop3A_328 : vector<1x16xf32> to vector<16xf32>
        %parallel_loop3A_330 = vector.shape_cast %parallel_loop3A_324 : vector<16xf32> to vector<1x16xf32>
        tpu.vector_store %arg12[%parallel_loop3A_326, %parallel_loop3A_327], %parallel_loop3A_330 {strides = array<i32>} : memref<8x1024xf32, #tpu.memory_space<vmem>>, vector<1x16xf32>,
        %parallel_loop3A_331 = arith.constant 3 : i32
        %parallel_loop3A_332 = arith.index_cast %parallel_loop3A_331 : i32 to index
        %parallel_loop3A_333 = arith.index_cast %parallel_loop3A_301 : i32 to index
        %parallel_loop3A_334 = tpu.vector_load %arg13[%parallel_loop3A_332, %parallel_loop3A_333] {strides = array<i32>} : memref<8x1024xf32, #tpu.memory_space<vmem>>, vector<1x16xf32>,
        %parallel_loop3A_335 = vector.shape_cast %parallel_loop3A_334 : vector<1x16xf32> to vector<16xf32>
        %parallel_loop3A_336 = arith.addf %parallel_loop3A_335, %parallel_loop3A_306 : vector<16xf32>
        %parallel_loop3A_337 = arith.constant 3 : i32
        %parallel_loop3A_338 = arith.index_cast %parallel_loop3A_337 : i32 to index
        %parallel_loop3A_339 = arith.index_cast %parallel_loop3A_301 : i32 to index
        %parallel_loop3A_340 = tpu.vector_load %arg13[%parallel_loop3A_338, %parallel_loop3A_339] {strides = array<i32>} : memref<8x1024xf32, #tpu.memory_space<vmem>>, vector<1x16xf32>,
        %parallel_loop3A_341 = vector.shape_cast %parallel_loop3A_340 : vector<1x16xf32> to vector<16xf32>
        %parallel_loop3A_342 = vector.shape_cast %parallel_loop3A_336 : vector<16xf32> to vector<1x16xf32>
        tpu.vector_store %arg13[%parallel_loop3A_338, %parallel_loop3A_339], %parallel_loop3A_342 {strides = array<i32>} : memref<8x1024xf32, #tpu.memory_space<vmem>>, vector<1x16xf32>,
        %parallel_loop3A_343 = arith.constant 3 : i32
        %parallel_loop3A_344 = arith.index_cast %parallel_loop3A_343 : i32 to index
        %parallel_loop3A_345 = arith.index_cast %parallel_loop3A_301 : i32 to index
        %parallel_loop3A_346 = tpu.vector_load %arg14[%parallel_loop3A_344, %parallel_loop3A_345] {strides = array<i32>} : memref<8x1024xf32, #tpu.memory_space<vmem>>, vector<1x16xf32>,
        %parallel_loop3A_347 = vector.shape_cast %parallel_loop3A_346 : vector<1x16xf32> to vector<16xf32>
        %parallel_loop3A_348 = arith.addf %parallel_loop3A_347, %parallel_loop3A_306 : vector<16xf32>
        %parallel_loop3A_349 = arith.constant 3 : i32
        %parallel_loop3A_350 = arith.index_cast %parallel_loop3A_349 : i32 to index
        %parallel_loop3A_351 = arith.index_cast %parallel_loop3A_301 : i32 to index
        %parallel_loop3A_352 = tpu.vector_load %arg14[%parallel_loop3A_350, %parallel_loop3A_351] {strides = array<i32>} : memref<8x1024xf32, #tpu.memory_space<vmem>>, vector<1x16xf32>,
        %parallel_loop3A_353 = vector.shape_cast %parallel_loop3A_352 : vector<1x16xf32> to vector<16xf32>
        %parallel_loop3A_354 = vector.shape_cast %parallel_loop3A_348 : vector<16xf32> to vector<1x16xf32>
        tpu.vector_store %arg14[%parallel_loop3A_350, %parallel_loop3A_351], %parallel_loop3A_354 {strides = array<i32>} : memref<8x1024xf32, #tpu.memory_space<vmem>>, vector<1x16xf32>,
      } {sc.loop_unroll_factor = 4 : i64, sc.parallel_access}
      %parallel_loop3A_248 = arith.constant 0 : i32
      %parallel_loop3A_249 = arith.constant 1024 : i32
      %parallel_loop3A_250 = arith.constant 16 : i32
      scf.for %parallel_loop3A_300 = %parallel_loop3A_248 to %parallel_loop3A_249 step %parallel_loop3A_250  : i32 {
        %parallel_loop3A_301 = tpu.assume_multiple %parallel_loop3A_300, 8 : i32
        %parallel_loop3A_302 = arith.constant 4 : i32
        %parallel_loop3A_303 = arith.index_cast %parallel_loop3A_302 : i32 to index
        %parallel_loop3A_304 = arith.index_cast %parallel_loop3A_301 : i32 to index
        %parallel_loop3A_305 = tpu.vector_load %arg6[%parallel_loop3A_303, %parallel_loop3A_304] {strides = array<i32>} : memref<8x1024xf32, #tpu.memory_space<vmem>>, vector<1x16xf32>,
        %parallel_loop3A_306 = vector.shape_cast %parallel_loop3A_305 : vector<1x16xf32> to vector<16xf32>
        %parallel_loop3A_307 = arith.constant 4 : i32
        %parallel_loop3A_308 = arith.index_cast %parallel_loop3A_307 : i32 to index
        %parallel_loop3A_309 = arith.index_cast %parallel_loop3A_301 : i32 to index
        %parallel_loop3A_310 = tpu.vector_load %arg11[%parallel_loop3A_308, %parallel_loop3A_309] {strides = array<i32>} : memref<8x1024xf32, #tpu.memory_space<vmem>>, vector<1x16xf32>,
        %parallel_loop3A_311 = vector.shape_cast %parallel_loop3A_310 : vector<1x16xf32> to vector<16xf32>
        %parallel_loop3A_312 = arith.addf %parallel_loop3A_311, %parallel_loop3A_306 : vector<16xf32>
        %parallel_loop3A_313 = arith.constant 4 : i32
        %parallel_loop3A_314 = arith.index_cast %parallel_loop3A_313 : i32 to index
        %parallel_loop3A_315 = arith.index_cast %parallel_loop3A_301 : i32 to index
        %parallel_loop3A_316 = tpu.vector_load %arg11[%parallel_loop3A_314, %parallel_loop3A_315] {strides = array<i32>} : memref<8x1024xf32, #tpu.memory_space<vmem>>, vector<1x16xf32>,
        %parallel_loop3A_317 = vector.shape_cast %parallel_loop3A_316 : vector<1x16xf32> to vector<16xf32>
        %parallel_loop3A_318 = vector.shape_cast %parallel_loop3A_312 : vector<16xf32> to vector<1x16xf32>
        tpu.vector_store %arg11[%parallel_loop3A_314, %parallel_loop3A_315], %parallel_loop3A_318 {strides = array<i32>} : memref<8x1024xf32, #tpu.memory_space<vmem>>, vector<1x16xf32>,
        %parallel_loop3A_319 = arith.constant 4 : i32
        %parallel_loop3A_320 = arith.index_cast %parallel_loop3A_319 : i32 to index
        %parallel_loop3A_321 = arith.index_cast %parallel_loop3A_301 : i32 to index
        %parallel_loop3A_322 = tpu.vector_load %arg12[%parallel_loop3A_320, %parallel_loop3A_321] {strides = array<i32>} : memref<8x1024xf32, #tpu.memory_space<vmem>>, vector<1x16xf32>,
        %parallel_loop3A_323 = vector.shape_cast %parallel_loop3A_322 : vector<1x16xf32> to vector<16xf32>
        %parallel_loop3A_324 = arith.addf %parallel_loop3A_323, %parallel_loop3A_306 : vector<16xf32>
        %parallel_loop3A_325 = arith.constant 4 : i32
        %parallel_loop3A_326 = arith.index_cast %parallel_loop3A_325 : i32 to index
        %parallel_loop3A_327 = arith.index_cast %parallel_loop3A_301 : i32 to index
        %parallel_loop3A_328 = tpu.vector_load %arg12[%parallel_loop3A_326, %parallel_loop3A_327] {strides = array<i32>} : memref<8x1024xf32, #tpu.memory_space<vmem>>, vector<1x16xf32>,
        %parallel_loop3A_329 = vector.shape_cast %parallel_loop3A_328 : vector<1x16xf32> to vector<16xf32>
        %parallel_loop3A_330 = vector.shape_cast %parallel_loop3A_324 : vector<16xf32> to vector<1x16xf32>
        tpu.vector_store %arg12[%parallel_loop3A_326, %parallel_loop3A_327], %parallel_loop3A_330 {strides = array<i32>} : memref<8x1024xf32, #tpu.memory_space<vmem>>, vector<1x16xf32>,
        %parallel_loop3A_331 = arith.constant 4 : i32
        %parallel_loop3A_332 = arith.index_cast %parallel_loop3A_331 : i32 to index
        %parallel_loop3A_333 = arith.index_cast %parallel_loop3A_301 : i32 to index
        %parallel_loop3A_334 = tpu.vector_load %arg13[%parallel_loop3A_332, %parallel_loop3A_333] {strides = array<i32>} : memref<8x1024xf32, #tpu.memory_space<vmem>>, vector<1x16xf32>,
        %parallel_loop3A_335 = vector.shape_cast %parallel_loop3A_334 : vector<1x16xf32> to vector<16xf32>
        %parallel_loop3A_336 = arith.addf %parallel_loop3A_335, %parallel_loop3A_306 : vector<16xf32>
        %parallel_loop3A_337 = arith.constant 4 : i32
        %parallel_loop3A_338 = arith.index_cast %parallel_loop3A_337 : i32 to index
        %parallel_loop3A_339 = arith.index_cast %parallel_loop3A_301 : i32 to index
        %parallel_loop3A_340 = tpu.vector_load %arg13[%parallel_loop3A_338, %parallel_loop3A_339] {strides = array<i32>} : memref<8x1024xf32, #tpu.memory_space<vmem>>, vector<1x16xf32>,
        %parallel_loop3A_341 = vector.shape_cast %parallel_loop3A_340 : vector<1x16xf32> to vector<16xf32>
        %parallel_loop3A_342 = vector.shape_cast %parallel_loop3A_336 : vector<16xf32> to vector<1x16xf32>
        tpu.vector_store %arg13[%parallel_loop3A_338, %parallel_loop3A_339], %parallel_loop3A_342 {strides = array<i32>} : memref<8x1024xf32, #tpu.memory_space<vmem>>, vector<1x16xf32>,
        %parallel_loop3A_343 = arith.constant 4 : i32
        %parallel_loop3A_344 = arith.index_cast %parallel_loop3A_343 : i32 to index
        %parallel_loop3A_345 = arith.index_cast %parallel_loop3A_301 : i32 to index
        %parallel_loop3A_346 = tpu.vector_load %arg14[%parallel_loop3A_344, %parallel_loop3A_345] {strides = array<i32>} : memref<8x1024xf32, #tpu.memory_space<vmem>>, vector<1x16xf32>,
        %parallel_loop3A_347 = vector.shape_cast %parallel_loop3A_346 : vector<1x16xf32> to vector<16xf32>
        %parallel_loop3A_348 = arith.addf %parallel_loop3A_347, %parallel_loop3A_306 : vector<16xf32>
        %parallel_loop3A_349 = arith.constant 4 : i32
        %parallel_loop3A_350 = arith.index_cast %parallel_loop3A_349 : i32 to index
        %parallel_loop3A_351 = arith.index_cast %parallel_loop3A_301 : i32 to index
        %parallel_loop3A_352 = tpu.vector_load %arg14[%parallel_loop3A_350, %parallel_loop3A_351] {strides = array<i32>} : memref<8x1024xf32, #tpu.memory_space<vmem>>, vector<1x16xf32>,
        %parallel_loop3A_353 = vector.shape_cast %parallel_loop3A_352 : vector<1x16xf32> to vector<16xf32>
        %parallel_loop3A_354 = vector.shape_cast %parallel_loop3A_348 : vector<16xf32> to vector<1x16xf32>
        tpu.vector_store %arg14[%parallel_loop3A_350, %parallel_loop3A_351], %parallel_loop3A_354 {strides = array<i32>} : memref<8x1024xf32, #tpu.memory_space<vmem>>, vector<1x16xf32>,
      } {sc.loop_unroll_factor = 4 : i64, sc.parallel_access}
      %parallel_loop3A_251 = arith.constant 0 : i32
      %parallel_loop3A_252 = arith.constant 1024 : i32
      %parallel_loop3A_253 = arith.constant 16 : i32
      scf.for %parallel_loop3A_300 = %parallel_loop3A_251 to %parallel_loop3A_252 step %parallel_loop3A_253  : i32 {
        %parallel_loop3A_301 = tpu.assume_multiple %parallel_loop3A_300, 8 : i32
        %parallel_loop3A_302 = arith.constant 5 : i32
        %parallel_loop3A_303 = arith.index_cast %parallel_loop3A_302 : i32 to index
        %parallel_loop3A_304 = arith.index_cast %parallel_loop3A_301 : i32 to index
        %parallel_loop3A_305 = tpu.vector_load %arg6[%parallel_loop3A_303, %parallel_loop3A_304] {strides = array<i32>} : memref<8x1024xf32, #tpu.memory_space<vmem>>, vector<1x16xf32>,
        %parallel_loop3A_306 = vector.shape_cast %parallel_loop3A_305 : vector<1x16xf32> to vector<16xf32>
        %parallel_loop3A_307 = arith.constant 5 : i32
        %parallel_loop3A_308 = arith.index_cast %parallel_loop3A_307 : i32 to index
        %parallel_loop3A_309 = arith.index_cast %parallel_loop3A_301 : i32 to index
        %parallel_loop3A_310 = tpu.vector_load %arg11[%parallel_loop3A_308, %parallel_loop3A_309] {strides = array<i32>} : memref<8x1024xf32, #tpu.memory_space<vmem>>, vector<1x16xf32>,
        %parallel_loop3A_311 = vector.shape_cast %parallel_loop3A_310 : vector<1x16xf32> to vector<16xf32>
        %parallel_loop3A_312 = arith.addf %parallel_loop3A_311, %parallel_loop3A_306 : vector<16xf32>
        %parallel_loop3A_313 = arith.constant 5 : i32
        %parallel_loop3A_314 = arith.index_cast %parallel_loop3A_313 : i32 to index
        %parallel_loop3A_315 = arith.index_cast %parallel_loop3A_301 : i32 to index
        %parallel_loop3A_316 = tpu.vector_load %arg11[%parallel_loop3A_314, %parallel_loop3A_315] {strides = array<i32>} : memref<8x1024xf32, #tpu.memory_space<vmem>>, vector<1x16xf32>,
        %parallel_loop3A_317 = vector.shape_cast %parallel_loop3A_316 : vector<1x16xf32> to vector<16xf32>
        %parallel_loop3A_318 = vector.shape_cast %parallel_loop3A_312 : vector<16xf32> to vector<1x16xf32>
        tpu.vector_store %arg11[%parallel_loop3A_314, %parallel_loop3A_315], %parallel_loop3A_318 {strides = array<i32>} : memref<8x1024xf32, #tpu.memory_space<vmem>>, vector<1x16xf32>,
        %parallel_loop3A_319 = arith.constant 5 : i32
        %parallel_loop3A_320 = arith.index_cast %parallel_loop3A_319 : i32 to index
        %parallel_loop3A_321 = arith.index_cast %parallel_loop3A_301 : i32 to index
        %parallel_loop3A_322 = tpu.vector_load %arg12[%parallel_loop3A_320, %parallel_loop3A_321] {strides = array<i32>} : memref<8x1024xf32, #tpu.memory_space<vmem>>, vector<1x16xf32>,
        %parallel_loop3A_323 = vector.shape_cast %parallel_loop3A_322 : vector<1x16xf32> to vector<16xf32>
        %parallel_loop3A_324 = arith.addf %parallel_loop3A_323, %parallel_loop3A_306 : vector<16xf32>
        %parallel_loop3A_325 = arith.constant 5 : i32
        %parallel_loop3A_326 = arith.index_cast %parallel_loop3A_325 : i32 to index
        %parallel_loop3A_327 = arith.index_cast %parallel_loop3A_301 : i32 to index
        %parallel_loop3A_328 = tpu.vector_load %arg12[%parallel_loop3A_326, %parallel_loop3A_327] {strides = array<i32>} : memref<8x1024xf32, #tpu.memory_space<vmem>>, vector<1x16xf32>,
        %parallel_loop3A_329 = vector.shape_cast %parallel_loop3A_328 : vector<1x16xf32> to vector<16xf32>
        %parallel_loop3A_330 = vector.shape_cast %parallel_loop3A_324 : vector<16xf32> to vector<1x16xf32>
        tpu.vector_store %arg12[%parallel_loop3A_326, %parallel_loop3A_327], %parallel_loop3A_330 {strides = array<i32>} : memref<8x1024xf32, #tpu.memory_space<vmem>>, vector<1x16xf32>,
        %parallel_loop3A_331 = arith.constant 5 : i32
        %parallel_loop3A_332 = arith.index_cast %parallel_loop3A_331 : i32 to index
        %parallel_loop3A_333 = arith.index_cast %parallel_loop3A_301 : i32 to index
        %parallel_loop3A_334 = tpu.vector_load %arg13[%parallel_loop3A_332, %parallel_loop3A_333] {strides = array<i32>} : memref<8x1024xf32, #tpu.memory_space<vmem>>, vector<1x16xf32>,
        %parallel_loop3A_335 = vector.shape_cast %parallel_loop3A_334 : vector<1x16xf32> to vector<16xf32>
        %parallel_loop3A_336 = arith.addf %parallel_loop3A_335, %parallel_loop3A_306 : vector<16xf32>
        %parallel_loop3A_337 = arith.constant 5 : i32
        %parallel_loop3A_338 = arith.index_cast %parallel_loop3A_337 : i32 to index
        %parallel_loop3A_339 = arith.index_cast %parallel_loop3A_301 : i32 to index
        %parallel_loop3A_340 = tpu.vector_load %arg13[%parallel_loop3A_338, %parallel_loop3A_339] {strides = array<i32>} : memref<8x1024xf32, #tpu.memory_space<vmem>>, vector<1x16xf32>,
        %parallel_loop3A_341 = vector.shape_cast %parallel_loop3A_340 : vector<1x16xf32> to vector<16xf32>
        %parallel_loop3A_342 = vector.shape_cast %parallel_loop3A_336 : vector<16xf32> to vector<1x16xf32>
        tpu.vector_store %arg13[%parallel_loop3A_338, %parallel_loop3A_339], %parallel_loop3A_342 {strides = array<i32>} : memref<8x1024xf32, #tpu.memory_space<vmem>>, vector<1x16xf32>,
        %parallel_loop3A_343 = arith.constant 5 : i32
        %parallel_loop3A_344 = arith.index_cast %parallel_loop3A_343 : i32 to index
        %parallel_loop3A_345 = arith.index_cast %parallel_loop3A_301 : i32 to index
        %parallel_loop3A_346 = tpu.vector_load %arg14[%parallel_loop3A_344, %parallel_loop3A_345] {strides = array<i32>} : memref<8x1024xf32, #tpu.memory_space<vmem>>, vector<1x16xf32>,
        %parallel_loop3A_347 = vector.shape_cast %parallel_loop3A_346 : vector<1x16xf32> to vector<16xf32>
        %parallel_loop3A_348 = arith.addf %parallel_loop3A_347, %parallel_loop3A_306 : vector<16xf32>
        %parallel_loop3A_349 = arith.constant 5 : i32
        %parallel_loop3A_350 = arith.index_cast %parallel_loop3A_349 : i32 to index
        %parallel_loop3A_351 = arith.index_cast %parallel_loop3A_301 : i32 to index
        %parallel_loop3A_352 = tpu.vector_load %arg14[%parallel_loop3A_350, %parallel_loop3A_351] {strides = array<i32>} : memref<8x1024xf32, #tpu.memory_space<vmem>>, vector<1x16xf32>,
        %parallel_loop3A_353 = vector.shape_cast %parallel_loop3A_352 : vector<1x16xf32> to vector<16xf32>
        %parallel_loop3A_354 = vector.shape_cast %parallel_loop3A_348 : vector<16xf32> to vector<1x16xf32>
        tpu.vector_store %arg14[%parallel_loop3A_350, %parallel_loop3A_351], %parallel_loop3A_354 {strides = array<i32>} : memref<8x1024xf32, #tpu.memory_space<vmem>>, vector<1x16xf32>,
      } {sc.loop_unroll_factor = 4 : i64, sc.parallel_access}
      %parallel_loop3A_254 = arith.constant 0 : i32
      %parallel_loop3A_255 = arith.constant 1024 : i32
      %parallel_loop3A_256 = arith.constant 16 : i32
      scf.for %parallel_loop3A_300 = %parallel_loop3A_254 to %parallel_loop3A_255 step %parallel_loop3A_256  : i32 {
        %parallel_loop3A_301 = tpu.assume_multiple %parallel_loop3A_300, 8 : i32
        %parallel_loop3A_302 = arith.constant 6 : i32
        %parallel_loop3A_303 = arith.index_cast %parallel_loop3A_302 : i32 to index
        %parallel_loop3A_304 = arith.index_cast %parallel_loop3A_301 : i32 to index
        %parallel_loop3A_305 = tpu.vector_load %arg6[%parallel_loop3A_303, %parallel_loop3A_304] {strides = array<i32>} : memref<8x1024xf32, #tpu.memory_space<vmem>>, vector<1x16xf32>,
        %parallel_loop3A_306 = vector.shape_cast %parallel_loop3A_305 : vector<1x16xf32> to vector<16xf32>
        %parallel_loop3A_307 = arith.constant 6 : i32
        %parallel_loop3A_308 = arith.index_cast %parallel_loop3A_307 : i32 to index
        %parallel_loop3A_309 = arith.index_cast %parallel_loop3A_301 : i32 to index
        %parallel_loop3A_310 = tpu.vector_load %arg11[%parallel_loop3A_308, %parallel_loop3A_309] {strides = array<i32>} : memref<8x1024xf32, #tpu.memory_space<vmem>>, vector<1x16xf32>,
        %parallel_loop3A_311 = vector.shape_cast %parallel_loop3A_310 : vector<1x16xf32> to vector<16xf32>
        %parallel_loop3A_312 = arith.addf %parallel_loop3A_311, %parallel_loop3A_306 : vector<16xf32>
        %parallel_loop3A_313 = arith.constant 6 : i32
        %parallel_loop3A_314 = arith.index_cast %parallel_loop3A_313 : i32 to index
        %parallel_loop3A_315 = arith.index_cast %parallel_loop3A_301 : i32 to index
        %parallel_loop3A_316 = tpu.vector_load %arg11[%parallel_loop3A_314, %parallel_loop3A_315] {strides = array<i32>} : memref<8x1024xf32, #tpu.memory_space<vmem>>, vector<1x16xf32>,
        %parallel_loop3A_317 = vector.shape_cast %parallel_loop3A_316 : vector<1x16xf32> to vector<16xf32>
        %parallel_loop3A_318 = vector.shape_cast %parallel_loop3A_312 : vector<16xf32> to vector<1x16xf32>
        tpu.vector_store %arg11[%parallel_loop3A_314, %parallel_loop3A_315], %parallel_loop3A_318 {strides = array<i32>} : memref<8x1024xf32, #tpu.memory_space<vmem>>, vector<1x16xf32>,
        %parallel_loop3A_319 = arith.constant 6 : i32
        %parallel_loop3A_320 = arith.index_cast %parallel_loop3A_319 : i32 to index
        %parallel_loop3A_321 = arith.index_cast %parallel_loop3A_301 : i32 to index
        %parallel_loop3A_322 = tpu.vector_load %arg12[%parallel_loop3A_320, %parallel_loop3A_321] {strides = array<i32>} : memref<8x1024xf32, #tpu.memory_space<vmem>>, vector<1x16xf32>,
        %parallel_loop3A_323 = vector.shape_cast %parallel_loop3A_322 : vector<1x16xf32> to vector<16xf32>
        %parallel_loop3A_324 = arith.addf %parallel_loop3A_323, %parallel_loop3A_306 : vector<16xf32>
        %parallel_loop3A_325 = arith.constant 6 : i32
        %parallel_loop3A_326 = arith.index_cast %parallel_loop3A_325 : i32 to index
        %parallel_loop3A_327 = arith.index_cast %parallel_loop3A_301 : i32 to index
        %parallel_loop3A_328 = tpu.vector_load %arg12[%parallel_loop3A_326, %parallel_loop3A_327] {strides = array<i32>} : memref<8x1024xf32, #tpu.memory_space<vmem>>, vector<1x16xf32>,
        %parallel_loop3A_329 = vector.shape_cast %parallel_loop3A_328 : vector<1x16xf32> to vector<16xf32>
        %parallel_loop3A_330 = vector.shape_cast %parallel_loop3A_324 : vector<16xf32> to vector<1x16xf32>
        tpu.vector_store %arg12[%parallel_loop3A_326, %parallel_loop3A_327], %parallel_loop3A_330 {strides = array<i32>} : memref<8x1024xf32, #tpu.memory_space<vmem>>, vector<1x16xf32>,
        %parallel_loop3A_331 = arith.constant 6 : i32
        %parallel_loop3A_332 = arith.index_cast %parallel_loop3A_331 : i32 to index
        %parallel_loop3A_333 = arith.index_cast %parallel_loop3A_301 : i32 to index
        %parallel_loop3A_334 = tpu.vector_load %arg13[%parallel_loop3A_332, %parallel_loop3A_333] {strides = array<i32>} : memref<8x1024xf32, #tpu.memory_space<vmem>>, vector<1x16xf32>,
        %parallel_loop3A_335 = vector.shape_cast %parallel_loop3A_334 : vector<1x16xf32> to vector<16xf32>
        %parallel_loop3A_336 = arith.addf %parallel_loop3A_335, %parallel_loop3A_306 : vector<16xf32>
        %parallel_loop3A_337 = arith.constant 6 : i32
        %parallel_loop3A_338 = arith.index_cast %parallel_loop3A_337 : i32 to index
        %parallel_loop3A_339 = arith.index_cast %parallel_loop3A_301 : i32 to index
        %parallel_loop3A_340 = tpu.vector_load %arg13[%parallel_loop3A_338, %parallel_loop3A_339] {strides = array<i32>} : memref<8x1024xf32, #tpu.memory_space<vmem>>, vector<1x16xf32>,
        %parallel_loop3A_341 = vector.shape_cast %parallel_loop3A_340 : vector<1x16xf32> to vector<16xf32>
        %parallel_loop3A_342 = vector.shape_cast %parallel_loop3A_336 : vector<16xf32> to vector<1x16xf32>
        tpu.vector_store %arg13[%parallel_loop3A_338, %parallel_loop3A_339], %parallel_loop3A_342 {strides = array<i32>} : memref<8x1024xf32, #tpu.memory_space<vmem>>, vector<1x16xf32>,
        %parallel_loop3A_343 = arith.constant 6 : i32
        %parallel_loop3A_344 = arith.index_cast %parallel_loop3A_343 : i32 to index
        %parallel_loop3A_345 = arith.index_cast %parallel_loop3A_301 : i32 to index
        %parallel_loop3A_346 = tpu.vector_load %arg14[%parallel_loop3A_344, %parallel_loop3A_345] {strides = array<i32>} : memref<8x1024xf32, #tpu.memory_space<vmem>>, vector<1x16xf32>,
        %parallel_loop3A_347 = vector.shape_cast %parallel_loop3A_346 : vector<1x16xf32> to vector<16xf32>
        %parallel_loop3A_348 = arith.addf %parallel_loop3A_347, %parallel_loop3A_306 : vector<16xf32>
        %parallel_loop3A_349 = arith.constant 6 : i32
        %parallel_loop3A_350 = arith.index_cast %parallel_loop3A_349 : i32 to index
        %parallel_loop3A_351 = arith.index_cast %parallel_loop3A_301 : i32 to index
        %parallel_loop3A_352 = tpu.vector_load %arg14[%parallel_loop3A_350, %parallel_loop3A_351] {strides = array<i32>} : memref<8x1024xf32, #tpu.memory_space<vmem>>, vector<1x16xf32>,
        %parallel_loop3A_353 = vector.shape_cast %parallel_loop3A_352 : vector<1x16xf32> to vector<16xf32>
        %parallel_loop3A_354 = vector.shape_cast %parallel_loop3A_348 : vector<16xf32> to vector<1x16xf32>
        tpu.vector_store %arg14[%parallel_loop3A_350, %parallel_loop3A_351], %parallel_loop3A_354 {strides = array<i32>} : memref<8x1024xf32, #tpu.memory_space<vmem>>, vector<1x16xf32>,
      } {sc.loop_unroll_factor = 4 : i64, sc.parallel_access}
      %parallel_loop3A_257 = arith.constant 0 : i32
      %parallel_loop3A_258 = arith.constant 1024 : i32
      %parallel_loop3A_259 = arith.constant 16 : i32
      scf.for %parallel_loop3A_300 = %parallel_loop3A_257 to %parallel_loop3A_258 step %parallel_loop3A_259  : i32 {
        %parallel_loop3A_301 = tpu.assume_multiple %parallel_loop3A_300, 8 : i32
        %parallel_loop3A_302 = arith.constant 7 : i32
        %parallel_loop3A_303 = arith.index_cast %parallel_loop3A_302 : i32 to index
        %parallel_loop3A_304 = arith.index_cast %parallel_loop3A_301 : i32 to index
        %parallel_loop3A_305 = tpu.vector_load %arg6[%parallel_loop3A_303, %parallel_loop3A_304] {strides = array<i32>} : memref<8x1024xf32, #tpu.memory_space<vmem>>, vector<1x16xf32>,
        %parallel_loop3A_306 = vector.shape_cast %parallel_loop3A_305 : vector<1x16xf32> to vector<16xf32>
        %parallel_loop3A_307 = arith.constant 7 : i32
        %parallel_loop3A_308 = arith.index_cast %parallel_loop3A_307 : i32 to index
        %parallel_loop3A_309 = arith.index_cast %parallel_loop3A_301 : i32 to index
        %parallel_loop3A_310 = tpu.vector_load %arg11[%parallel_loop3A_308, %parallel_loop3A_309] {strides = array<i32>} : memref<8x1024xf32, #tpu.memory_space<vmem>>, vector<1x16xf32>,
        %parallel_loop3A_311 = vector.shape_cast %parallel_loop3A_310 : vector<1x16xf32> to vector<16xf32>
        %parallel_loop3A_312 = arith.addf %parallel_loop3A_311, %parallel_loop3A_306 : vector<16xf32>
        %parallel_loop3A_313 = arith.constant 7 : i32
        %parallel_loop3A_314 = arith.index_cast %parallel_loop3A_313 : i32 to index
        %parallel_loop3A_315 = arith.index_cast %parallel_loop3A_301 : i32 to index
        %parallel_loop3A_316 = tpu.vector_load %arg11[%parallel_loop3A_314, %parallel_loop3A_315] {strides = array<i32>} : memref<8x1024xf32, #tpu.memory_space<vmem>>, vector<1x16xf32>,
        %parallel_loop3A_317 = vector.shape_cast %parallel_loop3A_316 : vector<1x16xf32> to vector<16xf32>
        %parallel_loop3A_318 = vector.shape_cast %parallel_loop3A_312 : vector<16xf32> to vector<1x16xf32>
        tpu.vector_store %arg11[%parallel_loop3A_314, %parallel_loop3A_315], %parallel_loop3A_318 {strides = array<i32>} : memref<8x1024xf32, #tpu.memory_space<vmem>>, vector<1x16xf32>,
        %parallel_loop3A_319 = arith.constant 7 : i32
        %parallel_loop3A_320 = arith.index_cast %parallel_loop3A_319 : i32 to index
        %parallel_loop3A_321 = arith.index_cast %parallel_loop3A_301 : i32 to index
        %parallel_loop3A_322 = tpu.vector_load %arg12[%parallel_loop3A_320, %parallel_loop3A_321] {strides = array<i32>} : memref<8x1024xf32, #tpu.memory_space<vmem>>, vector<1x16xf32>,
        %parallel_loop3A_323 = vector.shape_cast %parallel_loop3A_322 : vector<1x16xf32> to vector<16xf32>
        %parallel_loop3A_324 = arith.addf %parallel_loop3A_323, %parallel_loop3A_306 : vector<16xf32>
        %parallel_loop3A_325 = arith.constant 7 : i32
        %parallel_loop3A_326 = arith.index_cast %parallel_loop3A_325 : i32 to index
        %parallel_loop3A_327 = arith.index_cast %parallel_loop3A_301 : i32 to index
        %parallel_loop3A_328 = tpu.vector_load %arg12[%parallel_loop3A_326, %parallel_loop3A_327] {strides = array<i32>} : memref<8x1024xf32, #tpu.memory_space<vmem>>, vector<1x16xf32>,
        %parallel_loop3A_329 = vector.shape_cast %parallel_loop3A_328 : vector<1x16xf32> to vector<16xf32>
        %parallel_loop3A_330 = vector.shape_cast %parallel_loop3A_324 : vector<16xf32> to vector<1x16xf32>
        tpu.vector_store %arg12[%parallel_loop3A_326, %parallel_loop3A_327], %parallel_loop3A_330 {strides = array<i32>} : memref<8x1024xf32, #tpu.memory_space<vmem>>, vector<1x16xf32>,
        %parallel_loop3A_331 = arith.constant 7 : i32
        %parallel_loop3A_332 = arith.index_cast %parallel_loop3A_331 : i32 to index
        %parallel_loop3A_333 = arith.index_cast %parallel_loop3A_301 : i32 to index
        %parallel_loop3A_334 = tpu.vector_load %arg13[%parallel_loop3A_332, %parallel_loop3A_333] {strides = array<i32>} : memref<8x1024xf32, #tpu.memory_space<vmem>>, vector<1x16xf32>,
        %parallel_loop3A_335 = vector.shape_cast %parallel_loop3A_334 : vector<1x16xf32> to vector<16xf32>
        %parallel_loop3A_336 = arith.addf %parallel_loop3A_335, %parallel_loop3A_306 : vector<16xf32>
        %parallel_loop3A_337 = arith.constant 7 : i32
        %parallel_loop3A_338 = arith.index_cast %parallel_loop3A_337 : i32 to index
        %parallel_loop3A_339 = arith.index_cast %parallel_loop3A_301 : i32 to index
        %parallel_loop3A_340 = tpu.vector_load %arg13[%parallel_loop3A_338, %parallel_loop3A_339] {strides = array<i32>} : memref<8x1024xf32, #tpu.memory_space<vmem>>, vector<1x16xf32>,
        %parallel_loop3A_341 = vector.shape_cast %parallel_loop3A_340 : vector<1x16xf32> to vector<16xf32>
        %parallel_loop3A_342 = vector.shape_cast %parallel_loop3A_336 : vector<16xf32> to vector<1x16xf32>
        tpu.vector_store %arg13[%parallel_loop3A_338, %parallel_loop3A_339], %parallel_loop3A_342 {strides = array<i32>} : memref<8x1024xf32, #tpu.memory_space<vmem>>, vector<1x16xf32>,
        %parallel_loop3A_343 = arith.constant 7 : i32
        %parallel_loop3A_344 = arith.index_cast %parallel_loop3A_343 : i32 to index
        %parallel_loop3A_345 = arith.index_cast %parallel_loop3A_301 : i32 to index
        %parallel_loop3A_346 = tpu.vector_load %arg14[%parallel_loop3A_344, %parallel_loop3A_345] {strides = array<i32>} : memref<8x1024xf32, #tpu.memory_space<vmem>>, vector<1x16xf32>,
        %parallel_loop3A_347 = vector.shape_cast %parallel_loop3A_346 : vector<1x16xf32> to vector<16xf32>
        %parallel_loop3A_348 = arith.addf %parallel_loop3A_347, %parallel_loop3A_306 : vector<16xf32>
        %parallel_loop3A_349 = arith.constant 7 : i32
        %parallel_loop3A_350 = arith.index_cast %parallel_loop3A_349 : i32 to index
        %parallel_loop3A_351 = arith.index_cast %parallel_loop3A_301 : i32 to index
        %parallel_loop3A_352 = tpu.vector_load %arg14[%parallel_loop3A_350, %parallel_loop3A_351] {strides = array<i32>} : memref<8x1024xf32, #tpu.memory_space<vmem>>, vector<1x16xf32>,
        %parallel_loop3A_353 = vector.shape_cast %parallel_loop3A_352 : vector<1x16xf32> to vector<16xf32>
        %parallel_loop3A_354 = vector.shape_cast %parallel_loop3A_348 : vector<16xf32> to vector<1x16xf32>
        tpu.vector_store %arg14[%parallel_loop3A_350, %parallel_loop3A_351], %parallel_loop3A_354 {strides = array<i32>} : memref<8x1024xf32, #tpu.memory_space<vmem>>, vector<1x16xf32>,
      } {sc.loop_unroll_factor = 4 : i64, sc.parallel_access}
      %add3A_260 = arith.constant 0 : i32
      %add3A_261 = arith.addi %add3A_260, %mul3A_2 : i32
      %mul3A_262 = arith.constant 8 : i32
      %mul3A_263 = arith.muli %add3A_186, %mul3A_262 : i32
      %add3A_264 = arith.addi %add3A_261, %mul3A_263 : i32
      %multiple_of3A_265 = tpu.assume_multiple %add3A_264, 8 : i32
      %dma_start3A_266 = arith.constant 0 : i32
      %dma_start3A_267 = tpu.memref_slice %arg4[%multiple_of3A_265, %dma_start3A_266] : memref<32768x1024xf32, #tpu.memory_space<hbm>> -> memref<8x1024xf32, #tpu.memory_space<hbm>>
      %dma_start3A_268 = arith.constant 0 : i32
      %dma_start3A_269 = tpu.memref_slice %arg4[%multiple_of3A_265, %dma_start3A_268] : memref<32768x1024xf32, #tpu.memory_space<hbm>> -> memref<8x1024xf32, #tpu.memory_space<hbm>>
      tpu.enqueue_dma source(%arg11 : memref<8x1024xf32, #tpu.memory_space<vmem>>) target(%dma_start3A_269 : memref<8x1024xf32, #tpu.memory_space<hbm>>) target_semaphore(%arg19 : memref<!tpu.dma_semaphore, #tpu.memory_space<semaphore_mem>>)
      %add3A_270 = arith.constant 8192 : i32
      %add3A_271 = arith.addi %add3A_270, %mul3A_2 : i32
      %mul3A_272 = arith.constant 8 : i32
      %mul3A_273 = arith.muli %add3A_186, %mul3A_272 : i32
      %add3A_274 = arith.addi %add3A_271, %mul3A_273 : i32
      %multiple_of3A_275 = tpu.assume_multiple %add3A_274, 8 : i32
      %dma_start3A_276 = arith.constant 0 : i32
      %dma_start3A_277 = tpu.memref_slice %arg4[%multiple_of3A_275, %dma_start3A_276] : memref<32768x1024xf32, #tpu.memory_space<hbm>> -> memref<8x1024xf32, #tpu.memory_space<hbm>>
      %dma_start3A_278 = arith.constant 0 : i32
      %dma_start3A_279 = tpu.memref_slice %arg4[%multiple_of3A_275, %dma_start3A_278] : memref<32768x1024xf32, #tpu.memory_space<hbm>> -> memref<8x1024xf32, #tpu.memory_space<hbm>>
      tpu.enqueue_dma source(%arg12 : memref<8x1024xf32, #tpu.memory_space<vmem>>) target(%dma_start3A_279 : memref<8x1024xf32, #tpu.memory_space<hbm>>) target_semaphore(%arg19 : memref<!tpu.dma_semaphore, #tpu.memory_space<semaphore_mem>>)
      %add3A_280 = arith.constant 16384 : i32
      %add3A_281 = arith.addi %add3A_280, %mul3A_2 : i32
      %mul3A_282 = arith.constant 8 : i32
      %mul3A_283 = arith.muli %add3A_186, %mul3A_282 : i32
      %add3A_284 = arith.addi %add3A_281, %mul3A_283 : i32
      %multiple_of3A_285 = tpu.assume_multiple %add3A_284, 8 : i32
      %dma_start3A_286 = arith.constant 0 : i32
      %dma_start3A_287 = tpu.memref_slice %arg4[%multiple_of3A_285, %dma_start3A_286] : memref<32768x1024xf32, #tpu.memory_space<hbm>> -> memref<8x1024xf32, #tpu.memory_space<hbm>>
      %dma_start3A_288 = arith.constant 0 : i32
      %dma_start3A_289 = tpu.memref_slice %arg4[%multiple_of3A_285, %dma_start3A_288] : memref<32768x1024xf32, #tpu.memory_space<hbm>> -> memref<8x1024xf32, #tpu.memory_space<hbm>>
      tpu.enqueue_dma source(%arg13 : memref<8x1024xf32, #tpu.memory_space<vmem>>) target(%dma_start3A_289 : memref<8x1024xf32, #tpu.memory_space<hbm>>) target_semaphore(%arg19 : memref<!tpu.dma_semaphore, #tpu.memory_space<semaphore_mem>>)
      %add3A_290 = arith.constant 24576 : i32
      %add3A_291 = arith.addi %add3A_290, %mul3A_2 : i32
      %mul3A_292 = arith.constant 8 : i32
      %mul3A_293 = arith.muli %add3A_186, %mul3A_292 : i32
      %add3A_294 = arith.addi %add3A_291, %mul3A_293 : i32
      %multiple_of3A_295 = tpu.assume_multiple %add3A_294, 8 : i32
      %dma_start3A_296 = arith.constant 0 : i32
      %dma_start3A_297 = tpu.memref_slice %arg4[%multiple_of3A_295, %dma_start3A_296] : memref<32768x1024xf32, #tpu.memory_space<hbm>> -> memref<8x1024xf32, #tpu.memory_space<hbm>>
      %dma_start3A_298 = arith.constant 0 : i32
      %dma_start3A_299 = tpu.memref_slice %arg4[%multiple_of3A_295, %dma_start3A_298] : memref<32768x1024xf32, #tpu.memory_space<hbm>> -> memref<8x1024xf32, #tpu.memory_space<hbm>>
      tpu.enqueue_dma source(%arg14 : memref<8x1024xf32, #tpu.memory_space<vmem>>) target(%dma_start3A_299 : memref<8x1024xf32, #tpu.memory_space<hbm>>) target_semaphore(%arg19 : memref<!tpu.dma_semaphore, #tpu.memory_space<semaphore_mem>>)
    }
    %scan3A_48 = arith.constant 16 : i32
    %dma_wait3A = arith.constant 0 : i32
    %dma_wait3A_49 = arith.constant 0 : i32
    %dma_wait3A_50 = tpu.memref_slice %arg2[%dma_wait3A, %dma_wait3A_49] : memref<32768x1024xf32, #tpu.memory_space<hbm>> -> memref<8x1024xf32, #tpu.memory_space<hbm>>
    %dma_wait3A_51 = arith.constant 0 : i32
    %dma_wait3A_52 = arith.constant 0 : i32
    %dma_wait3A_53 = tpu.memref_slice %arg2[%dma_wait3A_51, %dma_wait3A_52] : memref<32768x1024xf32, #tpu.memory_space<hbm>> -> memref<8x1024xf32, #tpu.memory_space<hbm>>
    tpu.wait_dma2 semaphore(%arg19 : memref<!tpu.dma_semaphore, #tpu.memory_space<semaphore_mem>>) src(%dma_wait3A_53 : memref<8x1024xf32, #tpu.memory_space<hbm>>) dst(%arg7 : memref<8x1024xf32, #tpu.memory_space<vmem>>)
    %dma_wait3A_54 = arith.constant 0 : i32
    %dma_wait3A_55 = arith.constant 0 : i32
    %dma_wait3A_56 = tpu.memref_slice %arg2[%dma_wait3A_54, %dma_wait3A_55] : memref<32768x1024xf32, #tpu.memory_space<hbm>> -> memref<8x1024xf32, #tpu.memory_space<hbm>>
    %dma_wait3A_57 = arith.constant 0 : i32
    %dma_wait3A_58 = arith.constant 0 : i32
    %dma_wait3A_59 = tpu.memref_slice %arg2[%dma_wait3A_57, %dma_wait3A_58] : memref<32768x1024xf32, #tpu.memory_space<hbm>> -> memref<8x1024xf32, #tpu.memory_space<hbm>>
    tpu.wait_dma2 semaphore(%arg19 : memref<!tpu.dma_semaphore, #tpu.memory_space<semaphore_mem>>) src(%dma_wait3A_59 : memref<8x1024xf32, #tpu.memory_space<hbm>>) dst(%arg8 : memref<8x1024xf32, #tpu.memory_space<vmem>>)
    %dma_wait3A_60 = arith.constant 0 : i32
    %dma_wait3A_61 = arith.constant 0 : i32
    %dma_wait3A_62 = tpu.memref_slice %arg2[%dma_wait3A_60, %dma_wait3A_61] : memref<32768x1024xf32, #tpu.memory_space<hbm>> -> memref<8x1024xf32, #tpu.memory_space<hbm>>
    %dma_wait3A_63 = arith.constant 0 : i32
    %dma_wait3A_64 = arith.constant 0 : i32
    %dma_wait3A_65 = tpu.memref_slice %arg2[%dma_wait3A_63, %dma_wait3A_64] : memref<32768x1024xf32, #tpu.memory_space<hbm>> -> memref<8x1024xf32, #tpu.memory_space<hbm>>
    tpu.wait_dma2 semaphore(%arg19 : memref<!tpu.dma_semaphore, #tpu.memory_space<semaphore_mem>>) src(%dma_wait3A_65 : memref<8x1024xf32, #tpu.memory_space<hbm>>) dst(%arg9 : memref<8x1024xf32, #tpu.memory_space<vmem>>)
    %dma_wait3A_66 = arith.constant 0 : i32
    %dma_wait3A_67 = arith.constant 0 : i32
    %dma_wait3A_68 = tpu.memref_slice %arg2[%dma_wait3A_66, %dma_wait3A_67] : memref<32768x1024xf32, #tpu.memory_space<hbm>> -> memref<8x1024xf32, #tpu.memory_space<hbm>>
    %dma_wait3A_69 = arith.constant 0 : i32
    %dma_wait3A_70 = arith.constant 0 : i32
    %dma_wait3A_71 = tpu.memref_slice %arg2[%dma_wait3A_69, %dma_wait3A_70] : memref<32768x1024xf32, #tpu.memory_space<hbm>> -> memref<8x1024xf32, #tpu.memory_space<hbm>>
    tpu.wait_dma2 semaphore(%arg19 : memref<!tpu.dma_semaphore, #tpu.memory_space<semaphore_mem>>) src(%dma_wait3A_71 : memref<8x1024xf32, #tpu.memory_space<hbm>>) dst(%arg10 : memref<8x1024xf32, #tpu.memory_space<vmem>>)
    return
  }
}

</mosaic_0001>

<sc_bundles>
// kernel: kernel.3.cloned.1.call-start
scs
__scs_entry_jumppad:
0x0: {  	(pc) =	sbr.rel $0x88, $3  }
0x1: {  	(tag) =	ssettag $0x0;
	lr =	simm.s32 $0x1  }
0x2: {  	[smem:$0x3F9F] =	sst lr;
	_ =	strace $0xD0000000  }
0x3: {  	_ = 	snop  }
0x4: {  	_ = 	snop  }
0x5: {  	_ = 	snop  }
0x6: {  	_ = 	snop  }
0x7: {  	_ = 	snop  }
__scs_overlays_trampoline_lowered:
0x8: {  	[smem:$0x3FAE] =	sst s0  }
0x9: {  	[smem:$0x3FAF] =	sst s1  }
0xa: {  	[smem:$0x3FB0] =	sst s2  }
0xb: {  	[smem:$0x3FB1] =	sst s3  }
0xc: {  	[smem:$0x3FB2] =	sst s4  }
0xd: {  	[smem:$0x3FB3] =	sst s5  }
0xe: {  	[smem:$0x3FB4] =	sst s6  }
0xf: {  	[smem:$0x3FB5] =	sst s7  }
0x10: {  	[smem:$0x3FB6] =	sst s8  }
0x11: {  	[smem:$0x3FB7] =	sst s9;
	s0 =	simm.s32 @!p0 $0x0  }
0x12: {  	s1 =	sld [smem:$0x3F9D];
	s0 =	simm.s32 @p0 $0x1  }
0x13: {  	[smem:$0x3FB8] =	sst s0;
	s0 =	simm.s32 @!p1 $0x0  }
0x14: {  	s2 =	sld [smem:$0x3F9C];
	s0 =	simm.s32 @p1 $0x1  }
0x15: {  	[smem:$0x3FB9] =	sst s0;
	s0 =	simm.s32 @!p2 $0x0  }
0x16: {  	s3 =	sld [smem:$0x3FDB];
	s0 =	simm.s32 @p2 $0x1  }
0x17: {  	s4 =	simm.s32 $0x1BF5;
	[smem:$0x3FBB] =	sst s0  }
0x18: {  	s0 =	sld [smem:$0x3F9E];
	_ =	swait.ge [sflag:s4], $0x0  }
0x19: {  	s7 =	sld [smem:$0x3F9F]  }
0x1a: {  	s8 =	sadd.s32 $0xFFFFE003, lr  }
0x1b: {  	s9 =	sadd.s32 $0xFFFFFEF7, lr;
	s5 =	simm.s32 $0xFFFFFFFF;
	p2 =	slt.u32 s8, $0xFFFFF086  }
0x1c: {  	p1 =	slt.u32 s9, $0xF7A;
	s5 =	simm.s32 @!p2 $0x0  }
0x1d: {  	s5 =	simm.s32 @p1 $0x1;
	p0 =	seq.s32 s7, s2  }
0x1e: {  	s7 =	smul.u32 @!p0 $0xF7A, s2;
	p2 =	seq.s32 @!p0 s5, $0x0  }
0x1f: {  	s9 =	smul.u32 $0xF7A, s1;
	s8 =	simm.s32 @!p0 $0x1BF5;
	p2 =	por !p2, p0  }
0x20: {  	[sflag:s8] =	ssyncset.s32 @!p0 $0xFFFFF086;
	s6 =	sadd.s32 @!p0 s3, s7;
	s7 =	simm.s32 @!p0 $0x108  }
0x21: {  	s3 =	sadd.s32 s3, s9;
	s6 =	sadd.s32 @!p0 $0x88, s6;
	s7 =	simm.s32 @p2 $0x1082  }
0x22: {  	[simem:s7], [sflag:s8] =	dma.local @!p0 [hbm:s6], $0xF7A  }
0x23: {  	s9 =	sor.u32 $0xD0000000, s2;
	s6 =	simm.s32 $0x108;
	_ =	swait.ge @!p0 [sflag:s8], $0x0  }
0x24: {  	s3 =	sadd.s32 $0x88, s3;
	s6 =	simm.s32 @!p1 $0x1082;
	[sflag:s4] =	ssyncset.s32 $0xFFFFF086  }
0x25: {  	[simem:s6], [sflag:s4] =	dma.local [hbm:s3], $0xF7A  }
0x26: {  	[smem:$0x3F9F] =	sst s1;
	(tag) =	ssettag s2;
	_ =	strace s9  }
0x27: {  	s1 =	sld [smem:$0x3FAF]  }
0x28: {  	s2 =	sld [smem:$0x3FB0]  }
0x29: {  	s4 =	sld [smem:$0x3FB2]  }
0x2a: {  	p0 =	seq.s32 s5, $0x0;
	s5 =	sld [smem:$0x3FB3]  }
0x2b: {  	s6 =	sld [smem:$0x3FB4]  }
0x2c: {  	s7 =	sld [smem:$0x3FB5]  }
0x2d: {  	s3 =	simm.s32 $0x108;
	s8 =	sld [smem:$0x3FB6]  }
0x2e: {  	s3 =	simm.s32 @!p0 $0x1082;
	s9 =	sld [smem:$0x3FB7]  }
0x2f: {  	lr =	sadd.s32 s0, s3;
	s0 =	sld [smem:$0x3FAE]  }
0x30: {  	s3 =	sld [smem:$0x3FB1]  }
0x31: {  	[smem:$0x3FBA] =	sst s10  }
0x32: {  	s10 =	sld [smem:$0x3FB8];
	_ =	sdelay $0x3  }
0x33: {  	p0 =	seq.s32 s10, $0x1;
	s10 =	sld [smem:$0x3FBA];
	_ =	sdelay $0x3  }
0x34: {  	[smem:$0x3FBA] =	sst s10  }
0x35: {  	s10 =	sld [smem:$0x3FB9];
	_ =	sdelay $0x3  }
0x36: {  	p1 =	seq.s32 s10, $0x1;
	s10 =	sld [smem:$0x3FBA];
	_ =	sdelay $0x3  }
0x37: {  	[smem:$0x3FBA] =	sst s10  }
0x38: {  	s10 =	sld [smem:$0x3FBB]  }
0x39: {  	_ = 	snop;
	(pc) =	sbr.ind lr, $3  }
0x3a: {  	_ = 	snop  }
0x3b: {  	_ = 	snop  }
0x3c: {  	p2 =	seq.s32 s10, $0x1;
	s10 =	sld [smem:$0x3FBA]  }
0x3d: {  	_ =	shalt  }
0x3e: {  	_ =	shalt  }
0x3f: {  	_ =	shalt  }
0x40: {  	_ =	shalt  }
0x41: {  	_ =	shalt  }
0x42: {  	_ =	shalt  }
0x43: {  	_ =	shalt  }
0x44: {  	_ =	shalt  }
0x45: {  	_ =	shalt  }
0x46: {  	_ =	shalt  }
0x47: {  	_ =	shalt  }
0x48: {  	_ =	shalt  }
0x49: {  	_ =	shalt  }
0x4a: {  	_ =	shalt  }
0x4b: {  	_ =	shalt  }
0x4c: {  	_ =	shalt  }
0x4d: {  	_ =	shalt  }
0x4e: {  	_ =	shalt  }
0x4f: {  	_ =	shalt  }
0x50: {  	_ =	shalt  }
0x51: {  	_ =	shalt  }
0x52: {  	_ =	shalt  }
0x53: {  	_ =	shalt  }
0x54: {  	_ =	shalt  }
0x55: {  	_ =	shalt  }
0x56: {  	_ =	shalt  }
0x57: {  	_ =	shalt  }
0x58: {  	_ =	shalt  }
0x59: {  	_ =	shalt  }
0x5a: {  	_ =	shalt  }
0x5b: {  	_ =	shalt  }
0x5c: {  	_ =	shalt  }
0x5d: {  	_ =	shalt  }
0x5e: {  	_ =	shalt  }
0x5f: {  	_ =	shalt  }
0x60: {  	_ =	shalt  }
0x61: {  	_ =	shalt  }
0x62: {  	_ =	shalt  }
0x63: {  	_ =	shalt  }
0x64: {  	_ =	shalt  }
0x65: {  	_ =	shalt  }
0x66: {  	_ =	shalt  }
0x67: {  	_ =	shalt  }
0x68: {  	_ =	shalt  }
0x69: {  	_ =	shalt  }
0x6a: {  	_ =	shalt  }
0x6b: {  	_ =	shalt  }
0x6c: {  	_ =	shalt  }
0x6d: {  	_ =	shalt  }
0x6e: {  	_ =	shalt  }
0x6f: {  	_ =	shalt  }
0x70: {  	_ =	shalt  }
0x71: {  	_ =	shalt  }
0x72: {  	_ =	shalt  }
0x73: {  	_ =	shalt  }
0x74: {  	_ =	shalt  }
0x75: {  	_ =	shalt  }
0x76: {  	_ =	shalt  }
0x77: {  	_ =	shalt  }
0x78: {  	_ =	shalt  }
0x79: {  	_ =	shalt  }
0x7a: {  	_ =	shalt  }
0x7b: {  	_ =	shalt  }
0x7c: {  	_ =	shalt  }
0x7d: {  	_ =	shalt  }
0x7e: {  	_ =	shalt  }
0x7f: {  	_ =	shalt  }
0x80: {  	_ =	shalt  }
0x81: {  	_ =	shalt  }
0x82: {  	_ =	shalt  }
0x83: {  	_ =	shalt  }
0x84: {  	_ =	shalt  }
0x85: {  	_ =	shalt  }
0x86: {  	_ =	shalt  }
0x87: {  	_ =	shalt  }
.Lfunc_end0:
.L_simem_size_0:
called_computation_lowered:
.L_overlay_start_0:
0x88: {  	s2 =	sld [smem:$0x3FD9]  }
0x89: {  	s3 =	sld [smem:$0x3FFE];
	_ =	sdelay $0x1  }
0x8a: {  	s1 =	srdreg.scid  }
0x8b: {  	s0 =	sand.u32 $0x1, s1  }
0x8c: {  	s18 =	sshll.u32 s0, $0xA;
	s2 =	sadd.s32 s3, s2  }
0x8d: {  	s2 =	sadd.s32 s2, s18  }
0x8e: {  	[smem:$0x3FC6] =	sst s2  }
0x8f: {  	_ = 	snop  }
0x90: {  	s2 =	sld [smem:$0x3FC9]  }
0x91: {  	s19 =	sld [smem:$0x3FC8]  }
0x92: {  	s4 =	sld [smem:$0x3FD0];
	(tm) =	ssettm $0x1  }
0x93: {  	s5 =	sld [smem:$0x3FFB];
	_ =	sdelay $0x3  }
0x94: {  	_ =	strace s5  }
0x95: {  	s5 =	sld [smem:$0x3FFC];
	_ =	sdelay $0x3  }
0x96: {  	_ =	strace s5  }
0x97: {  	s5 =	sld [smem:$0x3FFD];
	_ =	sdelay $0x3  }
0x98: {  	_ =	strace s5  }
0x99: {  	_ =	strace $0x8FFFFFFF  }
0x9a: {  	s20 =	sld [smem:$0x3FDB];
	_ =	sdelay $0x1  }
0x9b: {  	s6 =	simm.s32 $_scs_section_size  }
0x9c: {  	s7 =	simm.s32 $_size__tile_overlayer_lowered;
	s8 =	simm.s32 $_tile_overlayer_lowered  }
0x9d: {  	s23 =	simm.s32 $0x1BFF;
	s22 =	sshll.u32 s8, $0x1;
	s5 =	sadd.s32 s6, s20  }
0x9e: {  	s9 =	simm.s32 $0x0;
	s21 =	sshll.u32 s7, $0x1;
	s7 =	sadd.s32 s22, s5  }
0x9f: {  	[timem:s9], [sflag:s23] =	dma.local [hbm:s7], s21  }
0xa0: {  	_ =	swait.ge [sflag:s23], s21  }
0xa1: {  	s6 =	ssub.s32 $0x0, s21;
	[sflag:s23] =	ssyncset.done $0x0  }
0xa2: {  	[sflag:s23] =	ssyncadd.s32 s6;
	_ =	sdelay $0x1  }
0xa3: {  	s24 =	simm.s32 $0x1B8B  }
0xa4: {  	_ =	swait.ge [sflag:s24], $0x1  }
0xa5: {  	[sflag:s24] =	ssyncset.done $0x0  }
0xa6: {  	s25 =	simm.s32 $0x1B8E;
	[sflag:s24] =	ssyncadd.s32 $0xFFFFFFFF  }
0xa7: {  	s26 =	simm.s32 $execute0_lowered;
	[smem:$0x3FD2] =	sst s25  }
0xa8: {  	s6 =	sshll.u32 s26, $0x1;
	_ =	strace $0x80000046;
	[dreg:$0x1] =	wrdreg $0xFFFFFFFF  }
0xa9: {  	s28 =	simm.s32 $_size_execute0_lowered;
	s5 =	sadd.s32 s5, s6;
	[dreg:$0x0] =	wrdreg $0x0  }
0xaa: {  	s6 =	sshll.u32 s28, $0x1;
	[dreg:$0x2] =	wrdreg s5  }
0xab: {  	[dreg:$0x3] =	wrdreg s6  }
0xac: {  	[dreg:$0x4] =	wrdreg $0xC0  }
0xad: {  	_ =	task [dreg:s9], $0x5FFFF  }
0xae: {  	[dreg:$0x1] =	wrdreg $0xFFFFFFFF  }
0xaf: {  	[dreg:$0x0] =	wrdreg $0x60  }
0xb0: {  	[dreg:$0x2] =	wrdreg s2  }
0xb1: {  	[dreg:$0x3] =	wrdreg s19  }
0xb2: {  	[dreg:$0x4] =	wrdreg s4  }
0xb3: {  	[dreg:$0x5] =	wrdreg $0x9  }
0xb4: {  	_ =	task.clear_ibuf [dreg:s9], $0x6FFFF;
	_ =	strace $0x90000046  }
0xb5: {  	s29 =	simm.s32 $0x9;
	_ =	strace $0x80000048  }
0xb6: {  	_ =	swait.ge [sflag:s29], $0x1  }
0xb7: {  	[sflag:s29] =	ssyncadd.s32 $0xFFFFFFFF  }
0xb8: {  	_ =	strace $0x90000048  }
0xb9: {  	_ =	sfence  }
0xba: {  	s30 =	sld [smem:$0x0];
	_ =	sdelay $0x2  }
0xbb: {  	s31 =	sshll.u32 s1, $0xD;
	s1 =	sshrl.u32 s1, $0x2  }
0xbc: {  	s3 =	sand.u32 $0x4000, s31;
	s1 =	sadd.s32 s1, s30  }
0xbd: {  	s0 =	sor.u32 s3, s0;
	s1 =	sshll.u32 s1, $0x11  }
0xbe: {  	s0 =	sor.u32 s1, s0  }
0xbf: {  	s0 =	sadd.s32 $0x8F2B, s0  }
0xc0: {  	[sflag:s0] =	ssyncadd.remote.s32 $0x1  }
0xc1: {  	_ =	sfence.sel $0xFFFF  }
0xc2: {  	[dreg:$0x0] =	wrdreg $0xFFFFFFFF;
	(pc) =	sbr.abs _section_cstart, $3  }
0xc3: {  	[dreg:$0x1] =	wrdreg $0xFFFFFFFF  }
0xc4: {  	_ =	task.clear_ibuf [dreg:s9], $0x2FFFF;
	_ =	strace $0x9FFFFFFF  }
0xc5: {  	(tm) =	ssettm $0x7FFFFFFF  }
tec
execute0_lowered:
.L_overlay_start_1:
0x0: {  	(tag) =	ssettag $0x1  }
0x1: {  	s2 =	rddreg [dreg:$0x0]  }
0x2: {  	s26 =	rddreg [dreg:$0x1];
	s0 =	srdreg.scid  }
0x3: {  	s4 =	rddreg [dreg:$0x2];
	s1 =	stileid.u32;
	s5 =	simm.s32 $0x0  }
0x4: {  	s14 =	simm.s32 $0xC000;
	s17 =	simm.s32 $0xE000;
	s18 =	simm.s32 $0x10000  }
0x5: {  	s28 =	simm.s32 $0x12000;
	s29 =	simm.s32 $0x2;
	s30 =	simm.s32 $0x4  }
0x6: {  	s31 =	simm.s32 $0x5;
	s0 =	sand.u32 $0x1, s0;
	s1 =	sshll.u32 s1, $0x9  }
0x7: {  	[smem:$0x7FF] =	sst s5;
	s6 =	sshll.u32 s0, $0x8;
	s0 =	ssub.s32 $0x2, s0  }
0x8: {  	_ =	strace $0x80000047;
	s6 =	sor.u32 s6, s1;
	s19 =	sshrl.u32 s0, $0x1  }
0x9: {  	s7 =	sshll.u32 s6, $0x7;
	s0 =	ssub.s32 s0, s19;
	s9 =	sor.u32 $0x2000, s6  }
0xa: {  	s10 =	sor.u32 $0x4000, s6;
	s11 =	sor.u32 $0x6000, s6;
	s20 =	sadd.s32 s26, s7  }
0xb: {  	s15 =	sshrl.u32 s6, $0x3;
	s21 =	sadd.s32 s2, s7;
	[dreg:$0x4] =	wrdreg s20  }
0xc: {  	s22 =	sshll.u32 s9, $0x7;
	s0 =	smax.u32 s0, $0x1;
	[dreg:$0x5] =	wrdreg s21  }
0xd: {  	s23 =	sshll.u32 s10, $0x7;
	s1 =	sadd.s32 s2, s22;
	[dreg:$0x9] =	wrdreg s0  }
0xe: {  	s25 =	sshll.u32 s11, $0x7;
	s24 =	sadd.s32 s2, s23;
	[dreg:$0x6] =	wrdreg s1  }
0xf: {  	s21 =	simm.s32 $0x1;
	[dreg:$0x7] =	wrdreg s24;
	s1 =	sadd.s32 s2, s25  }
0x10: {  	s23 =	simm.s32 $0x3;
	[dreg:$0x8] =	wrdreg s1;
	s1 =	simm.s32 $0x0  }
.LBB2_1:
0x11: {  	[dreg:$0xa] =	wrdreg s1  }
0x12: {  	s0 =	rddreg [dreg:$0x4]  }
0x13: {  	[tilespmem:s5], [sflag:$0x1] =	stream.linear.gather [hbm4b:s0+s5], $0x2000, $0x38;
	[tilespmem:$0x14000] =	vst v63  }
0x14: {  	s12 =	rddreg [dreg:$0x5];
	s13 =	simm.s32 $0x4000  }
0x15: {  	[tilespmem:s13], [sflag:$0x3] =	stream.linear.gather [hbm4b:s12+s5], $0x2000, $0x38;
	[tilespmem:$0x14000] =	vst v63  }
0x16: {  	s16 =	rddreg [dreg:$0x6];
	s19 =	simm.s32 $0x6000  }
0x17: {  	[tilespmem:s19], [sflag:$0x3] =	stream.linear.gather [hbm4b:s16+s5], $0x2000, $0x38;
	[tilespmem:$0x14000] =	vst v63  }
0x18: {  	s20 =	rddreg [dreg:$0x7];
	s22 =	simm.s32 $0x8000  }
0x19: {  	[tilespmem:s22], [sflag:$0x3] =	stream.linear.gather [hbm4b:s20+s5], $0x2000, $0x38;
	[tilespmem:$0x14000] =	vst v63  }
0x1a: {  	s24 =	rddreg [dreg:$0x8];
	s25 =	simm.s32 $0xA000;
	s1 =	simm.s32 $0x0  }
0x1b: {  	[tilespmem:s25], [sflag:$0x3] =	stream.linear.gather [hbm4b:s24+s5], $0x2000, $0x38;
	[tilespmem:$0x14000] =	vst v63  }
.LBB2_2:
0x1c: {  	s0 =	sshllo.u32 s1, $0x1  }
0x1d: {  	_ =	swait.ge [sflag:s21], $0x2000;
	s7 =	sadd.s32 s15, s0  }
0x1e: {  	[sflag:s21] =	ssyncset.done $0x0;
	s7 =	sshll.u32 s7, $0xA  }
0x1f: {  	s3 =	simm.s32 $0x2000;
	[sflag:s21] =	ssyncadd.s32 $0xFFFFE000;
	s7 =	sadd.s32 s26, s7  }
0x20: {  	[tilespmem:s3], [sflag:$0x2] =	stream.linear.gather [hbm4b:s7+s5], $0x2000, $0x38;
	[tilespmem:$0x14000] =	vst v63  }
0x21: {  	_ =	swait.ge [sflag:s23], $0x2000  }
0x22: {  	[sflag:s23] =	ssyncset.done $0x0  }
0x23: {  	[sflag:s23] =	ssyncadd.s32 $0xFFFFE000  }
0x24: {  	_ =	swait.ge [sflag:s23], $0x2000  }
0x25: {  	[sflag:s23] =	ssyncset.done $0x0  }
0x26: {  	[sflag:s23] =	ssyncadd.s32 $0xFFFFE000  }
0x27: {  	_ =	swait.ge [sflag:s23], $0x2000  }
0x28: {  	[sflag:s23] =	ssyncset.done $0x0  }
0x29: {  	[sflag:s23] =	ssyncadd.s32 $0xFFFFE000  }
0x2a: {  	_ =	swait.ge [sflag:s23], $0x2000  }
0x2b: {  	p0 =	seq.s32 s1, $0x0;
	[sflag:s23] =	ssyncset.done $0x0  }
0x2c: {  	s8 =	simm.s32 @!p0 $0x5;
	[sflag:s23] =	ssyncadd.s32 $0xFFFFE000  }
0x2d: {  	_ =	swait.ge @!p0 [sflag:s8], $0x2000  }
0x2e: {  	[sflag:s8] =	ssyncset.done @!p0 $0x0  }
0x2f: {  	[sflag:s8] =	ssyncadd.s32 @!p0 $0xFFFFE000  }
0x30: {  	_ =	swait.ge @!p0 [sflag:s8], $0x2000  }
0x31: {  	[sflag:s8] =	ssyncset.done @!p0 $0x0  }
0x32: {  	[sflag:s8] =	ssyncadd.s32 @!p0 $0xFFFFE000  }
0x33: {  	_ =	swait.ge @!p0 [sflag:s8], $0x2000  }
0x34: {  	[sflag:s8] =	ssyncset.done @!p0 $0x0  }
0x35: {  	s0 =	sshll.u32 s0, $0x3;
	[sflag:s8] =	ssyncadd.s32 @!p0 $0xFFFFE000  }
0x36: {  	s16 =	simm.s32 $0x0;
	s19 =	sor.u32 s6, s0;
	_ =	swait.ge @!p0 [sflag:s8], $0x2000  }
0x37: {  	s22 =	sor.u32 s9, s0;
	s7 =	sshll.u32 s19, $0x7;
	[sflag:s8] =	ssyncset.done @!p0 $0x0  }
0x38: {  	s20 =	sadd.s32 s2, s7;
	[sflag:s8] =	ssyncadd.s32 @!p0 $0xFFFFE000;
	s8 =	sshll.u32 s22, $0x7  }
0x39: {  	[tilespmem:s14], [sflag:$0x4] =	stream.linear.gather [hbm4b:s20+s16], $0x2000, $0x38;
	[tilespmem:$0x14000] =	vst v63  }
0x3a: {  	s24 =	sor.u32 s10, s0;
	s12 =	sadd.s32 s2, s8  }
0x3b: {  	[tilespmem:s17], [sflag:$0x4] =	stream.linear.gather [hbm4b:s12+s16], $0x2000, $0x38;
	[tilespmem:$0x14000] =	vst v63  }
0x3c: {  	s12 =	sshll.u32 s24, $0x7  }
0x3d: {  	s0 =	sor.u32 s11, s0;
	s13 =	sadd.s32 s2, s12  }
0x3e: {  	[tilespmem:s18], [sflag:$0x4] =	stream.linear.gather [hbm4b:s13+s16], $0x2000, $0x38;
	[tilespmem:$0x14000] =	vst v63  }
0x3f: {  	s13 =	sshll.u32 s0, $0x7  }
0x40: {  	s17 =	simm.s32 $0x0;
	s0 =	sadd.s32 s2, s13  }
0x41: {  	[tilespmem:s28], [sflag:$0x4] =	stream.linear.gather [hbm4b:s0+s16], $0x2000, $0x38;
	[tilespmem:$0x14000] =	vst v63  }
0x42: {  	s25 =	sand.u32 $0x40, s17;
	s0 =	sand.u32 $0x1C00, s16  }
0x43: {  	s22 =	sor.u32 s25, s0  }
0x44: {  	v0 =	vld [tilespmem:s22+$0x30]  }
0x45: {  	v1 =	vld [tilespmem:s22+$0xA030]  }
0x46: {  	v2 =	vld [tilespmem:s22+$0x0]  }
0x47: {  	v3 =	vld [tilespmem:s22+$0x4000]  }
0x48: {  	v4 =	vld [tilespmem:s22+$0x6000]  }
0x49: {  	v8 =	vld [tilespmem:s22+$0x10]  }
0x4a: {  	v9 =	vld [tilespmem:s22+$0x6010]  }
0x4b: {  	v5 =	vld [tilespmem:s22+$0x8000];
	_ =	sdelay $0x1  }
0x4c: {  	v6 =	vld [tilespmem:s22+$0xA000];
	v1 =	vadd.f32 v1, v0  }
0x4d: {  	v7 =	vld [tilespmem:s22+$0x4010];
	v3 =	vadd.f32 v3, v2  }
0x4e: {  	v10 =	vld [tilespmem:s22+$0x8010];
	v9 =	vadd.f32 v9, v8;
	[tilespmem:s22+$0xA030] =	vst v1  }
0x4f: {  	v1 =	vadd.f32 v4, v2;
	[tilespmem:s22+$0x4000] =	vst v3;
	v3 =	vadd.f32 v5, v2;
	v5 =	vld [tilespmem:s22+$0xA010]  }
0x50: {  	v4 =	vld [tilespmem:s22+$0x4020];
	[tilespmem:s22+$0x6010] =	vst v9  }
0x51: {  	v2 =	vadd.f32 v6, v2;
	[tilespmem:s22+$0x6000] =	vst v1;
	v1 =	vld [tilespmem:s22+$0x20]  }
0x52: {  	v6 =	vadd.f32 v7, v8;
	[tilespmem:s22+$0x8000] =	vst v3;
	v3 =	vld [tilespmem:s22+$0x6020]  }
0x53: {  	v7 =	vadd.f32 v10, v8;
	[tilespmem:s22+$0xA000] =	vst v2;
	v2 =	vld [tilespmem:s22+$0x8020]  }
0x54: {  	s14 =	sshll.u32 s1, $0x1;
	s18 =	simm.s32 $0x0;
	[tilespmem:s22+$0x4010] =	vst v6;
	v6 =	vadd.f32 v5, v8;
	v5 =	vld [tilespmem:s22+$0xA020]  }
.LBB2_3:
0x55: {  	s17 =	sadd.s32 $0x40, s17;
	[tilespmem:s22+$0x8010] =	vst v7;
	v7 =	vld [tilespmem:s22+$0x4030];
	s18 =	sadd.s32 $0x200, s18  }
0x56: {  	s19 =	sand.u32 $0x40, s17;
	s20 =	sand.u32 $0x1C00, s18;
	p0 =	slt.u32 s17, $0x3C0;
	[tilespmem:s22+$0xA010] =	vst v6;
	v4 =	vadd.f32 v4, v1;
	v6 =	vld [tilespmem:s22+$0x6030]  }
0x57: {  	s19 =	sor.u32 s19, s20;
	v3 =	vadd.f32 v3, v1;
	v8 =	vld [tilespmem:s22+$0x8030]  }
0x58: {  	v9 =	vld [tilespmem:s19+$0x30];
	[tilespmem:s22+$0x4020] =	vst v4;
	v2 =	vadd.f32 v2, v1  }
0x59: {  	v4 =	vld [tilespmem:s19+$0xA030];
	[tilespmem:s22+$0x6020] =	vst v3;
	v1 =	vadd.f32 v5, v1  }
0x5a: {  	v3 =	vld [tilespmem:s19+$0x0];
	[tilespmem:s22+$0x8020] =	vst v2;
	v2 =	vadd.f32 v7, v0  }
0x5b: {  	v5 =	vld [tilespmem:s19+$0x4000];
	[tilespmem:s22+$0xA020] =	vst v1;
	v1 =	vadd.f32 v6, v0  }
0x5c: {  	v6 =	vld [tilespmem:s19+$0x6000];
	[tilespmem:s22+$0x4030] =	vst v2;
	v2 =	vadd.f32 v8, v0  }
0x5d: {  	v7 =	vld [tilespmem:s19+$0x8000];
	[tilespmem:s22+$0x6030] =	vst v1;
	v0 =	vmov v9  }
0x5e: {  	v1 =	vld [tilespmem:s19+$0xA000];
	v4 =	vadd.f32 v4, v0;
	[tilespmem:s22+$0x8030] =	vst v2;
	s22 =	smov.u32 s19  }
0x5f: {  	v8 =	vld [tilespmem:s22+$0x10]  }
0x60: {  	v2 =	vadd.f32 v5, v3;
	v5 =	vld [tilespmem:s22+$0x4010];
	[tilespmem:s22+$0xA030] =	vst v4  }
0x61: {  	v4 =	vadd.f32 v6, v3;
	v6 =	vld [tilespmem:s22+$0x6010]  }
0x62: {  	[tilespmem:s22+$0x4000] =	vst v2;
	v2 =	vadd.f32 v7, v3;
	v7 =	vld [tilespmem:s22+$0x8010]  }
0x63: {  	[tilespmem:s22+$0x6000] =	vst v4;
	v3 =	vadd.f32 v1, v3;
	v9 =	vld [tilespmem:s22+$0xA010]  }
.Ltmp0:
0x64: {  	[tilespmem:s22+$0x8000] =	vst v2;
	v1 =	vld [tilespmem:s22+$0x20];
	(pc) =	sbr.rel @p0 .LBB2_3-.Ltmp0, $4  }
0x65: {  	[tilespmem:s22+$0xA000] =	vst v3;
	v2 =	vadd.f32 v5, v8;
	v4 =	vld [tilespmem:s22+$0x4020]  }
0x66: {  	v5 =	vadd.f32 v6, v8;
	v3 =	vld [tilespmem:s22+$0x6020]  }
0x67: {  	[tilespmem:s22+$0x4010] =	vst v2;
	v7 =	vadd.f32 v7, v8;
	v2 =	vld [tilespmem:s22+$0x8020]  }
0x68: {  	[tilespmem:s22+$0x6010] =	vst v5;
	v6 =	vadd.f32 v9, v8;
	v5 =	vld [tilespmem:s22+$0xA020]  }
0x69: {  	v8 =	vld [tilespmem:s22+$0x4030]  }
0x6a: {  	[tilespmem:s22+$0x8010] =	vst v7;
	v7 =	vld [tilespmem:s22+$0x6030];
	v4 =	vadd.f32 v4, v1  }
0x6b: {  	[tilespmem:s22+$0xA010] =	vst v6;
	v6 =	vld [tilespmem:s22+$0x8030];
	v3 =	vadd.f32 v3, v1  }
0x6c: {  	[tilespmem:s22+$0x4020] =	vst v4;
	v2 =	vadd.f32 v2, v1  }
0x6d: {  	[tilespmem:s22+$0x6020] =	vst v3;
	v1 =	vadd.f32 v5, v1  }
0x6e: {  	[tilespmem:s22+$0x8020] =	vst v2;
	v2 =	vadd.f32 v8, v0  }
0x6f: {  	[tilespmem:s22+$0xA020] =	vst v1;
	v1 =	vadd.f32 v7, v0  }
0x70: {  	s17 =	simm.s32 $0x0;
	v0 =	vadd.f32 v6, v0;
	[tilespmem:s22+$0x4030] =	vst v2  }
0x71: {  	s18 =	sand.u32 $0x40, s17;
	[tilespmem:s22+$0x6030] =	vst v1  }
0x72: {  	[tilespmem:s22+$0x8030] =	vst v0;
	s22 =	sor.u32 s18, s0  }
0x73: {  	v0 =	vld [tilespmem:s22+$0xB0]  }
0x74: {  	v1 =	vld [tilespmem:s22+$0xA0B0]  }
0x75: {  	v2 =	vld [tilespmem:s22+$0x80]  }
0x76: {  	v3 =	vld [tilespmem:s22+$0x4080]  }
0x77: {  	v4 =	vld [tilespmem:s22+$0x6080]  }
0x78: {  	v8 =	vld [tilespmem:s22+$0x90]  }
0x79: {  	v9 =	vld [tilespmem:s22+$0x6090];
	_ =	sdelay $0x1  }
0x7a: {  	v5 =	vld [tilespmem:s22+$0x8080]  }
0x7b: {  	v6 =	vld [tilespmem:s22+$0xA080];
	v1 =	vadd.f32 v1, v0  }
0x7c: {  	v7 =	vld [tilespmem:s22+$0x4090];
	v3 =	vadd.f32 v3, v2  }
0x7d: {  	v9 =	vadd.f32 v9, v8;
	[tilespmem:s22+$0xA0B0] =	vst v1;
	v1 =	vadd.f32 v4, v2;
	v4 =	vld [tilespmem:s22+$0x8090]  }
0x7e: {  	v10 =	vld [tilespmem:s22+$0xA090];
	[tilespmem:s22+$0x4080] =	vst v3  }
0x7f: {  	v3 =	vadd.f32 v5, v2;
	v5 =	vld [tilespmem:s22+$0x40A0];
	[tilespmem:s22+$0x6090] =	vst v9  }
0x80: {  	v2 =	vadd.f32 v6, v2;
	[tilespmem:s22+$0x6080] =	vst v1;
	v1 =	vld [tilespmem:s22+$0xA0]  }
0x81: {  	v6 =	vadd.f32 v7, v8;
	[tilespmem:s22+$0x8080] =	vst v3;
	v3 =	vld [tilespmem:s22+$0x60A0]  }
0x82: {  	[tilespmem:s22+$0xA080] =	vst v2;
	v2 =	vld [tilespmem:s22+$0x80A0];
	v7 =	vadd.f32 v4, v8  }
0x83: {  	[tilespmem:s22+$0x4090] =	vst v6;
	v6 =	vadd.f32 v10, v8;
	v4 =	vld [tilespmem:s22+$0xA0A0]  }
.LBB2_5:
0x84: {  	s17 =	sadd.s32 $0x40, s17;
	[tilespmem:s22+$0x8090] =	vst v7;
	v7 =	vld [tilespmem:s22+$0x40B0];
	s16 =	sadd.s32 $0x200, s16  }
0x85: {  	s0 =	sand.u32 $0x40, s17;
	s18 =	sand.u32 $0x1C00, s16;
	p0 =	slt.u32 s17, $0x3C0;
	[tilespmem:s22+$0xA090] =	vst v6;
	v5 =	vadd.f32 v5, v1;
	v6 =	vld [tilespmem:s22+$0x60B0]  }
0x86: {  	s0 =	sor.u32 s0, s18;
	v3 =	vadd.f32 v3, v1;
	v8 =	vld [tilespmem:s22+$0x80B0]  }
0x87: {  	v9 =	vld [tilespmem:s0+$0xB0];
	[tilespmem:s22+$0x40A0] =	vst v5;
	v2 =	vadd.f32 v2, v1  }
0x88: {  	v5 =	vld [tilespmem:s0+$0xA0B0];
	[tilespmem:s22+$0x60A0] =	vst v3;
	v1 =	vadd.f32 v4, v1  }
0x89: {  	v3 =	vld [tilespmem:s0+$0x80];
	[tilespmem:s22+$0x80A0] =	vst v2;
	v2 =	vadd.f32 v7, v0  }
0x8a: {  	v4 =	vld [tilespmem:s0+$0x4080];
	[tilespmem:s22+$0xA0A0] =	vst v1;
	v1 =	vadd.f32 v6, v0  }
0x8b: {  	v6 =	vld [tilespmem:s0+$0x6080];
	[tilespmem:s22+$0x40B0] =	vst v2;
	v2 =	vadd.f32 v8, v0  }
0x8c: {  	v7 =	vld [tilespmem:s0+$0x8080];
	[tilespmem:s22+$0x60B0] =	vst v1;
	v0 =	vmov v9  }
0x8d: {  	v1 =	vld [tilespmem:s0+$0xA080];
	v5 =	vadd.f32 v5, v0;
	[tilespmem:s22+$0x80B0] =	vst v2;
	s22 =	smov.u32 s0  }
0x8e: {  	v8 =	vld [tilespmem:s22+$0x90]  }
0x8f: {  	s0 =	simm.s32 $0x0;
	v2 =	vadd.f32 v4, v3;
	v4 =	vld [tilespmem:s22+$0x4090];
	[tilespmem:s22+$0xA0B0] =	vst v5  }
0x90: {  	v5 =	vadd.f32 v6, v3;
	v6 =	vld [tilespmem:s22+$0x6090]  }
0x91: {  	[tilespmem:s22+$0x4080] =	vst v2;
	v2 =	vadd.f32 v7, v3;
	v7 =	vld [tilespmem:s22+$0x8090]  }
0x92: {  	[tilespmem:s22+$0x6080] =	vst v5;
	v3 =	vadd.f32 v1, v3;
	v9 =	vld [tilespmem:s22+$0xA090]  }
.Ltmp1:
0x93: {  	[tilespmem:s22+$0x8080] =	vst v2;
	v1 =	vld [tilespmem:s22+$0xA0];
	(pc) =	sbr.rel @p0 .LBB2_5-.Ltmp1, $4  }
0x94: {  	[tilespmem:s22+$0xA080] =	vst v3;
	v2 =	vadd.f32 v4, v8;
	v5 =	vld [tilespmem:s22+$0x40A0]  }
0x95: {  	v4 =	vadd.f32 v6, v8;
	v3 =	vld [tilespmem:s22+$0x60A0]  }
0x96: {  	[tilespmem:s22+$0x4090] =	vst v2;
	v7 =	vadd.f32 v7, v8;
	v2 =	vld [tilespmem:s22+$0x80A0]  }
0x97: {  	[tilespmem:s22+$0x6090] =	vst v4;
	v6 =	vadd.f32 v9, v8;
	v4 =	vld [tilespmem:s22+$0xA0A0]  }
0x98: {  	v8 =	vld [tilespmem:s22+$0x40B0]  }
0x99: {  	[tilespmem:s22+$0x8090] =	vst v7;
	v7 =	vld [tilespmem:s22+$0x60B0];
	v5 =	vadd.f32 v5, v1  }
0x9a: {  	[tilespmem:s22+$0xA090] =	vst v6;
	v6 =	vld [tilespmem:s22+$0x80B0];
	v3 =	vadd.f32 v3, v1  }
0x9b: {  	[tilespmem:s22+$0x40A0] =	vst v5;
	v2 =	vadd.f32 v2, v1  }
0x9c: {  	[tilespmem:s22+$0x60A0] =	vst v3;
	v1 =	vadd.f32 v4, v1  }
0x9d: {  	[tilespmem:s22+$0x80A0] =	vst v2;
	v2 =	vadd.f32 v8, v0  }
0x9e: {  	[tilespmem:s22+$0xA0A0] =	vst v1;
	v1 =	vadd.f32 v7, v0  }
0x9f: {  	s17 =	simm.s32 $0x0;
	v0 =	vadd.f32 v6, v0;
	[tilespmem:s22+$0x40B0] =	vst v2  }
0xa0: {  	s16 =	sand.u32 $0x1C00, s0;
	s18 =	sand.u32 $0x40, s17;
	[tilespmem:s22+$0x60B0] =	vst v1  }
0xa1: {  	[tilespmem:s22+$0x80B0] =	vst v0;
	s22 =	sor.u32 s18, s16  }
0xa2: {  	v0 =	vld [tilespmem:s22+$0x130]  }
0xa3: {  	v1 =	vld [tilespmem:s22+$0xA130]  }
0xa4: {  	v2 =	vld [tilespmem:s22+$0x100]  }
0xa5: {  	v3 =	vld [tilespmem:s22+$0x4100]  }
0xa6: {  	v4 =	vld [tilespmem:s22+$0x6100]  }
0xa7: {  	v8 =	vld [tilespmem:s22+$0x110]  }
0xa8: {  	v9 =	vld [tilespmem:s22+$0x6110];
	_ =	sdelay $0x1  }
0xa9: {  	v5 =	vld [tilespmem:s22+$0x8100]  }
0xaa: {  	v6 =	vld [tilespmem:s22+$0xA100];
	v1 =	vadd.f32 v1, v0  }
0xab: {  	v7 =	vld [tilespmem:s22+$0x4110];
	v3 =	vadd.f32 v3, v2  }
0xac: {  	v9 =	vadd.f32 v9, v8;
	[tilespmem:s22+$0xA130] =	vst v1;
	v1 =	vadd.f32 v4, v2;
	v4 =	vld [tilespmem:s22+$0x8110]  }
0xad: {  	v10 =	vld [tilespmem:s22+$0xA110];
	[tilespmem:s22+$0x4100] =	vst v3  }
0xae: {  	v3 =	vadd.f32 v5, v2;
	v5 =	vld [tilespmem:s22+$0x4120];
	[tilespmem:s22+$0x6110] =	vst v9  }
0xaf: {  	v2 =	vadd.f32 v6, v2;
	[tilespmem:s22+$0x6100] =	vst v1;
	v1 =	vld [tilespmem:s22+$0x120]  }
0xb0: {  	v6 =	vadd.f32 v7, v8;
	[tilespmem:s22+$0x8100] =	vst v3;
	v3 =	vld [tilespmem:s22+$0x6120]  }
0xb1: {  	[tilespmem:s22+$0xA100] =	vst v2;
	v2 =	vld [tilespmem:s22+$0x8120];
	v7 =	vadd.f32 v4, v8  }
0xb2: {  	s18 =	simm.s32 $0x0;
	[tilespmem:s22+$0x4110] =	vst v6;
	v6 =	vadd.f32 v10, v8;
	v4 =	vld [tilespmem:s22+$0xA120]  }
.LBB2_7:
0xb3: {  	s17 =	sadd.s32 $0x40, s17;
	[tilespmem:s22+$0x8110] =	vst v7;
	v7 =	vld [tilespmem:s22+$0x4130];
	s18 =	sadd.s32 $0x200, s18  }
0xb4: {  	s19 =	sand.u32 $0x40, s17;
	s20 =	sand.u32 $0x1C00, s18;
	p0 =	slt.u32 s17, $0x3C0;
	[tilespmem:s22+$0xA110] =	vst v6;
	v5 =	vadd.f32 v5, v1;
	v6 =	vld [tilespmem:s22+$0x6130]  }
0xb5: {  	s19 =	sor.u32 s19, s20;
	v3 =	vadd.f32 v3, v1;
	v8 =	vld [tilespmem:s22+$0x8130]  }
0xb6: {  	v9 =	vld [tilespmem:s19+$0x130];
	[tilespmem:s22+$0x4120] =	vst v5;
	v2 =	vadd.f32 v2, v1  }
0xb7: {  	v5 =	vld [tilespmem:s19+$0xA130];
	[tilespmem:s22+$0x6120] =	vst v3;
	v1 =	vadd.f32 v4, v1  }
0xb8: {  	v3 =	vld [tilespmem:s19+$0x100];
	[tilespmem:s22+$0x8120] =	vst v2;
	v2 =	vadd.f32 v7, v0  }
0xb9: {  	v4 =	vld [tilespmem:s19+$0x4100];
	[tilespmem:s22+$0xA120] =	vst v1;
	v1 =	vadd.f32 v6, v0  }
0xba: {  	v6 =	vld [tilespmem:s19+$0x6100];
	[tilespmem:s22+$0x4130] =	vst v2;
	v2 =	vadd.f32 v8, v0  }
0xbb: {  	v7 =	vld [tilespmem:s19+$0x8100];
	[tilespmem:s22+$0x6130] =	vst v1;
	v0 =	vmov v9  }
0xbc: {  	v1 =	vld [tilespmem:s19+$0xA100];
	v5 =	vadd.f32 v5, v0;
	[tilespmem:s22+$0x8130] =	vst v2;
	s22 =	smov.u32 s19  }
0xbd: {  	v8 =	vld [tilespmem:s22+$0x110]  }
0xbe: {  	v2 =	vadd.f32 v4, v3;
	v4 =	vld [tilespmem:s22+$0x4110];
	[tilespmem:s22+$0xA130] =	vst v5  }
0xbf: {  	v5 =	vadd.f32 v6, v3;
	v6 =	vld [tilespmem:s22+$0x6110]  }
0xc0: {  	[tilespmem:s22+$0x4100] =	vst v2;
	v2 =	vadd.f32 v7, v3;
	v7 =	vld [tilespmem:s22+$0x8110]  }
0xc1: {  	[tilespmem:s22+$0x6100] =	vst v5;
	v3 =	vadd.f32 v1, v3;
	v9 =	vld [tilespmem:s22+$0xA110]  }
.Ltmp2:
0xc2: {  	[tilespmem:s22+$0x8100] =	vst v2;
	v1 =	vld [tilespmem:s22+$0x120];
	(pc) =	sbr.rel @p0 .LBB2_7-.Ltmp2, $4  }
0xc3: {  	[tilespmem:s22+$0xA100] =	vst v3;
	v2 =	vadd.f32 v4, v8;
	v5 =	vld [tilespmem:s22+$0x4120]  }
0xc4: {  	v4 =	vadd.f32 v6, v8;
	v3 =	vld [tilespmem:s22+$0x6120]  }
0xc5: {  	[tilespmem:s22+$0x4110] =	vst v2;
	v7 =	vadd.f32 v7, v8;
	v2 =	vld [tilespmem:s22+$0x8120]  }
0xc6: {  	[tilespmem:s22+$0x6110] =	vst v4;
	v6 =	vadd.f32 v9, v8;
	v4 =	vld [tilespmem:s22+$0xA120]  }
0xc7: {  	v8 =	vld [tilespmem:s22+$0x4130]  }
0xc8: {  	[tilespmem:s22+$0x8110] =	vst v7;
	v7 =	vld [tilespmem:s22+$0x6130];
	v5 =	vadd.f32 v5, v1  }
0xc9: {  	[tilespmem:s22+$0xA110] =	vst v6;
	v6 =	vld [tilespmem:s22+$0x8130];
	v3 =	vadd.f32 v3, v1  }
0xca: {  	[tilespmem:s22+$0x4120] =	vst v5;
	v2 =	vadd.f32 v2, v1  }
0xcb: {  	[tilespmem:s22+$0x6120] =	vst v3;
	v1 =	vadd.f32 v4, v1  }
0xcc: {  	[tilespmem:s22+$0x8120] =	vst v2;
	v2 =	vadd.f32 v8, v0  }
0xcd: {  	[tilespmem:s22+$0xA120] =	vst v1;
	v1 =	vadd.f32 v7, v0  }
0xce: {  	s17 =	simm.s32 $0x0;
	v0 =	vadd.f32 v6, v0;
	[tilespmem:s22+$0x4130] =	vst v2  }
0xcf: {  	s18 =	sand.u32 $0x40, s17;
	[tilespmem:s22+$0x6130] =	vst v1  }
0xd0: {  	[tilespmem:s22+$0x8130] =	vst v0;
	s22 =	sor.u32 s18, s16  }
0xd1: {  	v0 =	vld [tilespmem:s22+$0x1B0]  }
0xd2: {  	v1 =	vld [tilespmem:s22+$0xA1B0]  }
0xd3: {  	v2 =	vld [tilespmem:s22+$0x180]  }
0xd4: {  	v3 =	vld [tilespmem:s22+$0x4180]  }
0xd5: {  	v4 =	vld [tilespmem:s22+$0x6180]  }
0xd6: {  	v8 =	vld [tilespmem:s22+$0x190]  }
0xd7: {  	v9 =	vld [tilespmem:s22+$0x6190]  }
0xd8: {  	v5 =	vld [tilespmem:s22+$0x8180];
	_ =	sdelay $0x1  }
0xd9: {  	v6 =	vld [tilespmem:s22+$0xA180];
	v1 =	vadd.f32 v1, v0  }
0xda: {  	v7 =	vld [tilespmem:s22+$0x4190];
	v3 =	vadd.f32 v3, v2  }
0xdb: {  	v10 =	vld [tilespmem:s22+$0x8190];
	v9 =	vadd.f32 v9, v8;
	[tilespmem:s22+$0xA1B0] =	vst v1  }
0xdc: {  	v1 =	vadd.f32 v4, v2;
	[tilespmem:s22+$0x4180] =	vst v3;
	v3 =	vadd.f32 v5, v2;
	v5 =	vld [tilespmem:s22+$0xA190]  }
0xdd: {  	v4 =	vld [tilespmem:s22+$0x41A0];
	[tilespmem:s22+$0x6190] =	vst v9  }
0xde: {  	v2 =	vadd.f32 v6, v2;
	[tilespmem:s22+$0x6180] =	vst v1;
	v1 =	vld [tilespmem:s22+$0x1A0]  }
0xdf: {  	v6 =	vadd.f32 v7, v8;
	[tilespmem:s22+$0x8180] =	vst v3;
	v3 =	vld [tilespmem:s22+$0x61A0]  }
0xe0: {  	v7 =	vadd.f32 v10, v8;
	[tilespmem:s22+$0xA180] =	vst v2;
	v2 =	vld [tilespmem:s22+$0x81A0]  }
0xe1: {  	p0 =	por $0x0, $0x0;
	[tilespmem:s22+$0x4190] =	vst v6;
	v6 =	vadd.f32 v5, v8;
	v5 =	vld [tilespmem:s22+$0xA1A0]  }
.LBB2_9:
0xe2: {  	s17 =	sadd.s32 $0x40, s17;
	[tilespmem:s22+$0x8190] =	vst v7;
	v7 =	vld [tilespmem:s22+$0x41B0];
	s0 =	sadd.s32 $0x200, s0  }
0xe3: {  	s16 =	sand.u32 $0x40, s17;
	s18 =	sand.u32 $0x1C00, s0;
	p1 =	slt.u32 s17, $0x3C0;
	[tilespmem:s22+$0xA190] =	vst v6;
	v4 =	vadd.f32 v4, v1;
	v6 =	vld [tilespmem:s22+$0x61B0]  }
0xe4: {  	s16 =	sor.u32 s16, s18;
	v3 =	vadd.f32 v3, v1;
	v8 =	vld [tilespmem:s22+$0x81B0]  }
0xe5: {  	v9 =	vld [tilespmem:s16+$0x1B0];
	[tilespmem:s22+$0x41A0] =	vst v4;
	v2 =	vadd.f32 v2, v1  }
0xe6: {  	v4 =	vld [tilespmem:s16+$0xA1B0];
	[tilespmem:s22+$0x61A0] =	vst v3;
	v1 =	vadd.f32 v5, v1  }
0xe7: {  	v3 =	vld [tilespmem:s16+$0x180];
	[tilespmem:s22+$0x81A0] =	vst v2;
	v2 =	vadd.f32 v7, v0  }
0xe8: {  	v5 =	vld [tilespmem:s16+$0x4180];
	[tilespmem:s22+$0xA1A0] =	vst v1;
	v1 =	vadd.f32 v6, v0  }
0xe9: {  	v6 =	vld [tilespmem:s16+$0x6180];
	[tilespmem:s22+$0x41B0] =	vst v2;
	v2 =	vadd.f32 v8, v0  }
0xea: {  	v7 =	vld [tilespmem:s16+$0x8180];
	[tilespmem:s22+$0x61B0] =	vst v1;
	v0 =	vmov v9  }
0xeb: {  	v1 =	vld [tilespmem:s16+$0xA180];
	v4 =	vadd.f32 v4, v0;
	[tilespmem:s22+$0x81B0] =	vst v2;
	s22 =	smov.u32 s16  }
0xec: {  	v8 =	vld [tilespmem:s22+$0x190]  }
0xed: {  	s16 =	simm.s32 $0x0;
	v2 =	vadd.f32 v5, v3;
	v5 =	vld [tilespmem:s22+$0x4190];
	[tilespmem:s22+$0xA1B0] =	vst v4  }
0xee: {  	v4 =	vadd.f32 v6, v3;
	v6 =	vld [tilespmem:s22+$0x6190]  }
0xef: {  	[tilespmem:s22+$0x4180] =	vst v2;
	v2 =	vadd.f32 v7, v3;
	v7 =	vld [tilespmem:s22+$0x8190]  }
0xf0: {  	[tilespmem:s22+$0x6180] =	vst v4;
	v3 =	vadd.f32 v1, v3;
	v9 =	vld [tilespmem:s22+$0xA190]  }
.Ltmp3:
0xf1: {  	[tilespmem:s22+$0x8180] =	vst v2;
	v1 =	vld [tilespmem:s22+$0x1A0];
	(pc) =	sbr.rel @p1 .LBB2_9-.Ltmp3, $4  }
0xf2: {  	[tilespmem:s22+$0xA180] =	vst v3;
	v2 =	vadd.f32 v5, v8;
	v4 =	vld [tilespmem:s22+$0x41A0]  }
0xf3: {  	v5 =	vadd.f32 v6, v8;
	v3 =	vld [tilespmem:s22+$0x61A0]  }
0xf4: {  	[tilespmem:s22+$0x4190] =	vst v2;
	v7 =	vadd.f32 v7, v8;
	v2 =	vld [tilespmem:s22+$0x81A0]  }
0xf5: {  	[tilespmem:s22+$0x6190] =	vst v5;
	v6 =	vadd.f32 v9, v8;
	v5 =	vld [tilespmem:s22+$0xA1A0]  }
0xf6: {  	v8 =	vld [tilespmem:s22+$0x41B0]  }
0xf7: {  	[tilespmem:s22+$0x8190] =	vst v7;
	v7 =	vld [tilespmem:s22+$0x61B0];
	v4 =	vadd.f32 v4, v1  }
0xf8: {  	[tilespmem:s22+$0xA190] =	vst v6;
	v6 =	vld [tilespmem:s22+$0x81B0];
	v3 =	vadd.f32 v3, v1  }
0xf9: {  	[tilespmem:s22+$0x41A0] =	vst v4;
	v2 =	vadd.f32 v2, v1  }
0xfa: {  	[tilespmem:s22+$0x61A0] =	vst v3;
	v1 =	vadd.f32 v5, v1  }
0xfb: {  	s0 =	simm.s32 $0x1;
	[tilespmem:s22+$0x81A0] =	vst v2;
	v2 =	vadd.f32 v8, v0  }
0xfc: {  	s0 =	simm.s32 @!p0 $0x0;
	[tilespmem:s22+$0xA1A0] =	vst v1;
	v1 =	vadd.f32 v7, v0  }
0xfd: {  	s0 =	sshll.u32 s0, $0x6;
	v0 =	vadd.f32 v6, v0;
	[tilespmem:s22+$0x41B0] =	vst v2  }
0xfe: {  	s0 =	sadd.s32 $0x0, s0;
	[tilespmem:s22+$0x61B0] =	vst v1  }
0xff: {  	[tilespmem:s22+$0x81B0] =	vst v0;
	s22 =	sor.u32 $0x230, s0  }
0x100: {  	v0 =	vld [tilespmem:s22+$0x0]  }
0x101: {  	s19 =	sor.u32 $0x200, s0;
	v1 =	vld [tilespmem:s22+$0xA000]  }
0x102: {  	v3 =	vld [tilespmem:s19+$0x0]  }
0x103: {  	v4 =	vld [tilespmem:s19+$0x4000]  }
0x104: {  	v5 =	vld [tilespmem:s19+$0x6000]  }
0x105: {  	v6 =	vld [tilespmem:s19+$0x8000]  }
0x106: {  	s18 =	sor.u32 $0x210, s0;
	v7 =	vld [tilespmem:s19+$0xA000]  }
0x107: {  	v2 =	vld [tilespmem:s18+$0x0]  }
0x108: {  	v8 =	vld [tilespmem:s18+$0x4000];
	v1 =	vadd.f32 v1, v0  }
0x109: {  	v9 =	vld [tilespmem:s18+$0x6000];
	v4 =	vadd.f32 v4, v3  }
0x10a: {  	v10 =	vld [tilespmem:s18+$0x8000];
	[tilespmem:s22+$0xA000] =	vst v1;
	v1 =	vadd.f32 v5, v3  }
0x10b: {  	s17 =	sor.u32 $0x220, s0;
	[tilespmem:s19+$0x4000] =	vst v4;
	v4 =	vadd.f32 v6, v3;
	v6 =	vld [tilespmem:s18+$0xA000]  }
0x10c: {  	v3 =	vadd.f32 v7, v3;
	v5 =	vld [tilespmem:s17+$0x4000];
	[tilespmem:s19+$0x6000] =	vst v1  }
0x10d: {  	v1 =	vld [tilespmem:s17+$0x0];
	[tilespmem:s19+$0x8000] =	vst v4;
	v4 =	vadd.f32 v8, v2  }
0x10e: {  	[tilespmem:s19+$0xA000] =	vst v3;
	v3 =	vld [tilespmem:s17+$0x6000]  }
0x10f: {  	p1 =	por !p0, !p0;
	s20 =	simm.s32 $0x0;
	v7 =	vadd.f32 v10, v2;
	s19 =	simm.s32 $0x0;
	v8 =	vadd.f32 v9, v2;
	[tilespmem:s18+$0x4000] =	vst v4;
	v4 =	vld [tilespmem:s17+$0x8000]  }
.LBB2_11:
0x110: {  	s3 =	simm.s32 $0x1  }
0x111: {  	[tilespmem:s18+$0x6000] =	vst v8;
	v2 =	vadd.f32 v6, v2;
	v6 =	vld [tilespmem:s17+$0xA000];
	s3 =	simm.s32 @!p1 $0x0  }
0x112: {  	s19 =	sadd.s32 $0x40, s19;
	s20 =	sadd.s32 $0x200, s20;
	s3 =	sshll.u32 s3, $0x6;
	[tilespmem:s18+$0x8000] =	vst v7;
	v7 =	vld [tilespmem:s22+$0x4000]  }
0x113: {  	p2 =	slt.u32 s19, $0x3C0;
	s3 =	sadd.s32 s3, s20;
	[tilespmem:s18+$0xA000] =	vst v2;
	v2 =	vadd.f32 v5, v1;
	v5 =	vld [tilespmem:s22+$0x6000]  }
0x114: {  	v3 =	vadd.f32 v3, v1;
	s24 =	sor.u32 $0x200, s3;
	s18 =	sor.u32 $0x210, s3;
	s25 =	sor.u32 $0x230, s3;
	v8 =	vld [tilespmem:s22+$0x8000]  }
0x115: {  	s3 =	sor.u32 $0x220, s3;
	v9 =	vld [tilespmem:s25+$0x0];
	[tilespmem:s17+$0x4000] =	vst v2;
	v2 =	vadd.f32 v4, v1  }
0x116: {  	v1 =	vadd.f32 v6, v1;
	v4 =	vld [tilespmem:s25+$0xA000];
	[tilespmem:s17+$0x6000] =	vst v3  }
0x117: {  	v3 =	vld [tilespmem:s24+$0x0];
	[tilespmem:s17+$0x8000] =	vst v2;
	v2 =	vadd.f32 v7, v0  }
0x118: {  	v6 =	vld [tilespmem:s24+$0x4000];
	[tilespmem:s17+$0xA000] =	vst v1;
	v1 =	vadd.f32 v5, v0;
	s17 =	smov.u32 s3  }
0x119: {  	v5 =	vld [tilespmem:s24+$0x6000];
	[tilespmem:s22+$0x4000] =	vst v2;
	v2 =	vadd.f32 v8, v0  }
0x11a: {  	v7 =	vld [tilespmem:s24+$0x8000];
	[tilespmem:s22+$0x6000] =	vst v1;
	v0 =	vmov v9  }
0x11b: {  	v1 =	vld [tilespmem:s24+$0xA000];
	v4 =	vadd.f32 v4, v0;
	[tilespmem:s22+$0x8000] =	vst v2;
	s22 =	smov.u32 s25  }
0x11c: {  	v2 =	vld [tilespmem:s18+$0x0]  }
0x11d: {  	v6 =	vadd.f32 v6, v3;
	v8 =	vld [tilespmem:s18+$0x4000];
	[tilespmem:s22+$0xA000] =	vst v4  }
0x11e: {  	v4 =	vadd.f32 v5, v3;
	v9 =	vld [tilespmem:s18+$0x6000]  }
0x11f: {  	[tilespmem:s24+$0x4000] =	vst v6;
	v5 =	vadd.f32 v7, v3;
	v7 =	vld [tilespmem:s18+$0x8000]  }
.Ltmp4:
0x120: {  	[tilespmem:s24+$0x6000] =	vst v4;
	v3 =	vadd.f32 v1, v3;
	v6 =	vld [tilespmem:s18+$0xA000];
	(pc) =	sbr.rel @p2 .LBB2_11-.Ltmp4, $4  }
0x121: {  	[tilespmem:s24+$0x8000] =	vst v5;
	v1 =	vld [tilespmem:s17+$0x0]  }
0x122: {  	[tilespmem:s24+$0xA000] =	vst v3;
	v4 =	vadd.f32 v8, v2;
	v5 =	vld [tilespmem:s17+$0x4000]  }
0x123: {  	v8 =	vadd.f32 v9, v2;
	v3 =	vld [tilespmem:s17+$0x6000]  }
0x124: {  	p1 =	por !p1, !p1;
	[tilespmem:s18+$0x4000] =	vst v4;
	v7 =	vadd.f32 v7, v2;
	v4 =	vld [tilespmem:s17+$0x8000]  }
0x125: {  	v9 =	vld [tilespmem:s17+$0xA000]  }
0x126: {  	[tilespmem:s18+$0x6000] =	vst v8;
	v2 =	vadd.f32 v6, v2;
	v6 =	vld [tilespmem:s22+$0x4000]  }
0x127: {  	[tilespmem:s18+$0x8000] =	vst v7;
	v7 =	vld [tilespmem:s22+$0x6000];
	v5 =	vadd.f32 v5, v1  }
0x128: {  	[tilespmem:s18+$0xA000] =	vst v2;
	v2 =	vadd.f32 v3, v1;
	v3 =	vld [tilespmem:s22+$0x8000]  }
0x129: {  	[tilespmem:s17+$0x4000] =	vst v5;
	v4 =	vadd.f32 v4, v1  }
0x12a: {  	[tilespmem:s17+$0x6000] =	vst v2;
	v1 =	vadd.f32 v9, v1  }
0x12b: {  	v2 =	vadd.f32 v6, v0;
	[tilespmem:s17+$0x8000] =	vst v4  }
0x12c: {  	[tilespmem:s17+$0xA000] =	vst v1;
	v1 =	vadd.f32 v7, v0  }
0x12d: {  	[tilespmem:s22+$0x4000] =	vst v2;
	v0 =	vadd.f32 v3, v0  }
0x12e: {  	[tilespmem:s22+$0x6000] =	vst v1  }
0x12f: {  	[tilespmem:s22+$0x8000] =	vst v0;
	s22 =	sor.u32 $0x2B0, s0  }
0x130: {  	v0 =	vld [tilespmem:s22+$0x0]  }
0x131: {  	s3 =	sor.u32 $0x280, s0;
	v1 =	vld [tilespmem:s22+$0xA000]  }
0x132: {  	v3 =	vld [tilespmem:s3+$0x0]  }
0x133: {  	v4 =	vld [tilespmem:s3+$0x4000]  }
0x134: {  	v5 =	vld [tilespmem:s3+$0x6000]  }
0x135: {  	v6 =	vld [tilespmem:s3+$0x8000]  }
0x136: {  	s18 =	sor.u32 $0x290, s0;
	v7 =	vld [tilespmem:s3+$0xA000]  }
0x137: {  	v2 =	vld [tilespmem:s18+$0x0]  }
0x138: {  	v8 =	vld [tilespmem:s18+$0x4000];
	v1 =	vadd.f32 v1, v0  }
0x139: {  	v9 =	vld [tilespmem:s18+$0x6000];
	v4 =	vadd.f32 v4, v3  }
0x13a: {  	v10 =	vld [tilespmem:s18+$0x8000];
	[tilespmem:s22+$0xA000] =	vst v1;
	v1 =	vadd.f32 v5, v3  }
0x13b: {  	s17 =	sor.u32 $0x2A0, s0;
	[tilespmem:s3+$0x4000] =	vst v4;
	v4 =	vadd.f32 v6, v3;
	v6 =	vld [tilespmem:s18+$0xA000]  }
0x13c: {  	v3 =	vadd.f32 v7, v3;
	v5 =	vld [tilespmem:s17+$0x4000];
	[tilespmem:s3+$0x6000] =	vst v1  }
0x13d: {  	v1 =	vld [tilespmem:s17+$0x0];
	[tilespmem:s3+$0x8000] =	vst v4;
	v4 =	vadd.f32 v8, v2  }
0x13e: {  	[tilespmem:s3+$0xA000] =	vst v3;
	v3 =	vld [tilespmem:s17+$0x6000]  }
0x13f: {  	s19 =	simm.s32 $0x0;
	p0 =	por !p0, !p0;
	v7 =	vadd.f32 v10, v2;
	v8 =	vadd.f32 v9, v2;
	[tilespmem:s18+$0x4000] =	vst v4;
	v4 =	vld [tilespmem:s17+$0x8000]  }
.LBB2_13:
0x140: {  	s0 =	simm.s32 $0x1  }
0x141: {  	[tilespmem:s18+$0x6000] =	vst v8;
	v2 =	vadd.f32 v6, v2;
	v6 =	vld [tilespmem:s17+$0xA000];
	s0 =	simm.s32 @!p0 $0x0  }
0x142: {  	s19 =	sadd.s32 $0x40, s19;
	s16 =	sadd.s32 $0x200, s16;
	s0 =	sshll.u32 s0, $0x6;
	[tilespmem:s18+$0x8000] =	vst v7;
	v7 =	vld [tilespmem:s22+$0x4000]  }
0x143: {  	p2 =	slt.u32 s19, $0x3C0;
	s0 =	sadd.s32 s0, s16;
	[tilespmem:s18+$0xA000] =	vst v2;
	v2 =	vadd.f32 v5, v1;
	v5 =	vld [tilespmem:s22+$0x6000]  }
0x144: {  	v3 =	vadd.f32 v3, v1;
	s3 =	sor.u32 $0x280, s0;
	s18 =	sor.u32 $0x290, s0;
	s20 =	sor.u32 $0x2B0, s0;
	v8 =	vld [tilespmem:s22+$0x8000]  }
0x145: {  	s0 =	sor.u32 $0x2A0, s0;
	v9 =	vld [tilespmem:s20+$0x0];
	[tilespmem:s17+$0x4000] =	vst v2;
	v2 =	vadd.f32 v4, v1  }
0x146: {  	v1 =	vadd.f32 v6, v1;
	v4 =	vld [tilespmem:s20+$0xA000];
	[tilespmem:s17+$0x6000] =	vst v3  }
0x147: {  	v3 =	vld [tilespmem:s3+$0x0];
	[tilespmem:s17+$0x8000] =	vst v2;
	v2 =	vadd.f32 v7, v0  }
0x148: {  	v6 =	vld [tilespmem:s3+$0x4000];
	[tilespmem:s17+$0xA000] =	vst v1;
	v1 =	vadd.f32 v5, v0;
	s17 =	smov.u32 s0  }
0x149: {  	v5 =	vld [tilespmem:s3+$0x6000];
	[tilespmem:s22+$0x4000] =	vst v2;
	v2 =	vadd.f32 v8, v0  }
0x14a: {  	v7 =	vld [tilespmem:s3+$0x8000];
	[tilespmem:s22+$0x6000] =	vst v1;
	v0 =	vmov v9  }
0x14b: {  	v1 =	vld [tilespmem:s3+$0xA000];
	v4 =	vadd.f32 v4, v0;
	[tilespmem:s22+$0x8000] =	vst v2;
	s22 =	smov.u32 s20  }
0x14c: {  	v2 =	vld [tilespmem:s18+$0x0]  }
0x14d: {  	p1 =	por $0x0, $0x0;
	s0 =	simm.s32 $0x0;
	v6 =	vadd.f32 v6, v3;
	v8 =	vld [tilespmem:s18+$0x4000];
	[tilespmem:s22+$0xA000] =	vst v4  }
0x14e: {  	v4 =	vadd.f32 v5, v3;
	v9 =	vld [tilespmem:s18+$0x6000]  }
0x14f: {  	[tilespmem:s3+$0x4000] =	vst v6;
	v5 =	vadd.f32 v7, v3;
	v7 =	vld [tilespmem:s18+$0x8000]  }
.Ltmp5:
0x150: {  	[tilespmem:s3+$0x6000] =	vst v4;
	v3 =	vadd.f32 v1, v3;
	v6 =	vld [tilespmem:s18+$0xA000];
	(pc) =	sbr.rel @p2 .LBB2_13-.Ltmp5, $4  }
0x151: {  	[tilespmem:s3+$0x8000] =	vst v5;
	v1 =	vld [tilespmem:s17+$0x0]  }
0x152: {  	[tilespmem:s3+$0xA000] =	vst v3;
	v4 =	vadd.f32 v8, v2;
	v5 =	vld [tilespmem:s17+$0x4000]  }
0x153: {  	v8 =	vadd.f32 v9, v2;
	v3 =	vld [tilespmem:s17+$0x6000]  }
0x154: {  	p0 =	por !p0, !p0;
	[tilespmem:s18+$0x4000] =	vst v4;
	v7 =	vadd.f32 v7, v2;
	v4 =	vld [tilespmem:s17+$0x8000]  }
0x155: {  	v9 =	vld [tilespmem:s17+$0xA000]  }
0x156: {  	[tilespmem:s18+$0x6000] =	vst v8;
	v2 =	vadd.f32 v6, v2;
	v6 =	vld [tilespmem:s22+$0x4000]  }
0x157: {  	[tilespmem:s18+$0x8000] =	vst v7;
	v7 =	vld [tilespmem:s22+$0x6000];
	v5 =	vadd.f32 v5, v1  }
0x158: {  	[tilespmem:s18+$0xA000] =	vst v2;
	v2 =	vadd.f32 v3, v1;
	v3 =	vld [tilespmem:s22+$0x8000]  }
0x159: {  	[tilespmem:s17+$0x4000] =	vst v5;
	v4 =	vadd.f32 v4, v1  }
0x15a: {  	[tilespmem:s17+$0x6000] =	vst v2;
	v1 =	vadd.f32 v9, v1  }
0x15b: {  	s3 =	simm.s32 $0x1;
	v2 =	vadd.f32 v6, v0;
	[tilespmem:s17+$0x8000] =	vst v4  }
0x15c: {  	s3 =	simm.s32 @!p1 $0x0;
	[tilespmem:s17+$0xA000] =	vst v1;
	v1 =	vadd.f32 v7, v0  }
0x15d: {  	s3 =	sshll.u32 s3, $0x6;
	[tilespmem:s22+$0x4000] =	vst v2;
	v0 =	vadd.f32 v3, v0  }
0x15e: {  	s3 =	sadd.s32 $0x0, s3;
	[tilespmem:s22+$0x6000] =	vst v1  }
0x15f: {  	s16 =	sor.u32 $0x330, s3;
	[tilespmem:s22+$0x8000] =	vst v0  }
0x160: {  	v0 =	vld [tilespmem:s16+$0x0]  }
0x161: {  	s19 =	sor.u32 $0x300, s3;
	v1 =	vld [tilespmem:s16+$0xA000]  }
0x162: {  	v3 =	vld [tilespmem:s19+$0x0]  }
0x163: {  	v4 =	vld [tilespmem:s19+$0x4000]  }
0x164: {  	v5 =	vld [tilespmem:s19+$0x6000]  }
0x165: {  	v6 =	vld [tilespmem:s19+$0x8000]  }
0x166: {  	s18 =	sor.u32 $0x310, s3;
	v7 =	vld [tilespmem:s19+$0xA000]  }
0x167: {  	v2 =	vld [tilespmem:s18+$0x0]  }
0x168: {  	v8 =	vld [tilespmem:s18+$0x4000];
	v1 =	vadd.f32 v1, v0  }
0x169: {  	v9 =	vld [tilespmem:s18+$0x6000];
	v4 =	vadd.f32 v4, v3  }
0x16a: {  	v10 =	vld [tilespmem:s18+$0x8000];
	[tilespmem:s16+$0xA000] =	vst v1;
	v1 =	vadd.f32 v5, v3  }
0x16b: {  	s17 =	sor.u32 $0x320, s3;
	[tilespmem:s19+$0x4000] =	vst v4;
	v4 =	vadd.f32 v6, v3;
	v6 =	vld [tilespmem:s18+$0xA000]  }
0x16c: {  	v3 =	vadd.f32 v7, v3;
	v5 =	vld [tilespmem:s17+$0x4000];
	[tilespmem:s19+$0x6000] =	vst v1  }
0x16d: {  	v1 =	vld [tilespmem:s17+$0x0];
	[tilespmem:s19+$0x8000] =	vst v4;
	v4 =	vadd.f32 v8, v2  }
0x16e: {  	[tilespmem:s19+$0xA000] =	vst v3;
	v3 =	vld [tilespmem:s17+$0x6000]  }
0x16f: {  	p0 =	por !p1, !p1;
	s20 =	simm.s32 $0x0;
	v7 =	vadd.f32 v10, v2;
	s19 =	simm.s32 $0x0;
	v8 =	vadd.f32 v9, v2;
	[tilespmem:s18+$0x4000] =	vst v4;
	v4 =	vld [tilespmem:s17+$0x8000]  }
.LBB2_15:
0x170: {  	s3 =	simm.s32 $0x1  }
0x171: {  	[tilespmem:s18+$0x6000] =	vst v8;
	v2 =	vadd.f32 v6, v2;
	v6 =	vld [tilespmem:s17+$0xA000];
	s3 =	simm.s32 @!p0 $0x0  }
0x172: {  	s19 =	sadd.s32 $0x40, s19;
	s20 =	sadd.s32 $0x200, s20;
	s3 =	sshll.u32 s3, $0x6;
	[tilespmem:s18+$0x8000] =	vst v7;
	v7 =	vld [tilespmem:s16+$0x4000]  }
0x173: {  	p1 =	slt.u32 s19, $0x3C0;
	s3 =	sadd.s32 s3, s20;
	[tilespmem:s18+$0xA000] =	vst v2;
	v2 =	vadd.f32 v5, v1;
	v5 =	vld [tilespmem:s16+$0x6000]  }
0x174: {  	v3 =	vadd.f32 v3, v1;
	s22 =	sor.u32 $0x300, s3;
	s18 =	sor.u32 $0x310, s3;
	s24 =	sor.u32 $0x330, s3;
	v8 =	vld [tilespmem:s16+$0x8000]  }
0x175: {  	s3 =	sor.u32 $0x320, s3;
	v9 =	vld [tilespmem:s24+$0x0];
	[tilespmem:s17+$0x4000] =	vst v2;
	v2 =	vadd.f32 v4, v1  }
0x176: {  	v1 =	vadd.f32 v6, v1;
	v4 =	vld [tilespmem:s24+$0xA000];
	[tilespmem:s17+$0x6000] =	vst v3  }
0x177: {  	v3 =	vld [tilespmem:s22+$0x0];
	[tilespmem:s17+$0x8000] =	vst v2;
	v2 =	vadd.f32 v7, v0  }
0x178: {  	v6 =	vld [tilespmem:s22+$0x4000];
	[tilespmem:s17+$0xA000] =	vst v1;
	v1 =	vadd.f32 v5, v0;
	s17 =	smov.u32 s3  }
0x179: {  	v5 =	vld [tilespmem:s22+$0x6000];
	[tilespmem:s16+$0x4000] =	vst v2;
	v2 =	vadd.f32 v8, v0  }
0x17a: {  	v7 =	vld [tilespmem:s22+$0x8000];
	[tilespmem:s16+$0x6000] =	vst v1;
	v0 =	vmov v9  }
0x17b: {  	v1 =	vld [tilespmem:s22+$0xA000];
	v4 =	vadd.f32 v4, v0;
	[tilespmem:s16+$0x8000] =	vst v2;
	s16 =	smov.u32 s24  }
0x17c: {  	v2 =	vld [tilespmem:s18+$0x0]  }
0x17d: {  	v6 =	vadd.f32 v6, v3;
	v8 =	vld [tilespmem:s18+$0x4000];
	[tilespmem:s16+$0xA000] =	vst v4  }
0x17e: {  	v4 =	vadd.f32 v5, v3;
	v9 =	vld [tilespmem:s18+$0x6000]  }
0x17f: {  	[tilespmem:s22+$0x4000] =	vst v6;
	v5 =	vadd.f32 v7, v3;
	v7 =	vld [tilespmem:s18+$0x8000]  }
.Ltmp6:
0x180: {  	[tilespmem:s22+$0x6000] =	vst v4;
	v3 =	vadd.f32 v1, v3;
	v6 =	vld [tilespmem:s18+$0xA000];
	(pc) =	sbr.rel @p1 .LBB2_15-.Ltmp6, $4  }
0x181: {  	[tilespmem:s22+$0x8000] =	vst v5;
	v1 =	vld [tilespmem:s17+$0x0]  }
0x182: {  	[tilespmem:s22+$0xA000] =	vst v3;
	v4 =	vadd.f32 v8, v2;
	v5 =	vld [tilespmem:s17+$0x4000]  }
0x183: {  	v8 =	vadd.f32 v9, v2;
	v3 =	vld [tilespmem:s17+$0x6000]  }
0x184: {  	p0 =	por !p0, !p0;
	[tilespmem:s18+$0x4000] =	vst v4;
	v7 =	vadd.f32 v7, v2;
	v4 =	vld [tilespmem:s17+$0x8000]  }
0x185: {  	v9 =	vld [tilespmem:s17+$0xA000]  }
0x186: {  	[tilespmem:s18+$0x6000] =	vst v8;
	v2 =	vadd.f32 v6, v2;
	v6 =	vld [tilespmem:s16+$0x4000]  }
0x187: {  	[tilespmem:s18+$0x8000] =	vst v7;
	v7 =	vld [tilespmem:s16+$0x6000];
	v5 =	vadd.f32 v5, v1  }
0x188: {  	[tilespmem:s18+$0xA000] =	vst v2;
	v2 =	vadd.f32 v3, v1;
	v3 =	vld [tilespmem:s16+$0x8000]  }
0x189: {  	[tilespmem:s17+$0x4000] =	vst v5;
	v4 =	vadd.f32 v4, v1  }
0x18a: {  	[tilespmem:s17+$0x6000] =	vst v2;
	v1 =	vadd.f32 v9, v1  }
0x18b: {  	v2 =	vadd.f32 v6, v0;
	[tilespmem:s17+$0x8000] =	vst v4  }
0x18c: {  	[tilespmem:s17+$0xA000] =	vst v1;
	v1 =	vadd.f32 v7, v0  }
0x18d: {  	s22 =	simm.s32 $0x0;
	[tilespmem:s16+$0x4000] =	vst v2;
	v0 =	vadd.f32 v3, v0  }
0x18e: {  	s3 =	sor.u32 s22, s0;
	[tilespmem:s16+$0x6000] =	vst v1  }
0x18f: {  	[tilespmem:s16+$0x8000] =	vst v0;
	s16 =	sor.u32 $0x3B0, s3  }
0x190: {  	v0 =	vld [tilespmem:s16+$0x0]  }
0x191: {  	s19 =	sor.u32 $0x380, s3;
	v1 =	vld [tilespmem:s16+$0xA000]  }
0x192: {  	v2 =	vld [tilespmem:s19+$0x0]  }
0x193: {  	v3 =	vld [tilespmem:s19+$0x4000]  }
0x194: {  	v4 =	vld [tilespmem:s19+$0x6000]  }
0x195: {  	v5 =	vld [tilespmem:s19+$0x8000]  }
0x196: {  	s18 =	sor.u32 $0x390, s3;
	v6 =	vld [tilespmem:s19+$0xA000]  }
0x197: {  	v8 =	vld [tilespmem:s18+$0x0]  }
0x198: {  	v63 =	vld [tilespmem:s18+$0x6000];
	v1 =	vadd.f32 v1, v0  }
0x199: {  	v7 =	vld [tilespmem:s18+$0x4000];
	v3 =	vadd.f32 v3, v2  }
0x19a: {  	v10 =	vld [tilespmem:s18+$0x8000];
	[tilespmem:s16+$0xA000] =	vst v1;
	v1 =	vadd.f32 v4, v2  }
0x19b: {  	s17 =	sor.u32 $0x3A0, s3;
	v11 =	vld [tilespmem:s18+$0xA000];
	[tilespmem:s19+$0x4000] =	vst v3;
	v3 =	vadd.f32 v5, v2  }
0x19c: {  	v2 =	vadd.f32 v6, v2;
	v5 =	vld [tilespmem:s17+$0x4000];
	[tilespmem:s19+$0x6000] =	vst v1  }
0x19d: {  	v6 =	vadd.f32 v63, v8;
	v1 =	vld [tilespmem:s17+$0x0];
	[tilespmem:s19+$0x8000] =	vst v3  }
0x19e: {  	v4 =	vld [tilespmem:s17+$0x6000];
	v3 =	vadd.f32 v7, v8;
	[tilespmem:s19+$0xA000] =	vst v2  }
0x19f: {  	v2 =	vld [tilespmem:s17+$0x8000];
	v7 =	vadd.f32 v10, v8;
	[tilespmem:s18+$0x6000] =	vst v6  }
0x1a0: {  	v6 =	vadd.f32 v11, v8;
	[tilespmem:s18+$0x4000] =	vst v3;
	v3 =	vld [tilespmem:s17+$0xA000]  }
.LBB2_17:
0x1a1: {  	s22 =	sadd.s32 $0x40, s22;
	[tilespmem:s18+$0x8000] =	vst v7;
	v7 =	vld [tilespmem:s16+$0x4000];
	s0 =	sadd.s32 $0x200, s0  }
0x1a2: {  	s3 =	sor.u32 s22, s0;
	p0 =	slt.u32 s22, $0x3C0;
	[tilespmem:s18+$0xA000] =	vst v6;
	v5 =	vadd.f32 v5, v1;
	v6 =	vld [tilespmem:s16+$0x6000]  }
0x1a3: {  	s19 =	sor.u32 $0x380, s3;
	s18 =	sor.u32 $0x390, s3;
	s20 =	sor.u32 $0x3B0, s3;
	v4 =	vadd.f32 v4, v1;
	v8 =	vld [tilespmem:s16+$0x8000]  }
0x1a4: {  	s3 =	sor.u32 $0x3A0, s3;
	v9 =	vld [tilespmem:s20+$0x0];
	[tilespmem:s17+$0x4000] =	vst v5;
	v2 =	vadd.f32 v2, v1  }
0x1a5: {  	v5 =	vld [tilespmem:s20+$0xA000];
	[tilespmem:s17+$0x6000] =	vst v4;
	v1 =	vadd.f32 v3, v1  }
0x1a6: {  	v3 =	vld [tilespmem:s19+$0x0];
	[tilespmem:s17+$0x8000] =	vst v2;
	v2 =	vadd.f32 v7, v0  }
0x1a7: {  	v4 =	vld [tilespmem:s19+$0x4000];
	[tilespmem:s17+$0xA000] =	vst v1;
	v1 =	vadd.f32 v6, v0;
	s17 =	smov.u32 s3  }
0x1a8: {  	v6 =	vld [tilespmem:s19+$0x6000];
	[tilespmem:s16+$0x4000] =	vst v2;
	v2 =	vadd.f32 v8, v0  }
0x1a9: {  	v7 =	vld [tilespmem:s19+$0x8000];
	[tilespmem:s16+$0x6000] =	vst v1;
	v0 =	vmov v9  }
0x1aa: {  	v1 =	vld [tilespmem:s19+$0xA000];
	v5 =	vadd.f32 v5, v0;
	[tilespmem:s16+$0x8000] =	vst v2;
	s16 =	smov.u32 s20  }
0x1ab: {  	v8 =	vld [tilespmem:s18+$0x0]  }
0x1ac: {  	v2 =	vadd.f32 v4, v3;
	v4 =	vld [tilespmem:s18+$0x4000];
	[tilespmem:s16+$0xA000] =	vst v5  }
0x1ad: {  	v5 =	vadd.f32 v6, v3;
	v6 =	vld [tilespmem:s18+$0x6000]  }
0x1ae: {  	[tilespmem:s19+$0x4000] =	vst v2;
	v2 =	vadd.f32 v7, v3;
	v7 =	vld [tilespmem:s18+$0x8000]  }
0x1af: {  	[tilespmem:s19+$0x6000] =	vst v5;
	v3 =	vadd.f32 v1, v3;
	v9 =	vld [tilespmem:s18+$0xA000]  }
.Ltmp7:
0x1b0: {  	[tilespmem:s19+$0x8000] =	vst v2;
	v1 =	vld [tilespmem:s17+$0x0];
	(pc) =	sbr.rel @p0 .LBB2_17-.Ltmp7, $4  }
0x1b1: {  	[tilespmem:s19+$0xA000] =	vst v3;
	v2 =	vadd.f32 v4, v8;
	v5 =	vld [tilespmem:s17+$0x4000]  }
0x1b2: {  	v3 =	vadd.f32 v6, v8;
	v4 =	vld [tilespmem:s17+$0x6000]  }
0x1b3: {  	[tilespmem:s18+$0x4000] =	vst v2;
	v7 =	vadd.f32 v7, v8;
	v2 =	vld [tilespmem:s17+$0x8000]  }
0x1b4: {  	[tilespmem:s18+$0x6000] =	vst v3;
	v6 =	vadd.f32 v9, v8;
	v3 =	vld [tilespmem:s17+$0xA000]  }
0x1b5: {  	v8 =	vld [tilespmem:s16+$0x4000]  }
0x1b6: {  	[tilespmem:s18+$0x8000] =	vst v7;
	v7 =	vld [tilespmem:s16+$0x6000];
	v5 =	vadd.f32 v5, v1  }
0x1b7: {  	[tilespmem:s18+$0xA000] =	vst v6;
	v6 =	vld [tilespmem:s16+$0x8000];
	v4 =	vadd.f32 v4, v1  }
0x1b8: {  	[tilespmem:s17+$0x4000] =	vst v5;
	v2 =	vadd.f32 v2, v1  }
0x1b9: {  	[tilespmem:s17+$0x6000] =	vst v4;
	v1 =	vadd.f32 v3, v1  }
0x1ba: {  	[tilespmem:s17+$0x8000] =	vst v2;
	v2 =	vadd.f32 v8, v0  }
0x1bb: {  	s0 =	sshll.u32 s1, $0x4;
	[tilespmem:s17+$0xA000] =	vst v1;
	v1 =	vadd.f32 v7, v0  }
0x1bc: {  	s3 =	sadd.s32 s6, s0;
	v0 =	vadd.f32 v6, v0;
	[tilespmem:s16+$0x4000] =	vst v2  }
0x1bd: {  	s3 =	sshll.u32 s3, $0x7;
	[tilespmem:s16+$0x6000] =	vst v1  }
0x1be: {  	s18 =	sadd.s32 s9, s0;
	s3 =	sadd.s32 s4, s3;
	s17 =	simm.s32 $0x4000;
	[tilespmem:s16+$0x8000] =	vst v0  }
0x1bf: {  	[hbm4b:s3+s5] =	stream.linear.scatter [tilespmem:s17], [sflag:$0x5], $0x2000, $0x38;
	[tilespmem:$0x14000] =	vst v63  }
0x1c0: {  	s3 =	sshll.u32 s18, $0x7  }
0x1c1: {  	s19 =	simm.s32 $0x6000;
	s20 =	sadd.s32 s10, s0;
	s3 =	sadd.s32 s4, s3  }
0x1c2: {  	[hbm4b:s3+s5] =	stream.linear.scatter [tilespmem:s19], [sflag:$0x5], $0x2000, $0x38;
	[tilespmem:$0x14000] =	vst v63  }
0x1c3: {  	s0 =	sadd.s32 s11, s0;
	s3 =	sshll.u32 s20, $0x7  }
0x1c4: {  	s22 =	simm.s32 $0x8000;
	s0 =	sshll.u32 s0, $0x7;
	s3 =	sadd.s32 s4, s3  }
0x1c5: {  	[hbm4b:s3+s5] =	stream.linear.scatter [tilespmem:s22], [sflag:$0x5], $0x2000, $0x38;
	[tilespmem:$0x14000] =	vst v63  }
0x1c6: {  	s24 =	simm.s32 $0xA000;
	s0 =	sadd.s32 s4, s0  }
0x1c7: {  	[hbm4b:s0+s5] =	stream.linear.scatter [tilespmem:s24], [sflag:$0x5], $0x2000, $0x38;
	[tilespmem:$0x14000] =	vst v63  }
0x1c8: {  	p0 =	seq.s32 s1, $0xF;
	s0 =	sadd.s32 $0x2, s14  }
0x1c9: {  	s3 =	sadd.s32 @!p0 s15, s0  }
0x1ca: {  	_ =	swait.ge [sflag:s29], $0x2000;
	s3 =	sshll.u32 @!p0 s3, $0xA  }
0x1cb: {  	[sflag:s29] =	ssyncset.done $0x0;
	s3 =	sand.u32 @!p0 $0x1FFFF800, s3  }
0x1cc: {  	s14 =	simm.s32 @!p0 $0x0;
	[sflag:s29] =	ssyncadd.s32 $0xFFFFE000;
	s3 =	sadd.s32 @!p0 s26, s3  }
0x1cd: {  	[tilespmem:s14], [sflag:$0x1] =	stream.linear.gather @!p0 [hbm4b:s3+s14], $0x2000, $0x38;
	[tilespmem:$0x14000] =	vst v63  }
0x1ce: {  	_ =	swait.ge [sflag:s30], $0x2000  }
0x1cf: {  	[sflag:s30] =	ssyncset.done $0x0  }
0x1d0: {  	[sflag:s30] =	ssyncadd.s32 $0xFFFFE000  }
0x1d1: {  	_ =	swait.ge [sflag:s30], $0x2000  }
0x1d2: {  	[sflag:s30] =	ssyncset.done $0x0  }
0x1d3: {  	[sflag:s30] =	ssyncadd.s32 $0xFFFFE000  }
0x1d4: {  	_ =	swait.ge [sflag:s30], $0x2000  }
0x1d5: {  	[sflag:s30] =	ssyncset.done $0x0  }
0x1d6: {  	[sflag:s30] =	ssyncadd.s32 $0xFFFFE000  }
0x1d7: {  	_ =	swait.ge [sflag:s30], $0x2000  }
0x1d8: {  	[sflag:s30] =	ssyncset.done $0x0  }
0x1d9: {  	[sflag:s30] =	ssyncadd.s32 $0xFFFFE000  }
0x1da: {  	_ =	swait.ge [sflag:s31], $0x2000  }
0x1db: {  	[sflag:s31] =	ssyncset.done $0x0  }
0x1dc: {  	[sflag:s31] =	ssyncadd.s32 $0xFFFFE000  }
0x1dd: {  	_ =	swait.ge [sflag:s31], $0x2000  }
0x1de: {  	[sflag:s31] =	ssyncset.done $0x0  }
0x1df: {  	[sflag:s31] =	ssyncadd.s32 $0xFFFFE000  }
0x1e0: {  	_ =	swait.ge [sflag:s31], $0x2000  }
0x1e1: {  	[sflag:s31] =	ssyncset.done $0x0  }
0x1e2: {  	s0 =	sshll.u32 @!p0 s0, $0x3;
	[sflag:s31] =	ssyncadd.s32 $0xFFFFE000  }
0x1e3: {  	s3 =	sadd.s32 @!p0 s6, s0;
	_ =	swait.ge [sflag:s31], $0x2000  }
0x1e4: {  	s3 =	sshll.u32 @!p0 s3, $0x7;
	[sflag:s31] =	ssyncset.done $0x0  }
0x1e5: {  	s16 =	simm.s32 @!p0 $0x4000;
	s3 =	sadd.s32 @!p0 s2, s3;
	[sflag:s31] =	ssyncadd.s32 $0xFFFFE000  }
0x1e6: {  	[tilespmem:s16], [sflag:$0x3] =	stream.linear.gather @!p0 [hbm4b:s3+s14], $0x2000, $0x38;
	[tilespmem:$0x14000] =	vst v63  }
0x1e7: {  	s3 =	sadd.s32 @!p0 s9, s0  }
0x1e8: {  	s3 =	sshll.u32 @!p0 s3, $0x7  }
0x1e9: {  	s16 =	simm.s32 @!p0 $0x6000;
	s3 =	sadd.s32 @!p0 s2, s3  }
0x1ea: {  	[tilespmem:s16], [sflag:$0x3] =	stream.linear.gather @!p0 [hbm4b:s3+s14], $0x2000, $0x38;
	[tilespmem:$0x14000] =	vst v63  }
0x1eb: {  	s3 =	sadd.s32 @!p0 s10, s0  }
0x1ec: {  	s0 =	sadd.s32 @!p0 s11, s0;
	s3 =	sshll.u32 @!p0 s3, $0x7  }
0x1ed: {  	s16 =	simm.s32 @!p0 $0x8000;
	s0 =	sshll.u32 @!p0 s0, $0x7;
	s3 =	sadd.s32 @!p0 s2, s3  }
0x1ee: {  	[tilespmem:s16], [sflag:$0x3] =	stream.linear.gather @!p0 [hbm4b:s3+s14], $0x2000, $0x38;
	[tilespmem:$0x14000] =	vst v63  }
0x1ef: {  	s0 =	sadd.s32 @!p0 s2, s0;
	s3 =	simm.s32 @!p0 $0xA000  }
0x1f0: {  	[tilespmem:s3], [sflag:$0x3] =	stream.linear.gather @!p0 [hbm4b:s0+s14], $0x2000, $0x38;
	[tilespmem:$0x14000] =	vst v63  }
0x1f1: {  	s17 =	simm.s32 $0x0;
	s14 =	simm.s32 $0x0  }
0x1f2: {  	s25 =	sand.u32 $0x40, s17;
	s0 =	sand.u32 $0x1C00, s14  }
0x1f3: {  	s16 =	sor.u32 s25, s0  }
0x1f4: {  	v0 =	vld [tilespmem:s16+$0x2030]  }
0x1f5: {  	v1 =	vld [tilespmem:s16+$0x12030]  }
0x1f6: {  	v2 =	vld [tilespmem:s16+$0x2000]  }
0x1f7: {  	v3 =	vld [tilespmem:s16+$0xC000]  }
0x1f8: {  	v4 =	vld [tilespmem:s16+$0xE000]  }
0x1f9: {  	v8 =	vld [tilespmem:s16+$0x2010]  }
0x1fa: {  	v9 =	vld [tilespmem:s16+$0xE010];
	_ =	sdelay $0x1  }
0x1fb: {  	v5 =	vld [tilespmem:s16+$0x10000]  }
0x1fc: {  	v6 =	vld [tilespmem:s16+$0x12000];
	v1 =	vadd.f32 v1, v0  }
0x1fd: {  	v7 =	vld [tilespmem:s16+$0xC010];
	v3 =	vadd.f32 v3, v2  }
0x1fe: {  	v9 =	vadd.f32 v9, v8;
	[tilespmem:s16+$0x12030] =	vst v1;
	v1 =	vadd.f32 v4, v2;
	v4 =	vld [tilespmem:s16+$0x10010]  }
0x1ff: {  	v10 =	vld [tilespmem:s16+$0x12010];
	[tilespmem:s16+$0xC000] =	vst v3  }
0x200: {  	v3 =	vadd.f32 v5, v2;
	v5 =	vld [tilespmem:s16+$0xC020];
	[tilespmem:s16+$0xE010] =	vst v9  }
0x201: {  	v2 =	vadd.f32 v6, v2;
	[tilespmem:s16+$0xE000] =	vst v1;
	v1 =	vld [tilespmem:s16+$0x2020]  }
0x202: {  	v6 =	vadd.f32 v7, v8;
	[tilespmem:s16+$0x10000] =	vst v3;
	v3 =	vld [tilespmem:s16+$0xE020]  }
0x203: {  	[tilespmem:s16+$0x12000] =	vst v2;
	v2 =	vld [tilespmem:s16+$0x10020];
	v7 =	vadd.f32 v4, v8  }
0x204: {  	s18 =	simm.s32 $0x0;
	[tilespmem:s16+$0xC010] =	vst v6;
	v6 =	vadd.f32 v10, v8;
	v4 =	vld [tilespmem:s16+$0x12020]  }
.LBB2_19:
0x205: {  	s17 =	sadd.s32 $0x40, s17;
	[tilespmem:s16+$0x10010] =	vst v7;
	v7 =	vld [tilespmem:s16+$0xC030];
	s18 =	sadd.s32 $0x200, s18  }
0x206: {  	s3 =	sand.u32 $0x40, s17;
	s19 =	sand.u32 $0x1C00, s18;
	p0 =	slt.u32 s17, $0x3C0;
	[tilespmem:s16+$0x12010] =	vst v6;
	v5 =	vadd.f32 v5, v1;
	v6 =	vld [tilespmem:s16+$0xE030]  }
0x207: {  	s3 =	sor.u32 s3, s19;
	v3 =	vadd.f32 v3, v1;
	v8 =	vld [tilespmem:s16+$0x10030]  }
0x208: {  	v9 =	vld [tilespmem:s3+$0x2030];
	[tilespmem:s16+$0xC020] =	vst v5;
	v2 =	vadd.f32 v2, v1  }
0x209: {  	v5 =	vld [tilespmem:s3+$0x12030];
	[tilespmem:s16+$0xE020] =	vst v3;
	v1 =	vadd.f32 v4, v1  }
0x20a: {  	v3 =	vld [tilespmem:s3+$0x2000];
	[tilespmem:s16+$0x10020] =	vst v2;
	v2 =	vadd.f32 v7, v0  }
0x20b: {  	v4 =	vld [tilespmem:s3+$0xC000];
	[tilespmem:s16+$0x12020] =	vst v1;
	v1 =	vadd.f32 v6, v0  }
0x20c: {  	v6 =	vld [tilespmem:s3+$0xE000];
	[tilespmem:s16+$0xC030] =	vst v2;
	v2 =	vadd.f32 v8, v0  }
0x20d: {  	v7 =	vld [tilespmem:s3+$0x10000];
	[tilespmem:s16+$0xE030] =	vst v1;
	v0 =	vmov v9  }
0x20e: {  	v1 =	vld [tilespmem:s3+$0x12000];
	v5 =	vadd.f32 v5, v0;
	[tilespmem:s16+$0x10030] =	vst v2;
	s16 =	smov.u32 s3  }
0x20f: {  	v8 =	vld [tilespmem:s16+$0x2010]  }
0x210: {  	v2 =	vadd.f32 v4, v3;
	v4 =	vld [tilespmem:s16+$0xC010];
	[tilespmem:s16+$0x12030] =	vst v5  }
0x211: {  	v5 =	vadd.f32 v6, v3;
	v6 =	vld [tilespmem:s16+$0xE010]  }
0x212: {  	[tilespmem:s16+$0xC000] =	vst v2;
	v2 =	vadd.f32 v7, v3;
	v7 =	vld [tilespmem:s16+$0x10010]  }
0x213: {  	[tilespmem:s16+$0xE000] =	vst v5;
	v3 =	vadd.f32 v1, v3;
	v9 =	vld [tilespmem:s16+$0x12010]  }
.Ltmp8:
0x214: {  	[tilespmem:s16+$0x10000] =	vst v2;
	v1 =	vld [tilespmem:s16+$0x2020];
	(pc) =	sbr.rel @p0 .LBB2_19-.Ltmp8, $4  }
0x215: {  	[tilespmem:s16+$0x12000] =	vst v3;
	v2 =	vadd.f32 v4, v8;
	v5 =	vld [tilespmem:s16+$0xC020]  }
0x216: {  	v4 =	vadd.f32 v6, v8;
	v3 =	vld [tilespmem:s16+$0xE020]  }
0x217: {  	[tilespmem:s16+$0xC010] =	vst v2;
	v7 =	vadd.f32 v7, v8;
	v2 =	vld [tilespmem:s16+$0x10020]  }
0x218: {  	[tilespmem:s16+$0xE010] =	vst v4;
	v6 =	vadd.f32 v9, v8;
	v4 =	vld [tilespmem:s16+$0x12020]  }
0x219: {  	v8 =	vld [tilespmem:s16+$0xC030]  }
0x21a: {  	[tilespmem:s16+$0x10010] =	vst v7;
	v7 =	vld [tilespmem:s16+$0xE030];
	v5 =	vadd.f32 v5, v1  }
0x21b: {  	[tilespmem:s16+$0x12010] =	vst v6;
	v6 =	vld [tilespmem:s16+$0x10030];
	v3 =	vadd.f32 v3, v1  }
0x21c: {  	[tilespmem:s16+$0xC020] =	vst v5;
	v2 =	vadd.f32 v2, v1  }
0x21d: {  	[tilespmem:s16+$0xE020] =	vst v3;
	v1 =	vadd.f32 v4, v1  }
0x21e: {  	[tilespmem:s16+$0x10020] =	vst v2;
	v2 =	vadd.f32 v8, v0  }
0x21f: {  	[tilespmem:s16+$0x12020] =	vst v1;
	v1 =	vadd.f32 v7, v0  }
0x220: {  	s17 =	simm.s32 $0x0;
	v0 =	vadd.f32 v6, v0;
	[tilespmem:s16+$0xC030] =	vst v2  }
0x221: {  	s3 =	sand.u32 $0x40, s17;
	[tilespmem:s16+$0xE030] =	vst v1  }
0x222: {  	[tilespmem:s16+$0x10030] =	vst v0;
	s16 =	sor.u32 s3, s0  }
0x223: {  	v0 =	vld [tilespmem:s16+$0x20B0]  }
0x224: {  	v1 =	vld [tilespmem:s16+$0x120B0]  }
0x225: {  	v2 =	vld [tilespmem:s16+$0x2080]  }
0x226: {  	v3 =	vld [tilespmem:s16+$0xC080]  }
0x227: {  	v4 =	vld [tilespmem:s16+$0xE080]  }
0x228: {  	v8 =	vld [tilespmem:s16+$0x2090]  }
0x229: {  	v9 =	vld [tilespmem:s16+$0xE090];
	_ =	sdelay $0x1  }
0x22a: {  	v5 =	vld [tilespmem:s16+$0x10080]  }
0x22b: {  	v6 =	vld [tilespmem:s16+$0x12080];
	v1 =	vadd.f32 v1, v0  }
0x22c: {  	v7 =	vld [tilespmem:s16+$0xC090];
	v3 =	vadd.f32 v3, v2  }
0x22d: {  	v9 =	vadd.f32 v9, v8;
	[tilespmem:s16+$0x120B0] =	vst v1;
	v1 =	vadd.f32 v4, v2;
	v4 =	vld [tilespmem:s16+$0x10090]  }
0x22e: {  	v10 =	vld [tilespmem:s16+$0x12090];
	[tilespmem:s16+$0xC080] =	vst v3  }
0x22f: {  	v3 =	vadd.f32 v5, v2;
	v5 =	vld [tilespmem:s16+$0xC0A0];
	[tilespmem:s16+$0xE090] =	vst v9  }
0x230: {  	v2 =	vadd.f32 v6, v2;
	[tilespmem:s16+$0xE080] =	vst v1;
	v1 =	vld [tilespmem:s16+$0x20A0]  }
0x231: {  	v6 =	vadd.f32 v7, v8;
	[tilespmem:s16+$0x10080] =	vst v3;
	v3 =	vld [tilespmem:s16+$0xE0A0]  }
0x232: {  	[tilespmem:s16+$0x12080] =	vst v2;
	v2 =	vld [tilespmem:s16+$0x100A0];
	v7 =	vadd.f32 v4, v8  }
0x233: {  	[tilespmem:s16+$0xC090] =	vst v6;
	v6 =	vadd.f32 v10, v8;
	v4 =	vld [tilespmem:s16+$0x120A0]  }
.LBB2_21:
0x234: {  	s17 =	sadd.s32 $0x40, s17;
	[tilespmem:s16+$0x10090] =	vst v7;
	v7 =	vld [tilespmem:s16+$0xC0B0];
	s14 =	sadd.s32 $0x200, s14  }
0x235: {  	s0 =	sand.u32 $0x40, s17;
	s3 =	sand.u32 $0x1C00, s14;
	p0 =	slt.u32 s17, $0x3C0;
	[tilespmem:s16+$0x12090] =	vst v6;
	v5 =	vadd.f32 v5, v1;
	v6 =	vld [tilespmem:s16+$0xE0B0]  }
0x236: {  	s0 =	sor.u32 s0, s3;
	v3 =	vadd.f32 v3, v1;
	v8 =	vld [tilespmem:s16+$0x100B0]  }
0x237: {  	v9 =	vld [tilespmem:s0+$0x20B0];
	[tilespmem:s16+$0xC0A0] =	vst v5;
	v2 =	vadd.f32 v2, v1  }
0x238: {  	v5 =	vld [tilespmem:s0+$0x120B0];
	[tilespmem:s16+$0xE0A0] =	vst v3;
	v1 =	vadd.f32 v4, v1  }
0x239: {  	v3 =	vld [tilespmem:s0+$0x2080];
	[tilespmem:s16+$0x100A0] =	vst v2;
	v2 =	vadd.f32 v7, v0  }
0x23a: {  	v4 =	vld [tilespmem:s0+$0xC080];
	[tilespmem:s16+$0x120A0] =	vst v1;
	v1 =	vadd.f32 v6, v0  }
0x23b: {  	v6 =	vld [tilespmem:s0+$0xE080];
	[tilespmem:s16+$0xC0B0] =	vst v2;
	v2 =	vadd.f32 v8, v0  }
0x23c: {  	v7 =	vld [tilespmem:s0+$0x10080];
	[tilespmem:s16+$0xE0B0] =	vst v1;
	v0 =	vmov v9  }
0x23d: {  	v1 =	vld [tilespmem:s0+$0x12080];
	v5 =	vadd.f32 v5, v0;
	[tilespmem:s16+$0x100B0] =	vst v2;
	s16 =	smov.u32 s0  }
0x23e: {  	v8 =	vld [tilespmem:s16+$0x2090]  }
0x23f: {  	s0 =	simm.s32 $0x0;
	v2 =	vadd.f32 v4, v3;
	v4 =	vld [tilespmem:s16+$0xC090];
	[tilespmem:s16+$0x120B0] =	vst v5  }
0x240: {  	v5 =	vadd.f32 v6, v3;
	v6 =	vld [tilespmem:s16+$0xE090]  }
0x241: {  	[tilespmem:s16+$0xC080] =	vst v2;
	v2 =	vadd.f32 v7, v3;
	v7 =	vld [tilespmem:s16+$0x10090]  }
0x242: {  	[tilespmem:s16+$0xE080] =	vst v5;
	v3 =	vadd.f32 v1, v3;
	v9 =	vld [tilespmem:s16+$0x12090]  }
.Ltmp9:
0x243: {  	[tilespmem:s16+$0x10080] =	vst v2;
	v1 =	vld [tilespmem:s16+$0x20A0];
	(pc) =	sbr.rel @p0 .LBB2_21-.Ltmp9, $4  }
0x244: {  	[tilespmem:s16+$0x12080] =	vst v3;
	v2 =	vadd.f32 v4, v8;
	v5 =	vld [tilespmem:s16+$0xC0A0]  }
0x245: {  	v4 =	vadd.f32 v6, v8;
	v3 =	vld [tilespmem:s16+$0xE0A0]  }
0x246: {  	[tilespmem:s16+$0xC090] =	vst v2;
	v7 =	vadd.f32 v7, v8;
	v2 =	vld [tilespmem:s16+$0x100A0]  }
0x247: {  	[tilespmem:s16+$0xE090] =	vst v4;
	v6 =	vadd.f32 v9, v8;
	v4 =	vld [tilespmem:s16+$0x120A0]  }
0x248: {  	v8 =	vld [tilespmem:s16+$0xC0B0]  }
0x249: {  	[tilespmem:s16+$0x10090] =	vst v7;
	v7 =	vld [tilespmem:s16+$0xE0B0];
	v5 =	vadd.f32 v5, v1  }
0x24a: {  	[tilespmem:s16+$0x12090] =	vst v6;
	v6 =	vld [tilespmem:s16+$0x100B0];
	v3 =	vadd.f32 v3, v1  }
0x24b: {  	[tilespmem:s16+$0xC0A0] =	vst v5;
	v2 =	vadd.f32 v2, v1  }
0x24c: {  	[tilespmem:s16+$0xE0A0] =	vst v3;
	v1 =	vadd.f32 v4, v1  }
0x24d: {  	[tilespmem:s16+$0x100A0] =	vst v2;
	v2 =	vadd.f32 v8, v0  }
0x24e: {  	[tilespmem:s16+$0x120A0] =	vst v1;
	v1 =	vadd.f32 v7, v0  }
0x24f: {  	s17 =	simm.s32 $0x0;
	v0 =	vadd.f32 v6, v0;
	[tilespmem:s16+$0xC0B0] =	vst v2  }
0x250: {  	s14 =	sand.u32 $0x1C00, s0;
	s3 =	sand.u32 $0x40, s17;
	[tilespmem:s16+$0xE0B0] =	vst v1  }
0x251: {  	[tilespmem:s16+$0x100B0] =	vst v0;
	s16 =	sor.u32 s3, s14  }
0x252: {  	v0 =	vld [tilespmem:s16+$0x2130]  }
0x253: {  	v1 =	vld [tilespmem:s16+$0x12130]  }
0x254: {  	v2 =	vld [tilespmem:s16+$0x2100]  }
0x255: {  	v3 =	vld [tilespmem:s16+$0xC100]  }
0x256: {  	v4 =	vld [tilespmem:s16+$0xE100]  }
0x257: {  	v8 =	vld [tilespmem:s16+$0x2110]  }
0x258: {  	v9 =	vld [tilespmem:s16+$0xE110];
	_ =	sdelay $0x1  }
0x259: {  	v5 =	vld [tilespmem:s16+$0x10100]  }
0x25a: {  	v6 =	vld [tilespmem:s16+$0x12100];
	v1 =	vadd.f32 v1, v0  }
0x25b: {  	v7 =	vld [tilespmem:s16+$0xC110];
	v3 =	vadd.f32 v3, v2  }
0x25c: {  	v9 =	vadd.f32 v9, v8;
	[tilespmem:s16+$0x12130] =	vst v1;
	v1 =	vadd.f32 v4, v2;
	v4 =	vld [tilespmem:s16+$0x10110]  }
0x25d: {  	v10 =	vld [tilespmem:s16+$0x12110];
	[tilespmem:s16+$0xC100] =	vst v3  }
0x25e: {  	v3 =	vadd.f32 v5, v2;
	v5 =	vld [tilespmem:s16+$0xC120];
	[tilespmem:s16+$0xE110] =	vst v9  }
0x25f: {  	v2 =	vadd.f32 v6, v2;
	[tilespmem:s16+$0xE100] =	vst v1;
	v1 =	vld [tilespmem:s16+$0x2120]  }
0x260: {  	v6 =	vadd.f32 v7, v8;
	[tilespmem:s16+$0x10100] =	vst v3;
	v3 =	vld [tilespmem:s16+$0xE120]  }
0x261: {  	[tilespmem:s16+$0x12100] =	vst v2;
	v2 =	vld [tilespmem:s16+$0x10120];
	v7 =	vadd.f32 v4, v8  }
0x262: {  	s18 =	simm.s32 $0x0;
	[tilespmem:s16+$0xC110] =	vst v6;
	v6 =	vadd.f32 v10, v8;
	v4 =	vld [tilespmem:s16+$0x12120]  }
.LBB2_23:
0x263: {  	s17 =	sadd.s32 $0x40, s17;
	[tilespmem:s16+$0x10110] =	vst v7;
	v7 =	vld [tilespmem:s16+$0xC130];
	s18 =	sadd.s32 $0x200, s18  }
0x264: {  	s3 =	sand.u32 $0x40, s17;
	s19 =	sand.u32 $0x1C00, s18;
	p0 =	slt.u32 s17, $0x3C0;
	[tilespmem:s16+$0x12110] =	vst v6;
	v5 =	vadd.f32 v5, v1;
	v6 =	vld [tilespmem:s16+$0xE130]  }
0x265: {  	s3 =	sor.u32 s3, s19;
	v3 =	vadd.f32 v3, v1;
	v8 =	vld [tilespmem:s16+$0x10130]  }
0x266: {  	v9 =	vld [tilespmem:s3+$0x2130];
	[tilespmem:s16+$0xC120] =	vst v5;
	v2 =	vadd.f32 v2, v1  }
0x267: {  	v5 =	vld [tilespmem:s3+$0x12130];
	[tilespmem:s16+$0xE120] =	vst v3;
	v1 =	vadd.f32 v4, v1  }
0x268: {  	v3 =	vld [tilespmem:s3+$0x2100];
	[tilespmem:s16+$0x10120] =	vst v2;
	v2 =	vadd.f32 v7, v0  }
0x269: {  	v4 =	vld [tilespmem:s3+$0xC100];
	[tilespmem:s16+$0x12120] =	vst v1;
	v1 =	vadd.f32 v6, v0  }
0x26a: {  	v6 =	vld [tilespmem:s3+$0xE100];
	[tilespmem:s16+$0xC130] =	vst v2;
	v2 =	vadd.f32 v8, v0  }
0x26b: {  	v7 =	vld [tilespmem:s3+$0x10100];
	[tilespmem:s16+$0xE130] =	vst v1;
	v0 =	vmov v9  }
0x26c: {  	v1 =	vld [tilespmem:s3+$0x12100];
	v5 =	vadd.f32 v5, v0;
	[tilespmem:s16+$0x10130] =	vst v2;
	s16 =	smov.u32 s3  }
0x26d: {  	v8 =	vld [tilespmem:s16+$0x2110]  }
0x26e: {  	v2 =	vadd.f32 v4, v3;
	v4 =	vld [tilespmem:s16+$0xC110];
	[tilespmem:s16+$0x12130] =	vst v5  }
0x26f: {  	v5 =	vadd.f32 v6, v3;
	v6 =	vld [tilespmem:s16+$0xE110]  }
0x270: {  	[tilespmem:s16+$0xC100] =	vst v2;
	v2 =	vadd.f32 v7, v3;
	v7 =	vld [tilespmem:s16+$0x10110]  }
0x271: {  	[tilespmem:s16+$0xE100] =	vst v5;
	v3 =	vadd.f32 v1, v3;
	v9 =	vld [tilespmem:s16+$0x12110]  }
.Ltmp10:
0x272: {  	[tilespmem:s16+$0x10100] =	vst v2;
	v1 =	vld [tilespmem:s16+$0x2120];
	(pc) =	sbr.rel @p0 .LBB2_23-.Ltmp10, $4  }
0x273: {  	[tilespmem:s16+$0x12100] =	vst v3;
	v2 =	vadd.f32 v4, v8;
	v5 =	vld [tilespmem:s16+$0xC120]  }
0x274: {  	v4 =	vadd.f32 v6, v8;
	v3 =	vld [tilespmem:s16+$0xE120]  }
0x275: {  	[tilespmem:s16+$0xC110] =	vst v2;
	v7 =	vadd.f32 v7, v8;
	v2 =	vld [tilespmem:s16+$0x10120]  }
0x276: {  	[tilespmem:s16+$0xE110] =	vst v4;
	v6 =	vadd.f32 v9, v8;
	v4 =	vld [tilespmem:s16+$0x12120]  }
0x277: {  	v8 =	vld [tilespmem:s16+$0xC130]  }
0x278: {  	[tilespmem:s16+$0x10110] =	vst v7;
	v7 =	vld [tilespmem:s16+$0xE130];
	v5 =	vadd.f32 v5, v1  }
0x279: {  	[tilespmem:s16+$0x12110] =	vst v6;
	v6 =	vld [tilespmem:s16+$0x10130];
	v3 =	vadd.f32 v3, v1  }
0x27a: {  	[tilespmem:s16+$0xC120] =	vst v5;
	v2 =	vadd.f32 v2, v1  }
0x27b: {  	[tilespmem:s16+$0xE120] =	vst v3;
	v1 =	vadd.f32 v4, v1  }
0x27c: {  	[tilespmem:s16+$0x10120] =	vst v2;
	v2 =	vadd.f32 v8, v0  }
0x27d: {  	[tilespmem:s16+$0x12120] =	vst v1;
	v1 =	vadd.f32 v7, v0  }
0x27e: {  	s17 =	simm.s32 $0x0;
	v0 =	vadd.f32 v6, v0;
	[tilespmem:s16+$0xC130] =	vst v2  }
0x27f: {  	s3 =	sand.u32 $0x40, s17;
	[tilespmem:s16+$0xE130] =	vst v1  }
0x280: {  	[tilespmem:s16+$0x10130] =	vst v0;
	s16 =	sor.u32 s3, s14  }
0x281: {  	v0 =	vld [tilespmem:s16+$0x21B0]  }
0x282: {  	v1 =	vld [tilespmem:s16+$0x121B0]  }
0x283: {  	v2 =	vld [tilespmem:s16+$0x2180]  }
0x284: {  	v3 =	vld [tilespmem:s16+$0xC180]  }
0x285: {  	v4 =	vld [tilespmem:s16+$0xE180]  }
0x286: {  	v8 =	vld [tilespmem:s16+$0x2190]  }
0x287: {  	v9 =	vld [tilespmem:s16+$0xE190];
	_ =	sdelay $0x1  }
0x288: {  	v5 =	vld [tilespmem:s16+$0x10180]  }
0x289: {  	v6 =	vld [tilespmem:s16+$0x12180];
	v1 =	vadd.f32 v1, v0  }
0x28a: {  	v7 =	vld [tilespmem:s16+$0xC190];
	v3 =	vadd.f32 v3, v2  }
0x28b: {  	v9 =	vadd.f32 v9, v8;
	[tilespmem:s16+$0x121B0] =	vst v1;
	v1 =	vadd.f32 v4, v2;
	v4 =	vld [tilespmem:s16+$0x10190]  }
0x28c: {  	v10 =	vld [tilespmem:s16+$0x12190];
	[tilespmem:s16+$0xC180] =	vst v3  }
0x28d: {  	v3 =	vadd.f32 v5, v2;
	v5 =	vld [tilespmem:s16+$0xC1A0];
	[tilespmem:s16+$0xE190] =	vst v9  }
0x28e: {  	v2 =	vadd.f32 v6, v2;
	[tilespmem:s16+$0xE180] =	vst v1;
	v1 =	vld [tilespmem:s16+$0x21A0]  }
0x28f: {  	v6 =	vadd.f32 v7, v8;
	[tilespmem:s16+$0x10180] =	vst v3;
	v3 =	vld [tilespmem:s16+$0xE1A0]  }
0x290: {  	[tilespmem:s16+$0x12180] =	vst v2;
	v2 =	vld [tilespmem:s16+$0x101A0];
	v7 =	vadd.f32 v4, v8  }
0x291: {  	[tilespmem:s16+$0xC190] =	vst v6;
	v6 =	vadd.f32 v10, v8;
	v4 =	vld [tilespmem:s16+$0x121A0]  }
.LBB2_25:
0x292: {  	s17 =	sadd.s32 $0x40, s17;
	[tilespmem:s16+$0x10190] =	vst v7;
	v7 =	vld [tilespmem:s16+$0xC1B0];
	s0 =	sadd.s32 $0x200, s0  }
0x293: {  	s3 =	sand.u32 $0x40, s17;
	s14 =	sand.u32 $0x1C00, s0;
	p1 =	slt.u32 s17, $0x3C0;
	[tilespmem:s16+$0x12190] =	vst v6;
	v5 =	vadd.f32 v5, v1;
	v6 =	vld [tilespmem:s16+$0xE1B0]  }
0x294: {  	s3 =	sor.u32 s3, s14;
	v3 =	vadd.f32 v3, v1;
	v8 =	vld [tilespmem:s16+$0x101B0]  }
0x295: {  	v9 =	vld [tilespmem:s3+$0x21B0];
	[tilespmem:s16+$0xC1A0] =	vst v5;
	v2 =	vadd.f32 v2, v1  }
0x296: {  	v5 =	vld [tilespmem:s3+$0x121B0];
	[tilespmem:s16+$0xE1A0] =	vst v3;
	v1 =	vadd.f32 v4, v1  }
0x297: {  	v3 =	vld [tilespmem:s3+$0x2180];
	[tilespmem:s16+$0x101A0] =	vst v2;
	v2 =	vadd.f32 v7, v0  }
0x298: {  	v4 =	vld [tilespmem:s3+$0xC180];
	[tilespmem:s16+$0x121A0] =	vst v1;
	v1 =	vadd.f32 v6, v0  }
0x299: {  	v6 =	vld [tilespmem:s3+$0xE180];
	[tilespmem:s16+$0xC1B0] =	vst v2;
	v2 =	vadd.f32 v8, v0  }
0x29a: {  	v7 =	vld [tilespmem:s3+$0x10180];
	[tilespmem:s16+$0xE1B0] =	vst v1;
	v0 =	vmov v9  }
0x29b: {  	v1 =	vld [tilespmem:s3+$0x12180];
	v5 =	vadd.f32 v5, v0;
	[tilespmem:s16+$0x101B0] =	vst v2;
	s16 =	smov.u32 s3  }
0x29c: {  	v8 =	vld [tilespmem:s16+$0x2190]  }
0x29d: {  	p0 =	por $0x0, $0x0;
	s14 =	simm.s32 $0x0;
	v2 =	vadd.f32 v4, v3;
	v4 =	vld [tilespmem:s16+$0xC190];
	[tilespmem:s16+$0x121B0] =	vst v5  }
0x29e: {  	v5 =	vadd.f32 v6, v3;
	v6 =	vld [tilespmem:s16+$0xE190]  }
0x29f: {  	[tilespmem:s16+$0xC180] =	vst v2;
	v2 =	vadd.f32 v7, v3;
	v7 =	vld [tilespmem:s16+$0x10190]  }
0x2a0: {  	[tilespmem:s16+$0xE180] =	vst v5;
	v3 =	vadd.f32 v1, v3;
	v9 =	vld [tilespmem:s16+$0x12190]  }
.Ltmp11:
0x2a1: {  	[tilespmem:s16+$0x10180] =	vst v2;
	v1 =	vld [tilespmem:s16+$0x21A0];
	(pc) =	sbr.rel @p1 .LBB2_25-.Ltmp11, $4  }
0x2a2: {  	[tilespmem:s16+$0x12180] =	vst v3;
	v2 =	vadd.f32 v4, v8;
	v5 =	vld [tilespmem:s16+$0xC1A0]  }
0x2a3: {  	v4 =	vadd.f32 v6, v8;
	v3 =	vld [tilespmem:s16+$0xE1A0]  }
0x2a4: {  	[tilespmem:s16+$0xC190] =	vst v2;
	v7 =	vadd.f32 v7, v8;
	v2 =	vld [tilespmem:s16+$0x101A0]  }
0x2a5: {  	[tilespmem:s16+$0xE190] =	vst v4;
	v6 =	vadd.f32 v9, v8;
	v4 =	vld [tilespmem:s16+$0x121A0]  }
0x2a6: {  	v8 =	vld [tilespmem:s16+$0xC1B0]  }
0x2a7: {  	[tilespmem:s16+$0x10190] =	vst v7;
	v7 =	vld [tilespmem:s16+$0xE1B0];
	v5 =	vadd.f32 v5, v1  }
0x2a8: {  	[tilespmem:s16+$0x12190] =	vst v6;
	v6 =	vld [tilespmem:s16+$0x101B0];
	v3 =	vadd.f32 v3, v1  }
0x2a9: {  	[tilespmem:s16+$0xC1A0] =	vst v5;
	v2 =	vadd.f32 v2, v1  }
0x2aa: {  	[tilespmem:s16+$0xE1A0] =	vst v3;
	v1 =	vadd.f32 v4, v1  }
0x2ab: {  	s0 =	simm.s32 $0x1;
	[tilespmem:s16+$0x101A0] =	vst v2;
	v2 =	vadd.f32 v8, v0  }
0x2ac: {  	s0 =	simm.s32 @!p0 $0x0;
	[tilespmem:s16+$0x121A0] =	vst v1;
	v1 =	vadd.f32 v7, v0  }
0x2ad: {  	s0 =	sshll.u32 s0, $0x6;
	v0 =	vadd.f32 v6, v0;
	[tilespmem:s16+$0xC1B0] =	vst v2  }
0x2ae: {  	s0 =	sadd.s32 $0x0, s0;
	[tilespmem:s16+$0xE1B0] =	vst v1  }
0x2af: {  	[tilespmem:s16+$0x101B0] =	vst v0;
	s16 =	sor.u32 $0x230, s0  }
0x2b0: {  	v0 =	vld [tilespmem:s16+$0x2000]  }
0x2b1: {  	s3 =	sor.u32 $0x200, s0;
	v1 =	vld [tilespmem:s16+$0x12000]  }
0x2b2: {  	v3 =	vld [tilespmem:s3+$0x2000]  }
0x2b3: {  	v4 =	vld [tilespmem:s3+$0xC000]  }
0x2b4: {  	v5 =	vld [tilespmem:s3+$0xE000]  }
0x2b5: {  	v6 =	vld [tilespmem:s3+$0x10000]  }
0x2b6: {  	s18 =	sor.u32 $0x210, s0;
	v7 =	vld [tilespmem:s3+$0x12000]  }
0x2b7: {  	v2 =	vld [tilespmem:s18+$0x2000]  }
0x2b8: {  	v8 =	vld [tilespmem:s18+$0xC000];
	v1 =	vadd.f32 v1, v0  }
0x2b9: {  	v9 =	vld [tilespmem:s18+$0xE000];
	v4 =	vadd.f32 v4, v3  }
0x2ba: {  	v10 =	vld [tilespmem:s18+$0x10000];
	[tilespmem:s16+$0x12000] =	vst v1;
	v1 =	vadd.f32 v5, v3  }
0x2bb: {  	s17 =	sor.u32 $0x220, s0;
	[tilespmem:s3+$0xC000] =	vst v4;
	v4 =	vadd.f32 v6, v3;
	v6 =	vld [tilespmem:s18+$0x12000]  }
0x2bc: {  	v3 =	vadd.f32 v7, v3;
	v5 =	vld [tilespmem:s17+$0xC000];
	[tilespmem:s3+$0xE000] =	vst v1  }
0x2bd: {  	v1 =	vld [tilespmem:s17+$0x2000];
	[tilespmem:s3+$0x10000] =	vst v4;
	v4 =	vadd.f32 v8, v2  }
0x2be: {  	[tilespmem:s3+$0x12000] =	vst v3;
	v3 =	vld [tilespmem:s17+$0xE000]  }
0x2bf: {  	s19 =	simm.s32 $0x0;
	p1 =	por !p0, !p0;
	s20 =	simm.s32 $0x0;
	v7 =	vadd.f32 v10, v2;
	v8 =	vadd.f32 v9, v2;
	[tilespmem:s18+$0xC000] =	vst v4;
	v4 =	vld [tilespmem:s17+$0x10000]  }
.LBB2_27:
0x2c0: {  	s3 =	simm.s32 $0x1  }
0x2c1: {  	[tilespmem:s18+$0xE000] =	vst v8;
	v2 =	vadd.f32 v6, v2;
	v6 =	vld [tilespmem:s17+$0x12000];
	s3 =	simm.s32 @!p1 $0x0  }
0x2c2: {  	s19 =	sadd.s32 $0x40, s19;
	s20 =	sadd.s32 $0x200, s20;
	s3 =	sshll.u32 s3, $0x6;
	[tilespmem:s18+$0x10000] =	vst v7;
	v7 =	vld [tilespmem:s16+$0xC000]  }
0x2c3: {  	p2 =	slt.u32 s19, $0x3C0;
	s3 =	sadd.s32 s3, s20;
	[tilespmem:s18+$0x12000] =	vst v2;
	v2 =	vadd.f32 v5, v1;
	v5 =	vld [tilespmem:s16+$0xE000]  }
0x2c4: {  	v3 =	vadd.f32 v3, v1;
	s22 =	sor.u32 $0x200, s3;
	s18 =	sor.u32 $0x210, s3;
	s24 =	sor.u32 $0x230, s3;
	v8 =	vld [tilespmem:s16+$0x10000]  }
0x2c5: {  	s3 =	sor.u32 $0x220, s3;
	v9 =	vld [tilespmem:s24+$0x2000];
	[tilespmem:s17+$0xC000] =	vst v2;
	v2 =	vadd.f32 v4, v1  }
0x2c6: {  	v1 =	vadd.f32 v6, v1;
	v4 =	vld [tilespmem:s24+$0x12000];
	[tilespmem:s17+$0xE000] =	vst v3  }
0x2c7: {  	v3 =	vld [tilespmem:s22+$0x2000];
	[tilespmem:s17+$0x10000] =	vst v2;
	v2 =	vadd.f32 v7, v0  }
0x2c8: {  	v6 =	vld [tilespmem:s22+$0xC000];
	[tilespmem:s17+$0x12000] =	vst v1;
	v1 =	vadd.f32 v5, v0;
	s17 =	smov.u32 s3  }
0x2c9: {  	v5 =	vld [tilespmem:s22+$0xE000];
	[tilespmem:s16+$0xC000] =	vst v2;
	v2 =	vadd.f32 v8, v0  }
0x2ca: {  	v7 =	vld [tilespmem:s22+$0x10000];
	[tilespmem:s16+$0xE000] =	vst v1;
	v0 =	vmov v9  }
0x2cb: {  	v1 =	vld [tilespmem:s22+$0x12000];
	v4 =	vadd.f32 v4, v0;
	[tilespmem:s16+$0x10000] =	vst v2;
	s16 =	smov.u32 s24  }
0x2cc: {  	v2 =	vld [tilespmem:s18+$0x2000]  }
0x2cd: {  	v6 =	vadd.f32 v6, v3;
	v8 =	vld [tilespmem:s18+$0xC000];
	[tilespmem:s16+$0x12000] =	vst v4  }
0x2ce: {  	v4 =	vadd.f32 v5, v3;
	v9 =	vld [tilespmem:s18+$0xE000]  }
0x2cf: {  	[tilespmem:s22+$0xC000] =	vst v6;
	v5 =	vadd.f32 v7, v3;
	v7 =	vld [tilespmem:s18+$0x10000]  }
.Ltmp12:
0x2d0: {  	[tilespmem:s22+$0xE000] =	vst v4;
	v3 =	vadd.f32 v1, v3;
	v6 =	vld [tilespmem:s18+$0x12000];
	(pc) =	sbr.rel @p2 .LBB2_27-.Ltmp12, $4  }
0x2d1: {  	[tilespmem:s22+$0x10000] =	vst v5;
	v1 =	vld [tilespmem:s17+$0x2000]  }
0x2d2: {  	[tilespmem:s22+$0x12000] =	vst v3;
	v4 =	vadd.f32 v8, v2;
	v5 =	vld [tilespmem:s17+$0xC000]  }
0x2d3: {  	v8 =	vadd.f32 v9, v2;
	v3 =	vld [tilespmem:s17+$0xE000]  }
0x2d4: {  	p1 =	por !p1, !p1;
	[tilespmem:s18+$0xC000] =	vst v4;
	v7 =	vadd.f32 v7, v2;
	v4 =	vld [tilespmem:s17+$0x10000]  }
0x2d5: {  	v9 =	vld [tilespmem:s17+$0x12000]  }
0x2d6: {  	[tilespmem:s18+$0xE000] =	vst v8;
	v2 =	vadd.f32 v6, v2;
	v6 =	vld [tilespmem:s16+$0xC000]  }
0x2d7: {  	[tilespmem:s18+$0x10000] =	vst v7;
	v7 =	vld [tilespmem:s16+$0xE000];
	v5 =	vadd.f32 v5, v1  }
0x2d8: {  	[tilespmem:s18+$0x12000] =	vst v2;
	v2 =	vadd.f32 v3, v1;
	v3 =	vld [tilespmem:s16+$0x10000]  }
0x2d9: {  	[tilespmem:s17+$0xC000] =	vst v5;
	v4 =	vadd.f32 v4, v1  }
0x2da: {  	[tilespmem:s17+$0xE000] =	vst v2;
	v1 =	vadd.f32 v9, v1  }
0x2db: {  	v2 =	vadd.f32 v6, v0;
	[tilespmem:s17+$0x10000] =	vst v4  }
0x2dc: {  	[tilespmem:s17+$0x12000] =	vst v1;
	v1 =	vadd.f32 v7, v0  }
0x2dd: {  	[tilespmem:s16+$0xC000] =	vst v2;
	v0 =	vadd.f32 v3, v0  }
0x2de: {  	[tilespmem:s16+$0xE000] =	vst v1  }
0x2df: {  	[tilespmem:s16+$0x10000] =	vst v0;
	s16 =	sor.u32 $0x2B0, s0  }
0x2e0: {  	v0 =	vld [tilespmem:s16+$0x2000]  }
0x2e1: {  	s3 =	sor.u32 $0x280, s0;
	v1 =	vld [tilespmem:s16+$0x12000]  }
0x2e2: {  	v3 =	vld [tilespmem:s3+$0x2000]  }
0x2e3: {  	v4 =	vld [tilespmem:s3+$0xC000]  }
0x2e4: {  	v5 =	vld [tilespmem:s3+$0xE000]  }
0x2e5: {  	v6 =	vld [tilespmem:s3+$0x10000]  }
0x2e6: {  	s18 =	sor.u32 $0x290, s0;
	v7 =	vld [tilespmem:s3+$0x12000]  }
0x2e7: {  	v2 =	vld [tilespmem:s18+$0x2000]  }
0x2e8: {  	v8 =	vld [tilespmem:s18+$0xC000];
	v1 =	vadd.f32 v1, v0  }
0x2e9: {  	v9 =	vld [tilespmem:s18+$0xE000];
	v4 =	vadd.f32 v4, v3  }
0x2ea: {  	v10 =	vld [tilespmem:s18+$0x10000];
	[tilespmem:s16+$0x12000] =	vst v1;
	v1 =	vadd.f32 v5, v3  }
0x2eb: {  	s17 =	sor.u32 $0x2A0, s0;
	[tilespmem:s3+$0xC000] =	vst v4;
	v4 =	vadd.f32 v6, v3;
	v6 =	vld [tilespmem:s18+$0x12000]  }
0x2ec: {  	v3 =	vadd.f32 v7, v3;
	v5 =	vld [tilespmem:s17+$0xC000];
	[tilespmem:s3+$0xE000] =	vst v1  }
0x2ed: {  	v1 =	vld [tilespmem:s17+$0x2000];
	[tilespmem:s3+$0x10000] =	vst v4;
	v4 =	vadd.f32 v8, v2  }
0x2ee: {  	[tilespmem:s3+$0x12000] =	vst v3;
	v3 =	vld [tilespmem:s17+$0xE000]  }
0x2ef: {  	s19 =	simm.s32 $0x0;
	p0 =	por !p0, !p0;
	v7 =	vadd.f32 v10, v2;
	v8 =	vadd.f32 v9, v2;
	[tilespmem:s18+$0xC000] =	vst v4;
	v4 =	vld [tilespmem:s17+$0x10000]  }
.LBB2_29:
0x2f0: {  	s0 =	simm.s32 $0x1  }
0x2f1: {  	[tilespmem:s18+$0xE000] =	vst v8;
	v2 =	vadd.f32 v6, v2;
	v6 =	vld [tilespmem:s17+$0x12000];
	s0 =	simm.s32 @!p0 $0x0  }
0x2f2: {  	s19 =	sadd.s32 $0x40, s19;
	s14 =	sadd.s32 $0x200, s14;
	s0 =	sshll.u32 s0, $0x6;
	[tilespmem:s18+$0x10000] =	vst v7;
	v7 =	vld [tilespmem:s16+$0xC000]  }
0x2f3: {  	p2 =	slt.u32 s19, $0x3C0;
	s0 =	sadd.s32 s0, s14;
	[tilespmem:s18+$0x12000] =	vst v2;
	v2 =	vadd.f32 v5, v1;
	v5 =	vld [tilespmem:s16+$0xE000]  }
0x2f4: {  	v3 =	vadd.f32 v3, v1;
	s3 =	sor.u32 $0x280, s0;
	s18 =	sor.u32 $0x290, s0;
	s20 =	sor.u32 $0x2B0, s0;
	v8 =	vld [tilespmem:s16+$0x10000]  }
0x2f5: {  	s0 =	sor.u32 $0x2A0, s0;
	v9 =	vld [tilespmem:s20+$0x2000];
	[tilespmem:s17+$0xC000] =	vst v2;
	v2 =	vadd.f32 v4, v1  }
0x2f6: {  	v1 =	vadd.f32 v6, v1;
	v4 =	vld [tilespmem:s20+$0x12000];
	[tilespmem:s17+$0xE000] =	vst v3  }
0x2f7: {  	v3 =	vld [tilespmem:s3+$0x2000];
	[tilespmem:s17+$0x10000] =	vst v2;
	v2 =	vadd.f32 v7, v0  }
0x2f8: {  	v6 =	vld [tilespmem:s3+$0xC000];
	[tilespmem:s17+$0x12000] =	vst v1;
	v1 =	vadd.f32 v5, v0;
	s17 =	smov.u32 s0  }
0x2f9: {  	v5 =	vld [tilespmem:s3+$0xE000];
	[tilespmem:s16+$0xC000] =	vst v2;
	v2 =	vadd.f32 v8, v0  }
0x2fa: {  	v7 =	vld [tilespmem:s3+$0x10000];
	[tilespmem:s16+$0xE000] =	vst v1;
	v0 =	vmov v9  }
0x2fb: {  	v1 =	vld [tilespmem:s3+$0x12000];
	v4 =	vadd.f32 v4, v0;
	[tilespmem:s16+$0x10000] =	vst v2;
	s16 =	smov.u32 s20  }
0x2fc: {  	v2 =	vld [tilespmem:s18+$0x2000]  }
0x2fd: {  	p1 =	por $0x0, $0x0;
	s0 =	simm.s32 $0x0;
	v6 =	vadd.f32 v6, v3;
	v8 =	vld [tilespmem:s18+$0xC000];
	[tilespmem:s16+$0x12000] =	vst v4  }
0x2fe: {  	v4 =	vadd.f32 v5, v3;
	v9 =	vld [tilespmem:s18+$0xE000]  }
0x2ff: {  	[tilespmem:s3+$0xC000] =	vst v6;
	v5 =	vadd.f32 v7, v3;
	v7 =	vld [tilespmem:s18+$0x10000]  }
.Ltmp13:
0x300: {  	[tilespmem:s3+$0xE000] =	vst v4;
	v3 =	vadd.f32 v1, v3;
	v6 =	vld [tilespmem:s18+$0x12000];
	(pc) =	sbr.rel @p2 .LBB2_29-.Ltmp13, $4  }
0x301: {  	[tilespmem:s3+$0x10000] =	vst v5;
	v1 =	vld [tilespmem:s17+$0x2000]  }
0x302: {  	[tilespmem:s3+$0x12000] =	vst v3;
	v4 =	vadd.f32 v8, v2;
	v5 =	vld [tilespmem:s17+$0xC000]  }
0x303: {  	v8 =	vadd.f32 v9, v2;
	v3 =	vld [tilespmem:s17+$0xE000]  }
0x304: {  	p0 =	por !p0, !p0;
	[tilespmem:s18+$0xC000] =	vst v4;
	v7 =	vadd.f32 v7, v2;
	v4 =	vld [tilespmem:s17+$0x10000]  }
0x305: {  	v9 =	vld [tilespmem:s17+$0x12000]  }
0x306: {  	[tilespmem:s18+$0xE000] =	vst v8;
	v2 =	vadd.f32 v6, v2;
	v6 =	vld [tilespmem:s16+$0xC000]  }
0x307: {  	[tilespmem:s18+$0x10000] =	vst v7;
	v7 =	vld [tilespmem:s16+$0xE000];
	v5 =	vadd.f32 v5, v1  }
0x308: {  	[tilespmem:s18+$0x12000] =	vst v2;
	v2 =	vadd.f32 v3, v1;
	v3 =	vld [tilespmem:s16+$0x10000]  }
0x309: {  	[tilespmem:s17+$0xC000] =	vst v5;
	v4 =	vadd.f32 v4, v1  }
0x30a: {  	[tilespmem:s17+$0xE000] =	vst v2;
	v1 =	vadd.f32 v9, v1  }
0x30b: {  	s3 =	simm.s32 $0x1;
	v2 =	vadd.f32 v6, v0;
	[tilespmem:s17+$0x10000] =	vst v4  }
0x30c: {  	s3 =	simm.s32 @!p1 $0x0;
	[tilespmem:s17+$0x12000] =	vst v1;
	v1 =	vadd.f32 v7, v0  }
0x30d: {  	s3 =	sshll.u32 s3, $0x6;
	[tilespmem:s16+$0xC000] =	vst v2;
	v0 =	vadd.f32 v3, v0  }
0x30e: {  	s3 =	sadd.s32 $0x0, s3;
	[tilespmem:s16+$0xE000] =	vst v1  }
0x30f: {  	s14 =	sor.u32 $0x330, s3;
	[tilespmem:s16+$0x10000] =	vst v0  }
0x310: {  	v0 =	vld [tilespmem:s14+$0x2000]  }
0x311: {  	s25 =	sor.u32 $0x300, s3;
	v1 =	vld [tilespmem:s14+$0x12000]  }
0x312: {  	v3 =	vld [tilespmem:s25+$0x2000]  }
0x313: {  	v4 =	vld [tilespmem:s25+$0xC000]  }
0x314: {  	v5 =	vld [tilespmem:s25+$0xE000]  }
0x315: {  	v6 =	vld [tilespmem:s25+$0x10000]  }
0x316: {  	s17 =	sor.u32 $0x310, s3;
	v7 =	vld [tilespmem:s25+$0x12000]  }
0x317: {  	v2 =	vld [tilespmem:s17+$0x2000]  }
0x318: {  	v8 =	vld [tilespmem:s17+$0xC000];
	v1 =	vadd.f32 v1, v0  }
0x319: {  	v9 =	vld [tilespmem:s17+$0xE000];
	v4 =	vadd.f32 v4, v3  }
0x31a: {  	v10 =	vld [tilespmem:s17+$0x10000];
	[tilespmem:s14+$0x12000] =	vst v1;
	v1 =	vadd.f32 v5, v3  }
0x31b: {  	s16 =	sor.u32 $0x320, s3;
	[tilespmem:s25+$0xC000] =	vst v4;
	v4 =	vadd.f32 v6, v3;
	v6 =	vld [tilespmem:s17+$0x12000]  }
0x31c: {  	v3 =	vadd.f32 v7, v3;
	v5 =	vld [tilespmem:s16+$0xC000];
	[tilespmem:s25+$0xE000] =	vst v1  }
0x31d: {  	v1 =	vld [tilespmem:s16+$0x2000];
	[tilespmem:s25+$0x10000] =	vst v4;
	v4 =	vadd.f32 v8, v2  }
0x31e: {  	[tilespmem:s25+$0x12000] =	vst v3;
	v3 =	vld [tilespmem:s16+$0xE000]  }
0x31f: {  	p0 =	por !p1, !p1;
	s19 =	simm.s32 $0x0;
	s18 =	simm.s32 $0x0;
	v7 =	vadd.f32 v10, v2;
	v8 =	vadd.f32 v9, v2;
	[tilespmem:s17+$0xC000] =	vst v4;
	v4 =	vld [tilespmem:s16+$0x10000]  }
.LBB2_31:
0x320: {  	s3 =	simm.s32 $0x1  }
0x321: {  	[tilespmem:s17+$0xE000] =	vst v8;
	v2 =	vadd.f32 v6, v2;
	v6 =	vld [tilespmem:s16+$0x12000];
	s3 =	simm.s32 @!p0 $0x0  }
0x322: {  	s18 =	sadd.s32 $0x40, s18;
	s19 =	sadd.s32 $0x200, s19;
	s3 =	sshll.u32 s3, $0x6;
	[tilespmem:s17+$0x10000] =	vst v7;
	v7 =	vld [tilespmem:s14+$0xC000]  }
0x323: {  	p1 =	slt.u32 s18, $0x3C0;
	s3 =	sadd.s32 s3, s19;
	[tilespmem:s17+$0x12000] =	vst v2;
	v2 =	vadd.f32 v5, v1;
	v5 =	vld [tilespmem:s14+$0xE000]  }
0x324: {  	v3 =	vadd.f32 v3, v1;
	s20 =	sor.u32 $0x300, s3;
	s17 =	sor.u32 $0x310, s3;
	s22 =	sor.u32 $0x330, s3;
	v8 =	vld [tilespmem:s14+$0x10000]  }
0x325: {  	s3 =	sor.u32 $0x320, s3;
	v9 =	vld [tilespmem:s22+$0x2000];
	[tilespmem:s16+$0xC000] =	vst v2;
	v2 =	vadd.f32 v4, v1  }
0x326: {  	v1 =	vadd.f32 v6, v1;
	v4 =	vld [tilespmem:s22+$0x12000];
	[tilespmem:s16+$0xE000] =	vst v3  }
0x327: {  	v3 =	vld [tilespmem:s20+$0x2000];
	[tilespmem:s16+$0x10000] =	vst v2;
	v2 =	vadd.f32 v7, v0  }
0x328: {  	v6 =	vld [tilespmem:s20+$0xC000];
	[tilespmem:s16+$0x12000] =	vst v1;
	v1 =	vadd.f32 v5, v0;
	s16 =	smov.u32 s3  }
0x329: {  	v5 =	vld [tilespmem:s20+$0xE000];
	[tilespmem:s14+$0xC000] =	vst v2;
	v2 =	vadd.f32 v8, v0  }
0x32a: {  	v7 =	vld [tilespmem:s20+$0x10000];
	[tilespmem:s14+$0xE000] =	vst v1;
	v0 =	vmov v9  }
0x32b: {  	v1 =	vld [tilespmem:s20+$0x12000];
	v4 =	vadd.f32 v4, v0;
	[tilespmem:s14+$0x10000] =	vst v2;
	s14 =	smov.u32 s22  }
0x32c: {  	v2 =	vld [tilespmem:s17+$0x2000]  }
0x32d: {  	v6 =	vadd.f32 v6, v3;
	v8 =	vld [tilespmem:s17+$0xC000];
	[tilespmem:s14+$0x12000] =	vst v4  }
0x32e: {  	v4 =	vadd.f32 v5, v3;
	v9 =	vld [tilespmem:s17+$0xE000]  }
0x32f: {  	[tilespmem:s20+$0xC000] =	vst v6;
	v5 =	vadd.f32 v7, v3;
	v7 =	vld [tilespmem:s17+$0x10000]  }
.Ltmp14:
0x330: {  	[tilespmem:s20+$0xE000] =	vst v4;
	v3 =	vadd.f32 v1, v3;
	v6 =	vld [tilespmem:s17+$0x12000];
	(pc) =	sbr.rel @p1 .LBB2_31-.Ltmp14, $4  }
0x331: {  	[tilespmem:s20+$0x10000] =	vst v5;
	v1 =	vld [tilespmem:s16+$0x2000]  }
0x332: {  	[tilespmem:s20+$0x12000] =	vst v3;
	v4 =	vadd.f32 v8, v2;
	v5 =	vld [tilespmem:s16+$0xC000]  }
0x333: {  	v8 =	vadd.f32 v9, v2;
	v3 =	vld [tilespmem:s16+$0xE000]  }
0x334: {  	p0 =	por !p0, !p0;
	[tilespmem:s17+$0xC000] =	vst v4;
	v7 =	vadd.f32 v7, v2;
	v4 =	vld [tilespmem:s16+$0x10000]  }
0x335: {  	v9 =	vld [tilespmem:s16+$0x12000]  }
0x336: {  	[tilespmem:s17+$0xE000] =	vst v8;
	v2 =	vadd.f32 v6, v2;
	v6 =	vld [tilespmem:s14+$0xC000]  }
0x337: {  	[tilespmem:s17+$0x10000] =	vst v7;
	v7 =	vld [tilespmem:s14+$0xE000];
	v5 =	vadd.f32 v5, v1  }
0x338: {  	[tilespmem:s17+$0x12000] =	vst v2;
	v2 =	vadd.f32 v3, v1;
	v3 =	vld [tilespmem:s14+$0x10000]  }
0x339: {  	[tilespmem:s16+$0xC000] =	vst v5;
	v4 =	vadd.f32 v4, v1  }
0x33a: {  	[tilespmem:s16+$0xE000] =	vst v2;
	v1 =	vadd.f32 v9, v1  }
0x33b: {  	v2 =	vadd.f32 v6, v0;
	[tilespmem:s16+$0x10000] =	vst v4  }
0x33c: {  	[tilespmem:s16+$0x12000] =	vst v1;
	v1 =	vadd.f32 v7, v0  }
0x33d: {  	[tilespmem:s14+$0xC000] =	vst v2;
	s16 =	simm.s32 $0x0;
	v0 =	vadd.f32 v3, v0  }
0x33e: {  	s3 =	sor.u32 s16, s0;
	[tilespmem:s14+$0xE000] =	vst v1  }
0x33f: {  	[tilespmem:s14+$0x10000] =	vst v0;
	s14 =	sor.u32 $0x3B0, s3  }
0x340: {  	v0 =	vld [tilespmem:s14+$0x2000]  }
0x341: {  	s19 =	sor.u32 $0x380, s3;
	v1 =	vld [tilespmem:s14+$0x12000]  }
0x342: {  	v2 =	vld [tilespmem:s19+$0x2000]  }
0x343: {  	v3 =	vld [tilespmem:s19+$0xC000]  }
0x344: {  	v4 =	vld [tilespmem:s19+$0xE000]  }
0x345: {  	v5 =	vld [tilespmem:s19+$0x10000]  }
0x346: {  	s18 =	sor.u32 $0x390, s3;
	v6 =	vld [tilespmem:s19+$0x12000]  }
0x347: {  	v8 =	vld [tilespmem:s18+$0x2000]  }
0x348: {  	v63 =	vld [tilespmem:s18+$0xE000];
	v1 =	vadd.f32 v1, v0  }
0x349: {  	v7 =	vld [tilespmem:s18+$0xC000];
	v3 =	vadd.f32 v3, v2  }
0x34a: {  	v10 =	vld [tilespmem:s18+$0x10000];
	[tilespmem:s14+$0x12000] =	vst v1;
	v1 =	vadd.f32 v4, v2  }
0x34b: {  	s17 =	sor.u32 $0x3A0, s3;
	v11 =	vld [tilespmem:s18+$0x12000];
	[tilespmem:s19+$0xC000] =	vst v3;
	v3 =	vadd.f32 v5, v2  }
0x34c: {  	v2 =	vadd.f32 v6, v2;
	v5 =	vld [tilespmem:s17+$0xC000];
	[tilespmem:s19+$0xE000] =	vst v1  }
0x34d: {  	v6 =	vadd.f32 v63, v8;
	v1 =	vld [tilespmem:s17+$0x2000];
	[tilespmem:s19+$0x10000] =	vst v3  }
0x34e: {  	v4 =	vld [tilespmem:s17+$0xE000];
	v3 =	vadd.f32 v7, v8;
	[tilespmem:s19+$0x12000] =	vst v2  }
0x34f: {  	v2 =	vld [tilespmem:s17+$0x10000];
	v7 =	vadd.f32 v10, v8;
	[tilespmem:s18+$0xE000] =	vst v6  }
0x350: {  	v6 =	vadd.f32 v11, v8;
	[tilespmem:s18+$0xC000] =	vst v3;
	v3 =	vld [tilespmem:s17+$0x12000]  }
.LBB2_33:
0x351: {  	s16 =	sadd.s32 $0x40, s16;
	[tilespmem:s18+$0x10000] =	vst v7;
	v7 =	vld [tilespmem:s14+$0xC000];
	s0 =	sadd.s32 $0x200, s0  }
0x352: {  	s3 =	sor.u32 s16, s0;
	p0 =	slt.u32 s16, $0x3C0;
	[tilespmem:s18+$0x12000] =	vst v6;
	v5 =	vadd.f32 v5, v1;
	v6 =	vld [tilespmem:s14+$0xE000]  }
0x353: {  	s19 =	sor.u32 $0x380, s3;
	s18 =	sor.u32 $0x390, s3;
	s20 =	sor.u32 $0x3B0, s3;
	v4 =	vadd.f32 v4, v1;
	v8 =	vld [tilespmem:s14+$0x10000]  }
0x354: {  	s3 =	sor.u32 $0x3A0, s3;
	v9 =	vld [tilespmem:s20+$0x2000];
	[tilespmem:s17+$0xC000] =	vst v5;
	v2 =	vadd.f32 v2, v1  }
0x355: {  	v5 =	vld [tilespmem:s20+$0x12000];
	[tilespmem:s17+$0xE000] =	vst v4;
	v1 =	vadd.f32 v3, v1  }
0x356: {  	v3 =	vld [tilespmem:s19+$0x2000];
	[tilespmem:s17+$0x10000] =	vst v2;
	v2 =	vadd.f32 v7, v0  }
0x357: {  	v4 =	vld [tilespmem:s19+$0xC000];
	[tilespmem:s17+$0x12000] =	vst v1;
	v1 =	vadd.f32 v6, v0;
	s17 =	smov.u32 s3  }
0x358: {  	v6 =	vld [tilespmem:s19+$0xE000];
	[tilespmem:s14+$0xC000] =	vst v2;
	v2 =	vadd.f32 v8, v0  }
0x359: {  	v7 =	vld [tilespmem:s19+$0x10000];
	[tilespmem:s14+$0xE000] =	vst v1;
	v0 =	vmov v9  }
0x35a: {  	v1 =	vld [tilespmem:s19+$0x12000];
	v5 =	vadd.f32 v5, v0;
	[tilespmem:s14+$0x10000] =	vst v2;
	s14 =	smov.u32 s20  }
0x35b: {  	v8 =	vld [tilespmem:s18+$0x2000]  }
0x35c: {  	v2 =	vadd.f32 v4, v3;
	v4 =	vld [tilespmem:s18+$0xC000];
	[tilespmem:s14+$0x12000] =	vst v5  }
0x35d: {  	v5 =	vadd.f32 v6, v3;
	v6 =	vld [tilespmem:s18+$0xE000]  }
0x35e: {  	[tilespmem:s19+$0xC000] =	vst v2;
	v2 =	vadd.f32 v7, v3;
	v7 =	vld [tilespmem:s18+$0x10000]  }
0x35f: {  	[tilespmem:s19+$0xE000] =	vst v5;
	v3 =	vadd.f32 v1, v3;
	v9 =	vld [tilespmem:s18+$0x12000]  }
.Ltmp15:
0x360: {  	[tilespmem:s19+$0x10000] =	vst v2;
	v1 =	vld [tilespmem:s17+$0x2000];
	(pc) =	sbr.rel @p0 .LBB2_33-.Ltmp15, $4  }
0x361: {  	[tilespmem:s19+$0x12000] =	vst v3;
	v2 =	vadd.f32 v4, v8;
	v5 =	vld [tilespmem:s17+$0xC000]  }
0x362: {  	v3 =	vadd.f32 v6, v8;
	v4 =	vld [tilespmem:s17+$0xE000]  }
0x363: {  	[tilespmem:s18+$0xC000] =	vst v2;
	v7 =	vadd.f32 v7, v8;
	v2 =	vld [tilespmem:s17+$0x10000]  }
0x364: {  	[tilespmem:s18+$0xE000] =	vst v3;
	v6 =	vadd.f32 v9, v8;
	v3 =	vld [tilespmem:s17+$0x12000]  }
0x365: {  	v8 =	vld [tilespmem:s14+$0xC000]  }
0x366: {  	[tilespmem:s18+$0x10000] =	vst v7;
	v58 =	vld [tilespmem:s14+$0xE000];
	v5 =	vadd.f32 v5, v1  }
0x367: {  	v59 =	vld [tilespmem:s14+$0x10000];
	[tilespmem:s18+$0x12000] =	vst v6;
	v4 =	vadd.f32 v4, v1  }
0x368: {  	[tilespmem:s17+$0xC000] =	vst v5;
	v2 =	vadd.f32 v2, v1  }
0x369: {  	[tilespmem:s17+$0xE000] =	vst v4;
	v60 =	vadd.f32 v3, v1  }
0x36a: {  	[tilespmem:s17+$0x10000] =	vst v2;
	v61 =	vadd.f32 v8, v0  }
0x36b: {  	v62 =	vadd.f32 v58, v0;
	[tilespmem:s17+$0x12000] =	vst v60  }
0x36c: {  	v63 =	vadd.f32 v59, v0;
	[tilespmem:s14+$0xC000] =	vst v61  }
0x36d: {  	[tilespmem:s14+$0xE000] =	vst v62  }
0x36e: {  	s0 =	sadd.s32 s4, s7;
	s1 =	sadd.s32 $0x1, s1;
	[tilespmem:s14+$0x10000] =	vst v63;
	s14 =	simm.s32 $0xC000  }
0x36f: {  	[hbm4b:s0+s5] =	stream.linear.scatter [tilespmem:s14], [sflag:$0x5], $0x2000, $0x38;
	[tilespmem:$0x14000] =	vst v63  }
0x370: {  	s22 =	sadd.s32 s4, s8;
	p0 =	sne.s32 s1, $0x10;
	s17 =	simm.s32 $0xE000  }
0x371: {  	[hbm4b:s22+s5] =	stream.linear.scatter [tilespmem:s17], [sflag:$0x5], $0x2000, $0x38;
	[tilespmem:$0x14000] =	vst v63  }
.Ltmp16:
0x372: {  	_ = 	snop;
	(pc) =	sbr.rel @p0 .LBB2_2-.Ltmp16, $4  }
0x373: {  	s24 =	sadd.s32 s4, s12;
	s18 =	simm.s32 $0x10000  }
0x374: {  	[hbm4b:s24+s5] =	stream.linear.scatter [tilespmem:s18], [sflag:$0x5], $0x2000, $0x38;
	[tilespmem:$0x14000] =	vst v63  }
0x375: {  	s25 =	sadd.s32 s4, s13  }
0x376: {  	[hbm4b:s25+s5] =	stream.linear.scatter [tilespmem:s28], [sflag:$0x5], $0x2000, $0x38;
	[tilespmem:$0x14000] =	vst v63  }
0x377: {  	_ =	swait.ge [sflag:s31], $0x2000  }
0x378: {  	[sflag:s31] =	ssyncset.done $0x0  }
0x379: {  	[sflag:s31] =	ssyncadd.s32 $0xFFFFE000  }
0x37a: {  	_ =	swait.ge [sflag:s31], $0x2000  }
0x37b: {  	[sflag:s31] =	ssyncset.done $0x0  }
0x37c: {  	[sflag:s31] =	ssyncadd.s32 $0xFFFFE000  }
0x37d: {  	_ =	swait.ge [sflag:s31], $0x2000  }
0x37e: {  	[sflag:s31] =	ssyncset.done $0x0  }
0x37f: {  	[sflag:s31] =	ssyncadd.s32 $0xFFFFE000  }
0x380: {  	_ =	swait.ge [sflag:s31], $0x2000  }
0x381: {  	s1 =	rddreg [dreg:$0xa]  }
0x382: {  	s0 =	rddreg [dreg:$0x9];
	s1 =	sadd.s32 $0x1, s1  }
0x383: {  	p0 =	sne.s32 s1, s0  }
.Ltmp17:
0x384: {  	_ = 	snop;
	(pc) =	sbr.rel @p0 .LBB2_1-.Ltmp17, $3  }
0x385: {  	_ =	sdelay $0x1  }
0x386: {  	[sflag:s31] =	ssyncset.done $0x0  }
0x387: {  	[sflag:s31] =	ssyncadd.s32 $0xFFFFE000  }
0x388: {  	_ =	sfence.sel $0x180000  }
0x389: {  	[bflag:$0x0] =	sbarrier.arrive $0xFFFF  }
0x38a: {  	_ =	strace $0x90000047  }
0x38b: {  	s0 =	stileid.u32;
	[bflag:$0x2] =	sbarrier.arrive $0xFFFF  }
0x38c: {  	p0 =	sne.s32 s0, $0x0;
	s0 =	rddreg [dreg:$0x3]  }
0x38d: {  	s0 =	sadd.s32 @!p0 $0x100000, s0  }
0x38e: {  	[sflag:s0] =	ssyncadd.tile.s32 @!p0 $0x1;
	_ =	shalt  }
.Lfunc_end2:
_tile_overlayer_lowered:
.L_overlay_start_2:
0x38f: {  	(tag) =	ssettag $0x2  }
0x390: {  	s0 =	rddreg [dreg:$0x0];
	s2 =	stileid.u32  }
0x391: {  	s1 =	rddreg [dreg:$0x1];
	p0 =	sne.s32 s2, $0x0  }
0x392: {  	s3 =	rddreg [dreg:$0x2];
	[bflag:$0x3] =	sbarrier.arrive $0xFFFF;
	s2 =	simm.s32 @!p0 $0x1C06  }
0x393: {  	[timem:s3], [sflag:s2] =	dma.local @!p0 [hbm:s0], s1  }
0x394: {  	s0 =	simm.s32 @!p0 $0x6  }
0x395: {  	_ =	swait.ge @!p0 [sflag:s0], s1  }
0x396: {  	s1 =	ssub.s32 @!p0 $0x0, s1;
	[sflag:s0] =	ssyncset.done @!p0 $0x0  }
0x397: {  	[sflag:s0] =	ssyncadd.s32 @!p0 s1  }
0x398: {  	[bflag:$0x3] =	sbarrier.arrive $0xFFFF  }
0x399: {  	_ =	shalt  }

</sc_bundles>
